<compile_context>
chip_gen: v7x
topology: tpu7x:2x2x1
jax: 0.10.2.dev20260603
libtpu: 0.0.44.dev20260713+nightly
codegen_flags: <defaults>
</compile_context>

<pallas_src>
import jax
import jax.numpy as jnp
from jax import lax
from jax.experimental import pallas as pl
from jax.experimental.pallas import tpu as pltpu
from jax.experimental.pallas import tpu_sc as plsc

VOCAB = 1000000
D = 32
B = 16384
P = 10
N = 50
CTX = P + N
LOGIT_COLS = 64

VB = 16384
TBLOCKS = -(-VOCAB // VB)
TROWS = TBLOCKS * VB

NC = 2
NS = 16
NW = NC * NS
B_PER_W = B // NW
NB = 32
CHUNKS = B_PER_W // NB
IDX_ROWS = NB * CTX // 128


def _transpose_body(x_ref, o_ref):
  x = x_ref[:]
  xx = jnp.concatenate(
      [x[:, 1024 * k:1024 * (k + 1)] for k in range(16)], axis=0)
  eye = jnp.eye(512, dtype=jnp.float32)
  y = lax.dot_general(xx, eye, (((0,), (0,)), ((), ())),
                      preferred_element_type=jnp.float32)
  for h in range(4):
    o_ref[1024 * h:1024 * (h + 1), :] = y[:, 128 * h:128 * (h + 1)]


def _to_linear_table(table):
  out = pl.pallas_call(
      _transpose_body,
      grid=(TBLOCKS,),
      in_specs=[pl.BlockSpec((D, VB), lambda i: (0, i))],
      out_specs=pl.BlockSpec((4096, 128), lambda i: (i, 0)),
      out_shape=jax.ShapeDtypeStruct((TBLOCKS * 4096, 128), jnp.float32),
  )(table.T)
  return out.reshape(TROWS, D)


def _remap_rows(v):
  return (v & ~4095) | ((v & 1023) << 2) | ((v >> 10) & 3)


def _sc_body(in_tbl, out_tbl, labels, ctx_idx, logits, cidx_v, lidx_v,
             rows_v, ctr_v, log_v, sems):
  wid = lax.axis_index("s") * NC + lax.axis_index("c")
  iota16 = lax.iota(jnp.int32, 16)
  col_idx = [jnp.full((16,), d, jnp.int32) for d in range(D)]
  mask3 = iota16 < (CTX - 48)

  def dma_list(buf):
    cps = [pltpu.make_async_copy(in_tbl.at[lidx_v.at[buf]],
                                 ctr_v.at[buf], sems.at[buf])]
    for j in range(IDX_ROWS):
      cps.append(
          pltpu.make_async_copy(out_tbl.at[cidx_v.at[buf, j]],
                                rows_v.at[buf, pl.ds(j * 128, 128)],
                                sems.at[buf]))
    return cps

  def stage(c, buf):
    blk = wid * CHUNKS + c
    b_base = pl.multiple_of(blk * NB, NB)
    row0 = pl.multiple_of(blk * IDX_ROWS, IDX_ROWS)
    pltpu.sync_copy(ctx_idx.at[pl.ds(row0, IDX_ROWS)], cidx_v.at[buf])
    pltpu.sync_copy(labels.at[pl.ds(b_base, NB)], lidx_v.at[buf])
    for cp in dma_list(buf):
      cp.start()

  stage(0, 0)

  def chunk_body(c, carry):
    cur = lax.rem(c, 2)
    nxt = 1 - cur

    @pl.when(c < CHUNKS - 1)
    def _():
      stage(c + 1, nxt)

    for cp in dma_list(cur):
      cp.wait()

    def b_body(bl, inner):
      base_pair = bl * CTX
      row0 = iota16 + base_pair
      row_idx = [row0 + g * 16 for g in range(LOGIT_COLS // 16)]
      accs = [jnp.zeros((16,), jnp.float32) for _ in range(LOGIT_COLS // 16)]
      ctr_half = [ctr_v[cur, bl, pl.ds(0, 16)], ctr_v[cur, bl, pl.ds(16, 16)]]
      buf_idx = jnp.full((16,), cur, jnp.int32)
      for d in range(D):
        s = ctr_half[d // 16][d % 16]
        for g in range(LOGIT_COLS // 16):
          m = mask3 if g == 3 else None
          v = plsc.load_gather(rows_v, [buf_idx, row_idx[g], col_idx[d]],
                               mask=m)
          accs[g] = accs[g] + v * s
      for g in range(LOGIT_COLS // 16):
        log_v[bl, pl.ds(g * 16, 16)] = accs[g]
      return inner

    lax.fori_loop(0, NB, b_body, 0)
    blk = wid * CHUNKS + c
    b_base = pl.multiple_of(blk * NB, NB)
    pltpu.sync_copy(log_v, logits.at[pl.ds(b_base, NB)])
    return carry

  lax.fori_loop(0, CHUNKS, chunk_body, 0)


def _sc_logits(in_tbl, out_tbl, labels, ctx_rows):
  mesh = plsc.VectorSubcoreMesh(core_axis_name="c", subcore_axis_name="s")
  kfn = pl.kernel(
      _sc_body,
      out_type=jax.ShapeDtypeStruct((B, LOGIT_COLS), jnp.float32),
      mesh=mesh,
      compiler_params=pltpu.CompilerParams(
          needs_layout_passes=False, use_tc_tiling_on_sc=False),
      scratch_types=[
          pltpu.VMEM((2, IDX_ROWS, 128), jnp.int32),
          pltpu.VMEM((2, NB), jnp.int32),
          pltpu.VMEM((2, NB * CTX, D), jnp.float32),
          pltpu.VMEM((2, NB, D), jnp.float32),
          pltpu.VMEM((NB, LOGIT_COLS), jnp.float32),
          pltpu.SemaphoreType.DMA((2,)),
      ],
  )
  return kfn(in_tbl, out_tbl, labels, ctx_rows)


def _tc_body(m_ref, o_ref):
  x = m_ref[:]
  col = lax.broadcasted_iota(jnp.int32, x.shape, 1)
  sign = jnp.where(col < P, 1.0, -1.0).astype(jnp.float32)
  w = jnp.where(col < P, 1.0 / P,
                jnp.where(col < CTX, 1.0 / N, 0.0)).astype(jnp.float32)
  z = x * sign
  ls = jnp.minimum(z, 0.0) - jnp.log1p(jnp.exp(-jnp.abs(z)))
  ls = jnp.where(col < CTX, ls, 0.0)
  o_ref[:] = -jnp.sum(ls * w, axis=1)


def kernel(input_labels, pos_labels, neg_labels, in_embed, out_embed):
  labels = _remap_rows(input_labels.astype(jnp.int32))
  ctx = _remap_rows(jnp.concatenate(
      [pos_labels.astype(jnp.int32), neg_labels.astype(jnp.int32)], axis=1))
  ctx_rows = ctx.reshape(B * CTX // 128, 128)

  in_tbl = _to_linear_table(in_embed)
  out_tbl = _to_linear_table(out_embed)

  logits = _sc_logits(in_tbl, out_tbl, labels, ctx_rows)

  return pl.pallas_call(
      _tc_body,
      out_shape=jax.ShapeDtypeStruct((B,), jnp.float32),
  )(logits)

# --- scband reference (transcript-rebuilt; emitter-appended) ---
"""Pipeline reference for scband-word2vec-model-15298673508784 (READ-ONLY COPY).

The authoritative reference and input builder live on the scoring server;
editing this copy changes nothing except your own understanding.
"""

import jax, jax.numpy as jnp
import numpy as np

VOCAB = 1000000
EMBED = 32
B = 16384
P = 10
N = 50

def setup_inputs(seed: int = 0) -> dict:
    key = jax.random.key(seed)
    k1, k2, k3, k4, k5 = jax.random.split(key, 5)
    initrange = 0.5 / EMBED
    return {
        "input_labels": jax.random.randint(k1, (B,), 0, VOCAB, dtype=jnp.int64) if jax.config.jax_enable_x64 else jax.random.randint(k1, (B,), 0, VOCAB).astype(jnp.int32),
        "pos_labels": jax.random.randint(k2, (B, P), 0, VOCAB).astype(jnp.int32),
        "neg_labels": jax.random.randint(k3, (B, N), 0, VOCAB).astype(jnp.int32),
        "in_embed": jax.random.uniform(k4, (VOCAB, EMBED), jnp.float32, -initrange, initrange),
        "out_embed": jax.random.uniform(k5, (VOCAB, EMBED), jnp.float32, -initrange, initrange),
    }

def reference(input_labels, pos_labels, neg_labels, in_embed, out_embed):
    # in_embed lookup for center words: [B, D]
    input_embedding = jnp.take(in_embed, input_labels, axis=0)
    # out_embed lookups for positive/negative context words
    pos_embedding = jnp.take(out_embed, pos_labels, axis=0)   # [B, P, D]
    neg_embedding = jnp.take(out_embed, neg_labels, axis=0)   # [B, N, D]
    # bmm(pos_embedding, input_embedding.unsqueeze(2)).squeeze() -> [B, P]
    log_pos = jnp.einsum('bpd,bd->bp', pos_embedding, input_embedding)
    # bmm(neg_embedding, -input_embedding.unsqueeze(2)).squeeze() -> [B, N]
    log_neg = jnp.einsum('bnd,bd->bn', neg_embedding, -input_embedding)
    lp = jax.nn.log_sigmoid(log_pos).sum(axis=1) / log_pos.shape[1]
    ln = jax.nn.log_sigmoid(log_neg).sum(axis=1) / log_neg.shape[1]
    loss = lp + ln
    return -loss

if __name__ == "__main__":
    import jax
    _d = setup_inputs()
    print(jax.jit(kernel)(*tuple(_d.values())))

</pallas_src>

<mosaic_0001>
#map = affine_map<(d0, d1) -> (0, 0)>
#map1 = affine_map<(d0, d1) -> (0)>
module attributes {stable_mosaic.version = 14 : i64} {
  func.func @_sc_body(%arg0: i32, %arg1: i32, %arg2: memref<1015808x32xf32, #tpu.memory_space<hbm>>, %arg3: memref<1015808x32xf32, #tpu.memory_space<hbm>>, %arg4: memref<16384xi32, #tpu.memory_space<hbm>>, %arg5: memref<7680x128xi32, #tpu.memory_space<hbm>>, %arg6: memref<16384x64xf32, #tpu.memory_space<hbm>>, %arg7: memref<2x15x128xi32, #tpu.memory_space<vmem>>, %arg8: memref<2x32xi32, #tpu.memory_space<vmem>>, %arg9: memref<2x1920x32xf32, #tpu.memory_space<vmem>>, %arg10: memref<2x32x32xf32, #tpu.memory_space<vmem>>, %arg11: memref<32x64xf32, #tpu.memory_space<vmem>>, %arg12: memref<2x!tpu.dma_semaphore, #tpu.memory_space<semaphore_mem>>) attributes {dimension_semantics = [#tpu.dimension_semantics<core_parallel>, #tpu.dimension_semantics<subcore_parallel>], iteration_bounds = array<i64: 2, 16>, scalar_prefetch = 0 : i64, scratch_operands = 6 : i64, tpu.core_type = #tpu.core_type<sc_vector_subcore>, window_params = [{transform_indices = #map}, {transform_indices = #map}, {transform_indices = #map1}, {transform_indices = #map}, {transform_indices = #map}]} {
    %mul3A = arith.constant 2 : i32
    %mul3A_0 = arith.muli %arg1, %mul3A : i32
    %add3A = arith.addi %mul3A_0, %arg0 : i32
    %iota3A = tpu.iota {dimensions = array<i32: 0>} : vector<16xi32>
    %broadcast_in_dim3A = arith.constant 0 : i32
    %broadcast_in_dim3A_1 = vector.broadcast %broadcast_in_dim3A : i32 to vector<16xi32>
    %broadcast_in_dim3A_2 = arith.constant 1 : i32
    %broadcast_in_dim3A_3 = vector.broadcast %broadcast_in_dim3A_2 : i32 to vector<16xi32>
    %broadcast_in_dim3A_4 = arith.constant 2 : i32
    %broadcast_in_dim3A_5 = vector.broadcast %broadcast_in_dim3A_4 : i32 to vector<16xi32>
    %broadcast_in_dim3A_6 = arith.constant 3 : i32
    %broadcast_in_dim3A_7 = vector.broadcast %broadcast_in_dim3A_6 : i32 to vector<16xi32>
    %broadcast_in_dim3A_8 = arith.constant 4 : i32
    %broadcast_in_dim3A_9 = vector.broadcast %broadcast_in_dim3A_8 : i32 to vector<16xi32>
    %broadcast_in_dim3A_10 = arith.constant 5 : i32
    %broadcast_in_dim3A_11 = vector.broadcast %broadcast_in_dim3A_10 : i32 to vector<16xi32>
    %broadcast_in_dim3A_12 = arith.constant 6 : i32
    %broadcast_in_dim3A_13 = vector.broadcast %broadcast_in_dim3A_12 : i32 to vector<16xi32>
    %broadcast_in_dim3A_14 = arith.constant 7 : i32
    %broadcast_in_dim3A_15 = vector.broadcast %broadcast_in_dim3A_14 : i32 to vector<16xi32>
    %broadcast_in_dim3A_16 = arith.constant 8 : i32
    %broadcast_in_dim3A_17 = vector.broadcast %broadcast_in_dim3A_16 : i32 to vector<16xi32>
    %broadcast_in_dim3A_18 = arith.constant 9 : i32
    %broadcast_in_dim3A_19 = vector.broadcast %broadcast_in_dim3A_18 : i32 to vector<16xi32>
    %broadcast_in_dim3A_20 = arith.constant 10 : i32
    %broadcast_in_dim3A_21 = vector.broadcast %broadcast_in_dim3A_20 : i32 to vector<16xi32>
    %broadcast_in_dim3A_22 = arith.constant 11 : i32
    %broadcast_in_dim3A_23 = vector.broadcast %broadcast_in_dim3A_22 : i32 to vector<16xi32>
    %broadcast_in_dim3A_24 = arith.constant 12 : i32
    %broadcast_in_dim3A_25 = vector.broadcast %broadcast_in_dim3A_24 : i32 to vector<16xi32>
    %broadcast_in_dim3A_26 = arith.constant 13 : i32
    %broadcast_in_dim3A_27 = vector.broadcast %broadcast_in_dim3A_26 : i32 to vector<16xi32>
    %broadcast_in_dim3A_28 = arith.constant 14 : i32
    %broadcast_in_dim3A_29 = vector.broadcast %broadcast_in_dim3A_28 : i32 to vector<16xi32>
    %broadcast_in_dim3A_30 = arith.constant 15 : i32
    %broadcast_in_dim3A_31 = vector.broadcast %broadcast_in_dim3A_30 : i32 to vector<16xi32>
    %broadcast_in_dim3A_32 = arith.constant 16 : i32
    %broadcast_in_dim3A_33 = vector.broadcast %broadcast_in_dim3A_32 : i32 to vector<16xi32>
    %broadcast_in_dim3A_34 = arith.constant 17 : i32
    %broadcast_in_dim3A_35 = vector.broadcast %broadcast_in_dim3A_34 : i32 to vector<16xi32>
    %broadcast_in_dim3A_36 = arith.constant 18 : i32
    %broadcast_in_dim3A_37 = vector.broadcast %broadcast_in_dim3A_36 : i32 to vector<16xi32>
    %broadcast_in_dim3A_38 = arith.constant 19 : i32
    %broadcast_in_dim3A_39 = vector.broadcast %broadcast_in_dim3A_38 : i32 to vector<16xi32>
    %broadcast_in_dim3A_40 = arith.constant 20 : i32
    %broadcast_in_dim3A_41 = vector.broadcast %broadcast_in_dim3A_40 : i32 to vector<16xi32>
    %broadcast_in_dim3A_42 = arith.constant 21 : i32
    %broadcast_in_dim3A_43 = vector.broadcast %broadcast_in_dim3A_42 : i32 to vector<16xi32>
    %broadcast_in_dim3A_44 = arith.constant 22 : i32
    %broadcast_in_dim3A_45 = vector.broadcast %broadcast_in_dim3A_44 : i32 to vector<16xi32>
    %broadcast_in_dim3A_46 = arith.constant 23 : i32
    %broadcast_in_dim3A_47 = vector.broadcast %broadcast_in_dim3A_46 : i32 to vector<16xi32>
    %broadcast_in_dim3A_48 = arith.constant 24 : i32
    %broadcast_in_dim3A_49 = vector.broadcast %broadcast_in_dim3A_48 : i32 to vector<16xi32>
    %broadcast_in_dim3A_50 = arith.constant 25 : i32
    %broadcast_in_dim3A_51 = vector.broadcast %broadcast_in_dim3A_50 : i32 to vector<16xi32>
    %broadcast_in_dim3A_52 = arith.constant 26 : i32
    %broadcast_in_dim3A_53 = vector.broadcast %broadcast_in_dim3A_52 : i32 to vector<16xi32>
    %broadcast_in_dim3A_54 = arith.constant 27 : i32
    %broadcast_in_dim3A_55 = vector.broadcast %broadcast_in_dim3A_54 : i32 to vector<16xi32>
    %broadcast_in_dim3A_56 = arith.constant 28 : i32
    %broadcast_in_dim3A_57 = vector.broadcast %broadcast_in_dim3A_56 : i32 to vector<16xi32>
    %broadcast_in_dim3A_58 = arith.constant 29 : i32
    %broadcast_in_dim3A_59 = vector.broadcast %broadcast_in_dim3A_58 : i32 to vector<16xi32>
    %broadcast_in_dim3A_60 = arith.constant 30 : i32
    %broadcast_in_dim3A_61 = vector.broadcast %broadcast_in_dim3A_60 : i32 to vector<16xi32>
    %broadcast_in_dim3A_62 = arith.constant 31 : i32
    %broadcast_in_dim3A_63 = vector.broadcast %broadcast_in_dim3A_62 : i32 to vector<16xi32>
    %lt3A = arith.constant 12 : i32
    %lt3A_64 = vector.broadcast %lt3A : i32 to vector<16xi32>
    %lt3A_65 = arith.cmpi slt, %iota3A, %lt3A_64 : vector<16xi32>
    %mul3A_66 = arith.constant 16 : i32
    %mul3A_67 = arith.muli %add3A, %mul3A_66 : i32
    %add3A_68 = arith.constant 0 : i32
    %add3A_69 = arith.addi %mul3A_67, %add3A_68 : i32
    %mul3A_70 = arith.constant 32 : i32
    %mul3A_71 = arith.muli %add3A_69, %mul3A_70 : i32
    %multiple_of3A = tpu.assume_multiple %mul3A_71, 32 : i32
    %mul3A_72 = arith.constant 15 : i32
    %mul3A_73 = arith.muli %add3A_69, %mul3A_72 : i32
    %multiple_of3A_74 = tpu.assume_multiple %mul3A_73, 15 : i32
    %run_scoped3A = arith.constant 0 : i32
    "tpu.region"() ({
      %run_scoped3A_335 = tpu.sem_alloc : memref<!tpu.dma_semaphore, #tpu.memory_space<semaphore_mem>>
      %dma_start3A_336 = arith.constant 0 : i32
      %dma_start3A_337 = arith.constant 0 : i32
      %dma_start3A_338 = tpu.memref_slice %arg7[%run_scoped3A, %dma_start3A_336, %dma_start3A_337] : memref<2x15x128xi32, #tpu.memory_space<vmem>> -> memref<1x15x128xi32, #tpu.memory_space<vmem>>
      %dma_start3A_339 = tpu.memref_squeeze %dma_start3A_338 : memref<1x15x128xi32, #tpu.memory_space<vmem>> -> memref<15x128xi32, #tpu.memory_space<vmem>>
      %dma_start3A_340 = arith.constant 0 : i32
      %dma_start3A_341 = tpu.memref_slice %arg5[%multiple_of3A_74, %dma_start3A_340] : memref<7680x128xi32, #tpu.memory_space<hbm>> -> memref<15x128xi32, #tpu.memory_space<hbm>>
      %dma_start3A_342 = arith.constant 0 : i32
      %dma_start3A_343 = arith.constant 0 : i32
      %dma_start3A_344 = tpu.memref_slice %arg7[%run_scoped3A, %dma_start3A_342, %dma_start3A_343] : memref<2x15x128xi32, #tpu.memory_space<vmem>> -> memref<1x15x128xi32, #tpu.memory_space<vmem>>
      %dma_start3A_345 = tpu.memref_squeeze %dma_start3A_344 : memref<1x15x128xi32, #tpu.memory_space<vmem>> -> memref<15x128xi32, #tpu.memory_space<vmem>>
      %dma_start3A_346 = arith.constant 0 : i32
      %dma_start3A_347 = tpu.memref_slice %arg5[%multiple_of3A_74, %dma_start3A_346] : memref<7680x128xi32, #tpu.memory_space<hbm>> -> memref<15x128xi32, #tpu.memory_space<hbm>>
      tpu.enqueue_dma source(%dma_start3A_347 : memref<15x128xi32, #tpu.memory_space<hbm>>) target(%dma_start3A_345 : memref<15x128xi32, #tpu.memory_space<vmem>>) target_semaphore(%run_scoped3A_335 : memref<!tpu.dma_semaphore, #tpu.memory_space<semaphore_mem>>)
      %dma_wait3A = arith.constant 0 : i32
      %dma_wait3A_348 = arith.constant 0 : i32
      %dma_wait3A_349 = tpu.memref_slice %arg7[%run_scoped3A, %dma_wait3A, %dma_wait3A_348] : memref<2x15x128xi32, #tpu.memory_space<vmem>> -> memref<1x15x128xi32, #tpu.memory_space<vmem>>
      %dma_wait3A_350 = tpu.memref_squeeze %dma_wait3A_349 : memref<1x15x128xi32, #tpu.memory_space<vmem>> -> memref<15x128xi32, #tpu.memory_space<vmem>>
      %dma_wait3A_351 = arith.constant 0 : i32
      %dma_wait3A_352 = tpu.memref_slice %arg5[%multiple_of3A_74, %dma_wait3A_351] : memref<7680x128xi32, #tpu.memory_space<hbm>> -> memref<15x128xi32, #tpu.memory_space<hbm>>
      %dma_wait3A_353 = arith.constant 0 : i32
      %dma_wait3A_354 = arith.constant 0 : i32
      %dma_wait3A_355 = tpu.memref_slice %arg7[%run_scoped3A, %dma_wait3A_353, %dma_wait3A_354] : memref<2x15x128xi32, #tpu.memory_space<vmem>> -> memref<1x15x128xi32, #tpu.memory_space<vmem>>
      %dma_wait3A_356 = tpu.memref_squeeze %dma_wait3A_355 : memref<1x15x128xi32, #tpu.memory_space<vmem>> -> memref<15x128xi32, #tpu.memory_space<vmem>>
      %dma_wait3A_357 = arith.constant 0 : i32
      %dma_wait3A_358 = tpu.memref_slice %arg5[%multiple_of3A_74, %dma_wait3A_357] : memref<7680x128xi32, #tpu.memory_space<hbm>> -> memref<15x128xi32, #tpu.memory_space<hbm>>
      tpu.wait_dma2 semaphore(%run_scoped3A_335 : memref<!tpu.dma_semaphore, #tpu.memory_space<semaphore_mem>>) src(%dma_wait3A_358 : memref<15x128xi32, #tpu.memory_space<hbm>>) dst(%dma_wait3A_356 : memref<15x128xi32, #tpu.memory_space<vmem>>)
      tpu.yield
    }) : () -> ()
    %run_scoped3A_75 = arith.constant 0 : i32
    "tpu.region"() ({
      %run_scoped3A_335 = tpu.sem_alloc : memref<!tpu.dma_semaphore, #tpu.memory_space<semaphore_mem>>
      %dma_start3A_336 = arith.constant 0 : i32
      %dma_start3A_337 = tpu.memref_slice %arg8[%run_scoped3A_75, %dma_start3A_336] : memref<2x32xi32, #tpu.memory_space<vmem>> -> memref<1x32xi32, #tpu.memory_space<vmem>>
      %dma_start3A_338 = tpu.memref_squeeze %dma_start3A_337 : memref<1x32xi32, #tpu.memory_space<vmem>> -> memref<32xi32, #tpu.memory_space<vmem>>
      %dma_start3A_339 = tpu.memref_slice %arg4[%multiple_of3A] : memref<16384xi32, #tpu.memory_space<hbm>> -> memref<32xi32, #tpu.memory_space<hbm>>
      %dma_start3A_340 = arith.constant 0 : i32
      %dma_start3A_341 = tpu.memref_slice %arg8[%run_scoped3A_75, %dma_start3A_340] : memref<2x32xi32, #tpu.memory_space<vmem>> -> memref<1x32xi32, #tpu.memory_space<vmem>>
      %dma_start3A_342 = tpu.memref_squeeze %dma_start3A_341 : memref<1x32xi32, #tpu.memory_space<vmem>> -> memref<32xi32, #tpu.memory_space<vmem>>
      %dma_start3A_343 = tpu.memref_slice %arg4[%multiple_of3A] : memref<16384xi32, #tpu.memory_space<hbm>> -> memref<32xi32, #tpu.memory_space<hbm>>
      tpu.enqueue_dma source(%dma_start3A_343 : memref<32xi32, #tpu.memory_space<hbm>>) target(%dma_start3A_342 : memref<32xi32, #tpu.memory_space<vmem>>) target_semaphore(%run_scoped3A_335 : memref<!tpu.dma_semaphore, #tpu.memory_space<semaphore_mem>>)
      %dma_wait3A = arith.constant 0 : i32
      %dma_wait3A_344 = tpu.memref_slice %arg8[%run_scoped3A_75, %dma_wait3A] : memref<2x32xi32, #tpu.memory_space<vmem>> -> memref<1x32xi32, #tpu.memory_space<vmem>>
      %dma_wait3A_345 = tpu.memref_squeeze %dma_wait3A_344 : memref<1x32xi32, #tpu.memory_space<vmem>> -> memref<32xi32, #tpu.memory_space<vmem>>
      %dma_wait3A_346 = tpu.memref_slice %arg4[%multiple_of3A] : memref<16384xi32, #tpu.memory_space<hbm>> -> memref<32xi32, #tpu.memory_space<hbm>>
      %dma_wait3A_347 = arith.constant 0 : i32
      %dma_wait3A_348 = tpu.memref_slice %arg8[%run_scoped3A_75, %dma_wait3A_347] : memref<2x32xi32, #tpu.memory_space<vmem>> -> memref<1x32xi32, #tpu.memory_space<vmem>>
      %dma_wait3A_349 = tpu.memref_squeeze %dma_wait3A_348 : memref<1x32xi32, #tpu.memory_space<vmem>> -> memref<32xi32, #tpu.memory_space<vmem>>
      %dma_wait3A_350 = tpu.memref_slice %arg4[%multiple_of3A] : memref<16384xi32, #tpu.memory_space<hbm>> -> memref<32xi32, #tpu.memory_space<hbm>>
      tpu.wait_dma2 semaphore(%run_scoped3A_335 : memref<!tpu.dma_semaphore, #tpu.memory_space<semaphore_mem>>) src(%dma_wait3A_350 : memref<32xi32, #tpu.memory_space<hbm>>) dst(%dma_wait3A_349 : memref<32xi32, #tpu.memory_space<vmem>>)
      tpu.yield
    }) : () -> ()
    %dma_start3A = arith.constant 0 : i32
    %dma_start3A_76 = arith.constant 0 : i32
    %dma_start3A_77 = arith.constant 0 : i32
    %dma_start3A_78 = arith.constant 0 : i32
    %dma_start3A_79 = arith.constant 0 : i32
    %dma_start3A_80 = tpu.memref_slice %arg10[%dma_start3A_76, %dma_start3A_78, %dma_start3A_79] : memref<2x32x32xf32, #tpu.memory_space<vmem>> -> memref<1x32x32xf32, #tpu.memory_space<vmem>>
    %dma_start3A_81 = tpu.memref_squeeze %dma_start3A_80 : memref<1x32x32xf32, #tpu.memory_space<vmem>> -> memref<32x32xf32, #tpu.memory_space<vmem>>
    %dma_start3A_82 = arith.constant 0 : i32
    %dma_start3A_83 = tpu.memref_slice %arg8[%dma_start3A, %dma_start3A_82] : memref<2x32xi32, #tpu.memory_space<vmem>> -> memref<1x32xi32, #tpu.memory_space<vmem>>
    %dma_start3A_84 = tpu.memref_squeeze %dma_start3A_83 : memref<1x32xi32, #tpu.memory_space<vmem>> -> memref<32xi32, #tpu.memory_space<vmem>>
    %dma_start3A_85 = arith.constant 0 : i32
    %dma_start3A_86 = arith.constant 0 : i32
    %dma_start3A_87 = tpu.memref_slice %arg2[%dma_start3A_85, %dma_start3A_86] : memref<1015808x32xf32, #tpu.memory_space<hbm>> -> memref<1015808x32xf32, #tpu.memory_space<hbm>>
    %dma_start3A_88 = tpu.memref_slice %arg12[%dma_start3A_77] : memref<2x!tpu.dma_semaphore, #tpu.memory_space<semaphore_mem>> -> memref<1x!tpu.dma_semaphore, #tpu.memory_space<semaphore_mem>>
    %dma_start3A_89 = tpu.memref_squeeze %dma_start3A_88 : memref<1x!tpu.dma_semaphore, #tpu.memory_space<semaphore_mem>> -> memref<!tpu.dma_semaphore, #tpu.memory_space<semaphore_mem>>
    tpu.enqueue_indirect_dma source(%dma_start3A_87 : memref<1015808x32xf32, #tpu.memory_space<hbm>>) target(%dma_start3A_81 : memref<32x32xf32, #tpu.memory_space<vmem>>) offsets(%dma_start3A_84 : memref<32xi32, #tpu.memory_space<vmem>>) semaphore(%dma_start3A_89 : memref<!tpu.dma_semaphore, #tpu.memory_space<semaphore_mem>>)
    %dma_start3A_90 = arith.constant 0 : i32
    %dma_start3A_91 = arith.constant 0 : i32
    %dma_start3A_92 = arith.constant 0 : i32
    %dma_start3A_93 = arith.constant 0 : i32
    %dma_start3A_94 = arith.constant 0 : i32
    %dma_start3A_95 = arith.constant 0 : i32
    %dma_start3A_96 = tpu.memref_slice %arg9[%dma_start3A_92, %dma_start3A_94, %dma_start3A_95] : memref<2x1920x32xf32, #tpu.memory_space<vmem>> -> memref<1x128x32xf32, #tpu.memory_space<vmem>>
    %dma_start3A_97 = tpu.memref_squeeze %dma_start3A_96 : memref<1x128x32xf32, #tpu.memory_space<vmem>> -> memref<128x32xf32, #tpu.memory_space<vmem>>
    %dma_start3A_98 = arith.constant 0 : i32
    %dma_start3A_99 = tpu.memref_slice %arg7[%dma_start3A_90, %dma_start3A_91, %dma_start3A_98] : memref<2x15x128xi32, #tpu.memory_space<vmem>> -> memref<1x1x128xi32, #tpu.memory_space<vmem>>
    %dma_start3A_100 = tpu.memref_squeeze %dma_start3A_99 : memref<1x1x128xi32, #tpu.memory_space<vmem>> -> memref<128xi32, #tpu.memory_space<vmem>>
    %dma_start3A_101 = arith.constant 0 : i32
    %dma_start3A_102 = arith.constant 0 : i32
    %dma_start3A_103 = tpu.memref_slice %arg3[%dma_start3A_101, %dma_start3A_102] : memref<1015808x32xf32, #tpu.memory_space<hbm>> -> memref<1015808x32xf32, #tpu.memory_space<hbm>>
    %dma_start3A_104 = tpu.memref_slice %arg12[%dma_start3A_93] : memref<2x!tpu.dma_semaphore, #tpu.memory_space<semaphore_mem>> -> memref<1x!tpu.dma_semaphore, #tpu.memory_space<semaphore_mem>>
    %dma_start3A_105 = tpu.memref_squeeze %dma_start3A_104 : memref<1x!tpu.dma_semaphore, #tpu.memory_space<semaphore_mem>> -> memref<!tpu.dma_semaphore, #tpu.memory_space<semaphore_mem>>
    tpu.enqueue_indirect_dma source(%dma_start3A_103 : memref<1015808x32xf32, #tpu.memory_space<hbm>>) target(%dma_start3A_97 : memref<128x32xf32, #tpu.memory_space<vmem>>) offsets(%dma_start3A_100 : memref<128xi32, #tpu.memory_space<vmem>>) semaphore(%dma_start3A_105 : memref<!tpu.dma_semaphore, #tpu.memory_space<semaphore_mem>>)
    %dma_start3A_106 = arith.constant 0 : i32
    %dma_start3A_107 = arith.constant 1 : i32
    %dma_start3A_108 = arith.constant 0 : i32
    %dma_start3A_109 = arith.constant 0 : i32
    %dma_start3A_110 = arith.constant 128 : i32
    %dma_start3A_111 = arith.constant 0 : i32
    %dma_start3A_112 = tpu.memref_slice %arg9[%dma_start3A_108, %dma_start3A_110, %dma_start3A_111] : memref<2x1920x32xf32, #tpu.memory_space<vmem>> -> memref<1x128x32xf32, #tpu.memory_space<vmem>>
    %dma_start3A_113 = tpu.memref_squeeze %dma_start3A_112 : memref<1x128x32xf32, #tpu.memory_space<vmem>> -> memref<128x32xf32, #tpu.memory_space<vmem>>
    %dma_start3A_114 = arith.constant 0 : i32
    %dma_start3A_115 = tpu.memref_slice %arg7[%dma_start3A_106, %dma_start3A_107, %dma_start3A_114] : memref<2x15x128xi32, #tpu.memory_space<vmem>> -> memref<1x1x128xi32, #tpu.memory_space<vmem>>
    %dma_start3A_116 = tpu.memref_squeeze %dma_start3A_115 : memref<1x1x128xi32, #tpu.memory_space<vmem>> -> memref<128xi32, #tpu.memory_space<vmem>>
    %dma_start3A_117 = arith.constant 0 : i32
    %dma_start3A_118 = arith.constant 0 : i32
    %dma_start3A_119 = tpu.memref_slice %arg3[%dma_start3A_117, %dma_start3A_118] : memref<1015808x32xf32, #tpu.memory_space<hbm>> -> memref<1015808x32xf32, #tpu.memory_space<hbm>>
    %dma_start3A_120 = tpu.memref_slice %arg12[%dma_start3A_109] : memref<2x!tpu.dma_semaphore, #tpu.memory_space<semaphore_mem>> -> memref<1x!tpu.dma_semaphore, #tpu.memory_space<semaphore_mem>>
    %dma_start3A_121 = tpu.memref_squeeze %dma_start3A_120 : memref<1x!tpu.dma_semaphore, #tpu.memory_space<semaphore_mem>> -> memref<!tpu.dma_semaphore, #tpu.memory_space<semaphore_mem>>
    tpu.enqueue_indirect_dma source(%dma_start3A_119 : memref<1015808x32xf32, #tpu.memory_space<hbm>>) target(%dma_start3A_113 : memref<128x32xf32, #tpu.memory_space<vmem>>) offsets(%dma_start3A_116 : memref<128xi32, #tpu.memory_space<vmem>>) semaphore(%dma_start3A_121 : memref<!tpu.dma_semaphore, #tpu.memory_space<semaphore_mem>>)
    %dma_start3A_122 = arith.constant 0 : i32
    %dma_start3A_123 = arith.constant 2 : i32
    %dma_start3A_124 = arith.constant 0 : i32
    %dma_start3A_125 = arith.constant 0 : i32
    %dma_start3A_126 = arith.constant 256 : i32
    %dma_start3A_127 = arith.constant 0 : i32
    %dma_start3A_128 = tpu.memref_slice %arg9[%dma_start3A_124, %dma_start3A_126, %dma_start3A_127] : memref<2x1920x32xf32, #tpu.memory_space<vmem>> -> memref<1x128x32xf32, #tpu.memory_space<vmem>>
    %dma_start3A_129 = tpu.memref_squeeze %dma_start3A_128 : memref<1x128x32xf32, #tpu.memory_space<vmem>> -> memref<128x32xf32, #tpu.memory_space<vmem>>
    %dma_start3A_130 = arith.constant 0 : i32
    %dma_start3A_131 = tpu.memref_slice %arg7[%dma_start3A_122, %dma_start3A_123, %dma_start3A_130] : memref<2x15x128xi32, #tpu.memory_space<vmem>> -> memref<1x1x128xi32, #tpu.memory_space<vmem>>
    %dma_start3A_132 = tpu.memref_squeeze %dma_start3A_131 : memref<1x1x128xi32, #tpu.memory_space<vmem>> -> memref<128xi32, #tpu.memory_space<vmem>>
    %dma_start3A_133 = arith.constant 0 : i32
    %dma_start3A_134 = arith.constant 0 : i32
    %dma_start3A_135 = tpu.memref_slice %arg3[%dma_start3A_133, %dma_start3A_134] : memref<1015808x32xf32, #tpu.memory_space<hbm>> -> memref<1015808x32xf32, #tpu.memory_space<hbm>>
    %dma_start3A_136 = tpu.memref_slice %arg12[%dma_start3A_125] : memref<2x!tpu.dma_semaphore, #tpu.memory_space<semaphore_mem>> -> memref<1x!tpu.dma_semaphore, #tpu.memory_space<semaphore_mem>>
    %dma_start3A_137 = tpu.memref_squeeze %dma_start3A_136 : memref<1x!tpu.dma_semaphore, #tpu.memory_space<semaphore_mem>> -> memref<!tpu.dma_semaphore, #tpu.memory_space<semaphore_mem>>
    tpu.enqueue_indirect_dma source(%dma_start3A_135 : memref<1015808x32xf32, #tpu.memory_space<hbm>>) target(%dma_start3A_129 : memref<128x32xf32, #tpu.memory_space<vmem>>) offsets(%dma_start3A_132 : memref<128xi32, #tpu.memory_space<vmem>>) semaphore(%dma_start3A_137 : memref<!tpu.dma_semaphore, #tpu.memory_space<semaphore_mem>>)
    %dma_start3A_138 = arith.constant 0 : i32
    %dma_start3A_139 = arith.constant 3 : i32
    %dma_start3A_140 = arith.constant 0 : i32
    %dma_start3A_141 = arith.constant 0 : i32
    %dma_start3A_142 = arith.constant 384 : i32
    %dma_start3A_143 = arith.constant 0 : i32
    %dma_start3A_144 = tpu.memref_slice %arg9[%dma_start3A_140, %dma_start3A_142, %dma_start3A_143] : memref<2x1920x32xf32, #tpu.memory_space<vmem>> -> memref<1x128x32xf32, #tpu.memory_space<vmem>>
    %dma_start3A_145 = tpu.memref_squeeze %dma_start3A_144 : memref<1x128x32xf32, #tpu.memory_space<vmem>> -> memref<128x32xf32, #tpu.memory_space<vmem>>
    %dma_start3A_146 = arith.constant 0 : i32
    %dma_start3A_147 = tpu.memref_slice %arg7[%dma_start3A_138, %dma_start3A_139, %dma_start3A_146] : memref<2x15x128xi32, #tpu.memory_space<vmem>> -> memref<1x1x128xi32, #tpu.memory_space<vmem>>
    %dma_start3A_148 = tpu.memref_squeeze %dma_start3A_147 : memref<1x1x128xi32, #tpu.memory_space<vmem>> -> memref<128xi32, #tpu.memory_space<vmem>>
    %dma_start3A_149 = arith.constant 0 : i32
    %dma_start3A_150 = arith.constant 0 : i32
    %dma_start3A_151 = tpu.memref_slice %arg3[%dma_start3A_149, %dma_start3A_150] : memref<1015808x32xf32, #tpu.memory_space<hbm>> -> memref<1015808x32xf32, #tpu.memory_space<hbm>>
    %dma_start3A_152 = tpu.memref_slice %arg12[%dma_start3A_141] : memref<2x!tpu.dma_semaphore, #tpu.memory_space<semaphore_mem>> -> memref<1x!tpu.dma_semaphore, #tpu.memory_space<semaphore_mem>>
    %dma_start3A_153 = tpu.memref_squeeze %dma_start3A_152 : memref<1x!tpu.dma_semaphore, #tpu.memory_space<semaphore_mem>> -> memref<!tpu.dma_semaphore, #tpu.memory_space<semaphore_mem>>
    tpu.enqueue_indirect_dma source(%dma_start3A_151 : memref<1015808x32xf32, #tpu.memory_space<hbm>>) target(%dma_start3A_145 : memref<128x32xf32, #tpu.memory_space<vmem>>) offsets(%dma_start3A_148 : memref<128xi32, #tpu.memory_space<vmem>>) semaphore(%dma_start3A_153 : memref<!tpu.dma_semaphore, #tpu.memory_space<semaphore_mem>>)
    %dma_start3A_154 = arith.constant 0 : i32
    %dma_start3A_155 = arith.constant 4 : i32
    %dma_start3A_156 = arith.constant 0 : i32
    %dma_start3A_157 = arith.constant 0 : i32
    %dma_start3A_158 = arith.constant 512 : i32
    %dma_start3A_159 = arith.constant 0 : i32
    %dma_start3A_160 = tpu.memref_slice %arg9[%dma_start3A_156, %dma_start3A_158, %dma_start3A_159] : memref<2x1920x32xf32, #tpu.memory_space<vmem>> -> memref<1x128x32xf32, #tpu.memory_space<vmem>>
    %dma_start3A_161 = tpu.memref_squeeze %dma_start3A_160 : memref<1x128x32xf32, #tpu.memory_space<vmem>> -> memref<128x32xf32, #tpu.memory_space<vmem>>
    %dma_start3A_162 = arith.constant 0 : i32
    %dma_start3A_163 = tpu.memref_slice %arg7[%dma_start3A_154, %dma_start3A_155, %dma_start3A_162] : memref<2x15x128xi32, #tpu.memory_space<vmem>> -> memref<1x1x128xi32, #tpu.memory_space<vmem>>
    %dma_start3A_164 = tpu.memref_squeeze %dma_start3A_163 : memref<1x1x128xi32, #tpu.memory_space<vmem>> -> memref<128xi32, #tpu.memory_space<vmem>>
    %dma_start3A_165 = arith.constant 0 : i32
    %dma_start3A_166 = arith.constant 0 : i32
    %dma_start3A_167 = tpu.memref_slice %arg3[%dma_start3A_165, %dma_start3A_166] : memref<1015808x32xf32, #tpu.memory_space<hbm>> -> memref<1015808x32xf32, #tpu.memory_space<hbm>>
    %dma_start3A_168 = tpu.memref_slice %arg12[%dma_start3A_157] : memref<2x!tpu.dma_semaphore, #tpu.memory_space<semaphore_mem>> -> memref<1x!tpu.dma_semaphore, #tpu.memory_space<semaphore_mem>>
    %dma_start3A_169 = tpu.memref_squeeze %dma_start3A_168 : memref<1x!tpu.dma_semaphore, #tpu.memory_space<semaphore_mem>> -> memref<!tpu.dma_semaphore, #tpu.memory_space<semaphore_mem>>
    tpu.enqueue_indirect_dma source(%dma_start3A_167 : memref<1015808x32xf32, #tpu.memory_space<hbm>>) target(%dma_start3A_161 : memref<128x32xf32, #tpu.memory_space<vmem>>) offsets(%dma_start3A_164 : memref<128xi32, #tpu.memory_space<vmem>>) semaphore(%dma_start3A_169 : memref<!tpu.dma_semaphore, #tpu.memory_space<semaphore_mem>>)
    %dma_start3A_170 = arith.constant 0 : i32
    %dma_start3A_171 = arith.constant 5 : i32
    %dma_start3A_172 = arith.constant 0 : i32
    %dma_start3A_173 = arith.constant 0 : i32
    %dma_start3A_174 = arith.constant 640 : i32
    %dma_start3A_175 = arith.constant 0 : i32
    %dma_start3A_176 = tpu.memref_slice %arg9[%dma_start3A_172, %dma_start3A_174, %dma_start3A_175] : memref<2x1920x32xf32, #tpu.memory_space<vmem>> -> memref<1x128x32xf32, #tpu.memory_space<vmem>>
    %dma_start3A_177 = tpu.memref_squeeze %dma_start3A_176 : memref<1x128x32xf32, #tpu.memory_space<vmem>> -> memref<128x32xf32, #tpu.memory_space<vmem>>
    %dma_start3A_178 = arith.constant 0 : i32
    %dma_start3A_179 = tpu.memref_slice %arg7[%dma_start3A_170, %dma_start3A_171, %dma_start3A_178] : memref<2x15x128xi32, #tpu.memory_space<vmem>> -> memref<1x1x128xi32, #tpu.memory_space<vmem>>
    %dma_start3A_180 = tpu.memref_squeeze %dma_start3A_179 : memref<1x1x128xi32, #tpu.memory_space<vmem>> -> memref<128xi32, #tpu.memory_space<vmem>>
    %dma_start3A_181 = arith.constant 0 : i32
    %dma_start3A_182 = arith.constant 0 : i32
    %dma_start3A_183 = tpu.memref_slice %arg3[%dma_start3A_181, %dma_start3A_182] : memref<1015808x32xf32, #tpu.memory_space<hbm>> -> memref<1015808x32xf32, #tpu.memory_space<hbm>>
    %dma_start3A_184 = tpu.memref_slice %arg12[%dma_start3A_173] : memref<2x!tpu.dma_semaphore, #tpu.memory_space<semaphore_mem>> -> memref<1x!tpu.dma_semaphore, #tpu.memory_space<semaphore_mem>>
    %dma_start3A_185 = tpu.memref_squeeze %dma_start3A_184 : memref<1x!tpu.dma_semaphore, #tpu.memory_space<semaphore_mem>> -> memref<!tpu.dma_semaphore, #tpu.memory_space<semaphore_mem>>
    tpu.enqueue_indirect_dma source(%dma_start3A_183 : memref<1015808x32xf32, #tpu.memory_space<hbm>>) target(%dma_start3A_177 : memref<128x32xf32, #tpu.memory_space<vmem>>) offsets(%dma_start3A_180 : memref<128xi32, #tpu.memory_space<vmem>>) semaphore(%dma_start3A_185 : memref<!tpu.dma_semaphore, #tpu.memory_space<semaphore_mem>>)
    %dma_start3A_186 = arith.constant 0 : i32
    %dma_start3A_187 = arith.constant 6 : i32
    %dma_start3A_188 = arith.constant 0 : i32
    %dma_start3A_189 = arith.constant 0 : i32
    %dma_start3A_190 = arith.constant 768 : i32
    %dma_start3A_191 = arith.constant 0 : i32
    %dma_start3A_192 = tpu.memref_slice %arg9[%dma_start3A_188, %dma_start3A_190, %dma_start3A_191] : memref<2x1920x32xf32, #tpu.memory_space<vmem>> -> memref<1x128x32xf32, #tpu.memory_space<vmem>>
    %dma_start3A_193 = tpu.memref_squeeze %dma_start3A_192 : memref<1x128x32xf32, #tpu.memory_space<vmem>> -> memref<128x32xf32, #tpu.memory_space<vmem>>
    %dma_start3A_194 = arith.constant 0 : i32
    %dma_start3A_195 = tpu.memref_slice %arg7[%dma_start3A_186, %dma_start3A_187, %dma_start3A_194] : memref<2x15x128xi32, #tpu.memory_space<vmem>> -> memref<1x1x128xi32, #tpu.memory_space<vmem>>
    %dma_start3A_196 = tpu.memref_squeeze %dma_start3A_195 : memref<1x1x128xi32, #tpu.memory_space<vmem>> -> memref<128xi32, #tpu.memory_space<vmem>>
    %dma_start3A_197 = arith.constant 0 : i32
    %dma_start3A_198 = arith.constant 0 : i32
    %dma_start3A_199 = tpu.memref_slice %arg3[%dma_start3A_197, %dma_start3A_198] : memref<1015808x32xf32, #tpu.memory_space<hbm>> -> memref<1015808x32xf32, #tpu.memory_space<hbm>>
    %dma_start3A_200 = tpu.memref_slice %arg12[%dma_start3A_189] : memref<2x!tpu.dma_semaphore, #tpu.memory_space<semaphore_mem>> -> memref<1x!tpu.dma_semaphore, #tpu.memory_space<semaphore_mem>>
    %dma_start3A_201 = tpu.memref_squeeze %dma_start3A_200 : memref<1x!tpu.dma_semaphore, #tpu.memory_space<semaphore_mem>> -> memref<!tpu.dma_semaphore, #tpu.memory_space<semaphore_mem>>
    tpu.enqueue_indirect_dma source(%dma_start3A_199 : memref<1015808x32xf32, #tpu.memory_space<hbm>>) target(%dma_start3A_193 : memref<128x32xf32, #tpu.memory_space<vmem>>) offsets(%dma_start3A_196 : memref<128xi32, #tpu.memory_space<vmem>>) semaphore(%dma_start3A_201 : memref<!tpu.dma_semaphore, #tpu.memory_space<semaphore_mem>>)
    %dma_start3A_202 = arith.constant 0 : i32
    %dma_start3A_203 = arith.constant 7 : i32
    %dma_start3A_204 = arith.constant 0 : i32
    %dma_start3A_205 = arith.constant 0 : i32
    %dma_start3A_206 = arith.constant 896 : i32
    %dma_start3A_207 = arith.constant 0 : i32
    %dma_start3A_208 = tpu.memref_slice %arg9[%dma_start3A_204, %dma_start3A_206, %dma_start3A_207] : memref<2x1920x32xf32, #tpu.memory_space<vmem>> -> memref<1x128x32xf32, #tpu.memory_space<vmem>>
    %dma_start3A_209 = tpu.memref_squeeze %dma_start3A_208 : memref<1x128x32xf32, #tpu.memory_space<vmem>> -> memref<128x32xf32, #tpu.memory_space<vmem>>
    %dma_start3A_210 = arith.constant 0 : i32
    %dma_start3A_211 = tpu.memref_slice %arg7[%dma_start3A_202, %dma_start3A_203, %dma_start3A_210] : memref<2x15x128xi32, #tpu.memory_space<vmem>> -> memref<1x1x128xi32, #tpu.memory_space<vmem>>
    %dma_start3A_212 = tpu.memref_squeeze %dma_start3A_211 : memref<1x1x128xi32, #tpu.memory_space<vmem>> -> memref<128xi32, #tpu.memory_space<vmem>>
    %dma_start3A_213 = arith.constant 0 : i32
    %dma_start3A_214 = arith.constant 0 : i32
    %dma_start3A_215 = tpu.memref_slice %arg3[%dma_start3A_213, %dma_start3A_214] : memref<1015808x32xf32, #tpu.memory_space<hbm>> -> memref<1015808x32xf32, #tpu.memory_space<hbm>>
    %dma_start3A_216 = tpu.memref_slice %arg12[%dma_start3A_205] : memref<2x!tpu.dma_semaphore, #tpu.memory_space<semaphore_mem>> -> memref<1x!tpu.dma_semaphore, #tpu.memory_space<semaphore_mem>>
    %dma_start3A_217 = tpu.memref_squeeze %dma_start3A_216 : memref<1x!tpu.dma_semaphore, #tpu.memory_space<semaphore_mem>> -> memref<!tpu.dma_semaphore, #tpu.memory_space<semaphore_mem>>
    tpu.enqueue_indirect_dma source(%dma_start3A_215 : memref<1015808x32xf32, #tpu.memory_space<hbm>>) target(%dma_start3A_209 : memref<128x32xf32, #tpu.memory_space<vmem>>) offsets(%dma_start3A_212 : memref<128xi32, #tpu.memory_space<vmem>>) semaphore(%dma_start3A_217 : memref<!tpu.dma_semaphore, #tpu.memory_space<semaphore_mem>>)
    %dma_start3A_218 = arith.constant 0 : i32
    %dma_start3A_219 = arith.constant 8 : i32
    %dma_start3A_220 = arith.constant 0 : i32
    %dma_start3A_221 = arith.constant 0 : i32
    %dma_start3A_222 = arith.constant 1024 : i32
    %dma_start3A_223 = arith.constant 0 : i32
    %dma_start3A_224 = tpu.memref_slice %arg9[%dma_start3A_220, %dma_start3A_222, %dma_start3A_223] : memref<2x1920x32xf32, #tpu.memory_space<vmem>> -> memref<1x128x32xf32, #tpu.memory_space<vmem>>
    %dma_start3A_225 = tpu.memref_squeeze %dma_start3A_224 : memref<1x128x32xf32, #tpu.memory_space<vmem>> -> memref<128x32xf32, #tpu.memory_space<vmem>>
    %dma_start3A_226 = arith.constant 0 : i32
    %dma_start3A_227 = tpu.memref_slice %arg7[%dma_start3A_218, %dma_start3A_219, %dma_start3A_226] : memref<2x15x128xi32, #tpu.memory_space<vmem>> -> memref<1x1x128xi32, #tpu.memory_space<vmem>>
    %dma_start3A_228 = tpu.memref_squeeze %dma_start3A_227 : memref<1x1x128xi32, #tpu.memory_space<vmem>> -> memref<128xi32, #tpu.memory_space<vmem>>
    %dma_start3A_229 = arith.constant 0 : i32
    %dma_start3A_230 = arith.constant 0 : i32
    %dma_start3A_231 = tpu.memref_slice %arg3[%dma_start3A_229, %dma_start3A_230] : memref<1015808x32xf32, #tpu.memory_space<hbm>> -> memref<1015808x32xf32, #tpu.memory_space<hbm>>
    %dma_start3A_232 = tpu.memref_slice %arg12[%dma_start3A_221] : memref<2x!tpu.dma_semaphore, #tpu.memory_space<semaphore_mem>> -> memref<1x!tpu.dma_semaphore, #tpu.memory_space<semaphore_mem>>
    %dma_start3A_233 = tpu.memref_squeeze %dma_start3A_232 : memref<1x!tpu.dma_semaphore, #tpu.memory_space<semaphore_mem>> -> memref<!tpu.dma_semaphore, #tpu.memory_space<semaphore_mem>>
    tpu.enqueue_indirect_dma source(%dma_start3A_231 : memref<1015808x32xf32, #tpu.memory_space<hbm>>) target(%dma_start3A_225 : memref<128x32xf32, #tpu.memory_space<vmem>>) offsets(%dma_start3A_228 : memref<128xi32, #tpu.memory_space<vmem>>) semaphore(%dma_start3A_233 : memref<!tpu.dma_semaphore, #tpu.memory_space<semaphore_mem>>)
    %dma_start3A_234 = arith.constant 0 : i32
    %dma_start3A_235 = arith.constant 9 : i32
    %dma_start3A_236 = arith.constant 0 : i32
    %dma_start3A_237 = arith.constant 0 : i32
    %dma_start3A_238 = arith.constant 1152 : i32
    %dma_start3A_239 = arith.constant 0 : i32
    %dma_start3A_240 = tpu.memref_slice %arg9[%dma_start3A_236, %dma_start3A_238, %dma_start3A_239] : memref<2x1920x32xf32, #tpu.memory_space<vmem>> -> memref<1x128x32xf32, #tpu.memory_space<vmem>>
    %dma_start3A_241 = tpu.memref_squeeze %dma_start3A_240 : memref<1x128x32xf32, #tpu.memory_space<vmem>> -> memref<128x32xf32, #tpu.memory_space<vmem>>
    %dma_start3A_242 = arith.constant 0 : i32
    %dma_start3A_243 = tpu.memref_slice %arg7[%dma_start3A_234, %dma_start3A_235, %dma_start3A_242] : memref<2x15x128xi32, #tpu.memory_space<vmem>> -> memref<1x1x128xi32, #tpu.memory_space<vmem>>
    %dma_start3A_244 = tpu.memref_squeeze %dma_start3A_243 : memref<1x1x128xi32, #tpu.memory_space<vmem>> -> memref<128xi32, #tpu.memory_space<vmem>>
    %dma_start3A_245 = arith.constant 0 : i32
    %dma_start3A_246 = arith.constant 0 : i32
    %dma_start3A_247 = tpu.memref_slice %arg3[%dma_start3A_245, %dma_start3A_246] : memref<1015808x32xf32, #tpu.memory_space<hbm>> -> memref<1015808x32xf32, #tpu.memory_space<hbm>>
    %dma_start3A_248 = tpu.memref_slice %arg12[%dma_start3A_237] : memref<2x!tpu.dma_semaphore, #tpu.memory_space<semaphore_mem>> -> memref<1x!tpu.dma_semaphore, #tpu.memory_space<semaphore_mem>>
    %dma_start3A_249 = tpu.memref_squeeze %dma_start3A_248 : memref<1x!tpu.dma_semaphore, #tpu.memory_space<semaphore_mem>> -> memref<!tpu.dma_semaphore, #tpu.memory_space<semaphore_mem>>
    tpu.enqueue_indirect_dma source(%dma_start3A_247 : memref<1015808x32xf32, #tpu.memory_space<hbm>>) target(%dma_start3A_241 : memref<128x32xf32, #tpu.memory_space<vmem>>) offsets(%dma_start3A_244 : memref<128xi32, #tpu.memory_space<vmem>>) semaphore(%dma_start3A_249 : memref<!tpu.dma_semaphore, #tpu.memory_space<semaphore_mem>>)
    %dma_start3A_250 = arith.constant 0 : i32
    %dma_start3A_251 = arith.constant 10 : i32
    %dma_start3A_252 = arith.constant 0 : i32
    %dma_start3A_253 = arith.constant 0 : i32
    %dma_start3A_254 = arith.constant 1280 : i32
    %dma_start3A_255 = arith.constant 0 : i32
    %dma_start3A_256 = tpu.memref_slice %arg9[%dma_start3A_252, %dma_start3A_254, %dma_start3A_255] : memref<2x1920x32xf32, #tpu.memory_space<vmem>> -> memref<1x128x32xf32, #tpu.memory_space<vmem>>
    %dma_start3A_257 = tpu.memref_squeeze %dma_start3A_256 : memref<1x128x32xf32, #tpu.memory_space<vmem>> -> memref<128x32xf32, #tpu.memory_space<vmem>>
    %dma_start3A_258 = arith.constant 0 : i32
    %dma_start3A_259 = tpu.memref_slice %arg7[%dma_start3A_250, %dma_start3A_251, %dma_start3A_258] : memref<2x15x128xi32, #tpu.memory_space<vmem>> -> memref<1x1x128xi32, #tpu.memory_space<vmem>>
    %dma_start3A_260 = tpu.memref_squeeze %dma_start3A_259 : memref<1x1x128xi32, #tpu.memory_space<vmem>> -> memref<128xi32, #tpu.memory_space<vmem>>
    %dma_start3A_261 = arith.constant 0 : i32
    %dma_start3A_262 = arith.constant 0 : i32
    %dma_start3A_263 = tpu.memref_slice %arg3[%dma_start3A_261, %dma_start3A_262] : memref<1015808x32xf32, #tpu.memory_space<hbm>> -> memref<1015808x32xf32, #tpu.memory_space<hbm>>
    %dma_start3A_264 = tpu.memref_slice %arg12[%dma_start3A_253] : memref<2x!tpu.dma_semaphore, #tpu.memory_space<semaphore_mem>> -> memref<1x!tpu.dma_semaphore, #tpu.memory_space<semaphore_mem>>
    %dma_start3A_265 = tpu.memref_squeeze %dma_start3A_264 : memref<1x!tpu.dma_semaphore, #tpu.memory_space<semaphore_mem>> -> memref<!tpu.dma_semaphore, #tpu.memory_space<semaphore_mem>>
    tpu.enqueue_indirect_dma source(%dma_start3A_263 : memref<1015808x32xf32, #tpu.memory_space<hbm>>) target(%dma_start3A_257 : memref<128x32xf32, #tpu.memory_space<vmem>>) offsets(%dma_start3A_260 : memref<128xi32, #tpu.memory_space<vmem>>) semaphore(%dma_start3A_265 : memref<!tpu.dma_semaphore, #tpu.memory_space<semaphore_mem>>)
    %dma_start3A_266 = arith.constant 0 : i32
    %dma_start3A_267 = arith.constant 11 : i32
    %dma_start3A_268 = arith.constant 0 : i32
    %dma_start3A_269 = arith.constant 0 : i32
    %dma_start3A_270 = arith.constant 1408 : i32
    %dma_start3A_271 = arith.constant 0 : i32
    %dma_start3A_272 = tpu.memref_slice %arg9[%dma_start3A_268, %dma_start3A_270, %dma_start3A_271] : memref<2x1920x32xf32, #tpu.memory_space<vmem>> -> memref<1x128x32xf32, #tpu.memory_space<vmem>>
    %dma_start3A_273 = tpu.memref_squeeze %dma_start3A_272 : memref<1x128x32xf32, #tpu.memory_space<vmem>> -> memref<128x32xf32, #tpu.memory_space<vmem>>
    %dma_start3A_274 = arith.constant 0 : i32
    %dma_start3A_275 = tpu.memref_slice %arg7[%dma_start3A_266, %dma_start3A_267, %dma_start3A_274] : memref<2x15x128xi32, #tpu.memory_space<vmem>> -> memref<1x1x128xi32, #tpu.memory_space<vmem>>
    %dma_start3A_276 = tpu.memref_squeeze %dma_start3A_275 : memref<1x1x128xi32, #tpu.memory_space<vmem>> -> memref<128xi32, #tpu.memory_space<vmem>>
    %dma_start3A_277 = arith.constant 0 : i32
    %dma_start3A_278 = arith.constant 0 : i32
    %dma_start3A_279 = tpu.memref_slice %arg3[%dma_start3A_277, %dma_start3A_278] : memref<1015808x32xf32, #tpu.memory_space<hbm>> -> memref<1015808x32xf32, #tpu.memory_space<hbm>>
    %dma_start3A_280 = tpu.memref_slice %arg12[%dma_start3A_269] : memref<2x!tpu.dma_semaphore, #tpu.memory_space<semaphore_mem>> -> memref<1x!tpu.dma_semaphore, #tpu.memory_space<semaphore_mem>>
    %dma_start3A_281 = tpu.memref_squeeze %dma_start3A_280 : memref<1x!tpu.dma_semaphore, #tpu.memory_space<semaphore_mem>> -> memref<!tpu.dma_semaphore, #tpu.memory_space<semaphore_mem>>
    tpu.enqueue_indirect_dma source(%dma_start3A_279 : memref<1015808x32xf32, #tpu.memory_space<hbm>>) target(%dma_start3A_273 : memref<128x32xf32, #tpu.memory_space<vmem>>) offsets(%dma_start3A_276 : memref<128xi32, #tpu.memory_space<vmem>>) semaphore(%dma_start3A_281 : memref<!tpu.dma_semaphore, #tpu.memory_space<semaphore_mem>>)
    %dma_start3A_282 = arith.constant 0 : i32
    %dma_start3A_283 = arith.constant 12 : i32
    %dma_start3A_284 = arith.constant 0 : i32
    %dma_start3A_285 = arith.constant 0 : i32
    %dma_start3A_286 = arith.constant 1536 : i32
    %dma_start3A_287 = arith.constant 0 : i32
    %dma_start3A_288 = tpu.memref_slice %arg9[%dma_start3A_284, %dma_start3A_286, %dma_start3A_287] : memref<2x1920x32xf32, #tpu.memory_space<vmem>> -> memref<1x128x32xf32, #tpu.memory_space<vmem>>
    %dma_start3A_289 = tpu.memref_squeeze %dma_start3A_288 : memref<1x128x32xf32, #tpu.memory_space<vmem>> -> memref<128x32xf32, #tpu.memory_space<vmem>>
    %dma_start3A_290 = arith.constant 0 : i32
    %dma_start3A_291 = tpu.memref_slice %arg7[%dma_start3A_282, %dma_start3A_283, %dma_start3A_290] : memref<2x15x128xi32, #tpu.memory_space<vmem>> -> memref<1x1x128xi32, #tpu.memory_space<vmem>>
    %dma_start3A_292 = tpu.memref_squeeze %dma_start3A_291 : memref<1x1x128xi32, #tpu.memory_space<vmem>> -> memref<128xi32, #tpu.memory_space<vmem>>
    %dma_start3A_293 = arith.constant 0 : i32
    %dma_start3A_294 = arith.constant 0 : i32
    %dma_start3A_295 = tpu.memref_slice %arg3[%dma_start3A_293, %dma_start3A_294] : memref<1015808x32xf32, #tpu.memory_space<hbm>> -> memref<1015808x32xf32, #tpu.memory_space<hbm>>
    %dma_start3A_296 = tpu.memref_slice %arg12[%dma_start3A_285] : memref<2x!tpu.dma_semaphore, #tpu.memory_space<semaphore_mem>> -> memref<1x!tpu.dma_semaphore, #tpu.memory_space<semaphore_mem>>
    %dma_start3A_297 = tpu.memref_squeeze %dma_start3A_296 : memref<1x!tpu.dma_semaphore, #tpu.memory_space<semaphore_mem>> -> memref<!tpu.dma_semaphore, #tpu.memory_space<semaphore_mem>>
    tpu.enqueue_indirect_dma source(%dma_start3A_295 : memref<1015808x32xf32, #tpu.memory_space<hbm>>) target(%dma_start3A_289 : memref<128x32xf32, #tpu.memory_space<vmem>>) offsets(%dma_start3A_292 : memref<128xi32, #tpu.memory_space<vmem>>) semaphore(%dma_start3A_297 : memref<!tpu.dma_semaphore, #tpu.memory_space<semaphore_mem>>)
    %dma_start3A_298 = arith.constant 0 : i32
    %dma_start3A_299 = arith.constant 13 : i32
    %dma_start3A_300 = arith.constant 0 : i32
    %dma_start3A_301 = arith.constant 0 : i32
    %dma_start3A_302 = arith.constant 1664 : i32
    %dma_start3A_303 = arith.constant 0 : i32
    %dma_start3A_304 = tpu.memref_slice %arg9[%dma_start3A_300, %dma_start3A_302, %dma_start3A_303] : memref<2x1920x32xf32, #tpu.memory_space<vmem>> -> memref<1x128x32xf32, #tpu.memory_space<vmem>>
    %dma_start3A_305 = tpu.memref_squeeze %dma_start3A_304 : memref<1x128x32xf32, #tpu.memory_space<vmem>> -> memref<128x32xf32, #tpu.memory_space<vmem>>
    %dma_start3A_306 = arith.constant 0 : i32
    %dma_start3A_307 = tpu.memref_slice %arg7[%dma_start3A_298, %dma_start3A_299, %dma_start3A_306] : memref<2x15x128xi32, #tpu.memory_space<vmem>> -> memref<1x1x128xi32, #tpu.memory_space<vmem>>
    %dma_start3A_308 = tpu.memref_squeeze %dma_start3A_307 : memref<1x1x128xi32, #tpu.memory_space<vmem>> -> memref<128xi32, #tpu.memory_space<vmem>>
    %dma_start3A_309 = arith.constant 0 : i32
    %dma_start3A_310 = arith.constant 0 : i32
    %dma_start3A_311 = tpu.memref_slice %arg3[%dma_start3A_309, %dma_start3A_310] : memref<1015808x32xf32, #tpu.memory_space<hbm>> -> memref<1015808x32xf32, #tpu.memory_space<hbm>>
    %dma_start3A_312 = tpu.memref_slice %arg12[%dma_start3A_301] : memref<2x!tpu.dma_semaphore, #tpu.memory_space<semaphore_mem>> -> memref<1x!tpu.dma_semaphore, #tpu.memory_space<semaphore_mem>>
    %dma_start3A_313 = tpu.memref_squeeze %dma_start3A_312 : memref<1x!tpu.dma_semaphore, #tpu.memory_space<semaphore_mem>> -> memref<!tpu.dma_semaphore, #tpu.memory_space<semaphore_mem>>
    tpu.enqueue_indirect_dma source(%dma_start3A_311 : memref<1015808x32xf32, #tpu.memory_space<hbm>>) target(%dma_start3A_305 : memref<128x32xf32, #tpu.memory_space<vmem>>) offsets(%dma_start3A_308 : memref<128xi32, #tpu.memory_space<vmem>>) semaphore(%dma_start3A_313 : memref<!tpu.dma_semaphore, #tpu.memory_space<semaphore_mem>>)
    %dma_start3A_314 = arith.constant 0 : i32
    %dma_start3A_315 = arith.constant 14 : i32
    %dma_start3A_316 = arith.constant 0 : i32
    %dma_start3A_317 = arith.constant 0 : i32
    %dma_start3A_318 = arith.constant 1792 : i32
    %dma_start3A_319 = arith.constant 0 : i32
    %dma_start3A_320 = tpu.memref_slice %arg9[%dma_start3A_316, %dma_start3A_318, %dma_start3A_319] : memref<2x1920x32xf32, #tpu.memory_space<vmem>> -> memref<1x128x32xf32, #tpu.memory_space<vmem>>
    %dma_start3A_321 = tpu.memref_squeeze %dma_start3A_320 : memref<1x128x32xf32, #tpu.memory_space<vmem>> -> memref<128x32xf32, #tpu.memory_space<vmem>>
    %dma_start3A_322 = arith.constant 0 : i32
    %dma_start3A_323 = tpu.memref_slice %arg7[%dma_start3A_314, %dma_start3A_315, %dma_start3A_322] : memref<2x15x128xi32, #tpu.memory_space<vmem>> -> memref<1x1x128xi32, #tpu.memory_space<vmem>>
    %dma_start3A_324 = tpu.memref_squeeze %dma_start3A_323 : memref<1x1x128xi32, #tpu.memory_space<vmem>> -> memref<128xi32, #tpu.memory_space<vmem>>
    %dma_start3A_325 = arith.constant 0 : i32
    %dma_start3A_326 = arith.constant 0 : i32
    %dma_start3A_327 = tpu.memref_slice %arg3[%dma_start3A_325, %dma_start3A_326] : memref<1015808x32xf32, #tpu.memory_space<hbm>> -> memref<1015808x32xf32, #tpu.memory_space<hbm>>
    %dma_start3A_328 = tpu.memref_slice %arg12[%dma_start3A_317] : memref<2x!tpu.dma_semaphore, #tpu.memory_space<semaphore_mem>> -> memref<1x!tpu.dma_semaphore, #tpu.memory_space<semaphore_mem>>
    %dma_start3A_329 = tpu.memref_squeeze %dma_start3A_328 : memref<1x!tpu.dma_semaphore, #tpu.memory_space<semaphore_mem>> -> memref<!tpu.dma_semaphore, #tpu.memory_space<semaphore_mem>>
    tpu.enqueue_indirect_dma source(%dma_start3A_327 : memref<1015808x32xf32, #tpu.memory_space<hbm>>) target(%dma_start3A_321 : memref<128x32xf32, #tpu.memory_space<vmem>>) offsets(%dma_start3A_324 : memref<128xi32, #tpu.memory_space<vmem>>) semaphore(%dma_start3A_329 : memref<!tpu.dma_semaphore, #tpu.memory_space<semaphore_mem>>)
    %scan3A = arith.constant 0 : i32
    %scan3A_330 = arith.constant 0 : i32
    %scan3A_331 = arith.constant 16 : i32
    %scan3A_332 = arith.addi %scan3A_330, %scan3A_331 : i32
    %scan3A_333 = arith.constant 1 : i32
    scf.for %scan3A_335 = %scan3A_330 to %scan3A_332 step %scan3A_333  : i32 {
      %rem3A = arith.constant 2 : i32
      %rem3A_336 = arith.remsi %scan3A_335, %rem3A : i32
      %sub3A = arith.constant 1 : i32
      %sub3A_337 = arith.subi %sub3A, %rem3A_336 : i32
      %lt3A_338 = arith.constant 15 : i32
      %lt3A_339 = arith.cmpi slt, %scan3A_335, %lt3A_338 : i32
      %convert_element_type3A = arith.extui %lt3A_339 : i1 to i32
      %cond3A = arith.constant 0 : i32
      %cond3A_340 = arith.cmpi ne, %convert_element_type3A, %cond3A : i32
      scf.if %cond3A_340 {
        %add3A_559 = arith.constant 1 : i32
        %add3A_560 = arith.addi %scan3A_335, %add3A_559 : i32
        %mul3A_561 = arith.constant 16 : i32
        %mul3A_562 = arith.muli %add3A, %mul3A_561 : i32
        %add3A_563 = arith.addi %mul3A_562, %add3A_560 : i32
        %mul3A_564 = arith.constant 32 : i32
        %mul3A_565 = arith.muli %add3A_563, %mul3A_564 : i32
        %multiple_of3A_566 = tpu.assume_multiple %mul3A_565, 32 : i32
        %mul3A_567 = arith.constant 15 : i32
        %mul3A_568 = arith.muli %add3A_563, %mul3A_567 : i32
        %multiple_of3A_569 = tpu.assume_multiple %mul3A_568, 15 : i32
        "tpu.region"() ({
          %run_scoped3A_777 = tpu.sem_alloc : memref<!tpu.dma_semaphore, #tpu.memory_space<semaphore_mem>>
          %dma_start3A_778 = arith.constant 0 : i32
          %dma_start3A_779 = arith.constant 0 : i32
          %dma_start3A_780 = tpu.memref_slice %arg7[%sub3A_337, %dma_start3A_778, %dma_start3A_779] : memref<2x15x128xi32, #tpu.memory_space<vmem>> -> memref<1x15x128xi32, #tpu.memory_space<vmem>>
          %dma_start3A_781 = tpu.memref_squeeze %dma_start3A_780 : memref<1x15x128xi32, #tpu.memory_space<vmem>> -> memref<15x128xi32, #tpu.memory_space<vmem>>
          %dma_start3A_782 = arith.constant 0 : i32
          %dma_start3A_783 = tpu.memref_slice %arg5[%multiple_of3A_569, %dma_start3A_782] : memref<7680x128xi32, #tpu.memory_space<hbm>> -> memref<15x128xi32, #tpu.memory_space<hbm>>
          %dma_start3A_784 = arith.constant 0 : i32
          %dma_start3A_785 = arith.constant 0 : i32
          %dma_start3A_786 = tpu.memref_slice %arg7[%sub3A_337, %dma_start3A_784, %dma_start3A_785] : memref<2x15x128xi32, #tpu.memory_space<vmem>> -> memref<1x15x128xi32, #tpu.memory_space<vmem>>
          %dma_start3A_787 = tpu.memref_squeeze %dma_start3A_786 : memref<1x15x128xi32, #tpu.memory_space<vmem>> -> memref<15x128xi32, #tpu.memory_space<vmem>>
          %dma_start3A_788 = arith.constant 0 : i32
          %dma_start3A_789 = tpu.memref_slice %arg5[%multiple_of3A_569, %dma_start3A_788] : memref<7680x128xi32, #tpu.memory_space<hbm>> -> memref<15x128xi32, #tpu.memory_space<hbm>>
          tpu.enqueue_dma source(%dma_start3A_789 : memref<15x128xi32, #tpu.memory_space<hbm>>) target(%dma_start3A_787 : memref<15x128xi32, #tpu.memory_space<vmem>>) target_semaphore(%run_scoped3A_777 : memref<!tpu.dma_semaphore, #tpu.memory_space<semaphore_mem>>)
          %dma_wait3A_790 = arith.constant 0 : i32
          %dma_wait3A_791 = arith.constant 0 : i32
          %dma_wait3A_792 = tpu.memref_slice %arg7[%sub3A_337, %dma_wait3A_790, %dma_wait3A_791] : memref<2x15x128xi32, #tpu.memory_space<vmem>> -> memref<1x15x128xi32, #tpu.memory_space<vmem>>
          %dma_wait3A_793 = tpu.memref_squeeze %dma_wait3A_792 : memref<1x15x128xi32, #tpu.memory_space<vmem>> -> memref<15x128xi32, #tpu.memory_space<vmem>>
          %dma_wait3A_794 = arith.constant 0 : i32
          %dma_wait3A_795 = tpu.memref_slice %arg5[%multiple_of3A_569, %dma_wait3A_794] : memref<7680x128xi32, #tpu.memory_space<hbm>> -> memref<15x128xi32, #tpu.memory_space<hbm>>
          %dma_wait3A_796 = arith.constant 0 : i32
          %dma_wait3A_797 = arith.constant 0 : i32
          %dma_wait3A_798 = tpu.memref_slice %arg7[%sub3A_337, %dma_wait3A_796, %dma_wait3A_797] : memref<2x15x128xi32, #tpu.memory_space<vmem>> -> memref<1x15x128xi32, #tpu.memory_space<vmem>>
          %dma_wait3A_799 = tpu.memref_squeeze %dma_wait3A_798 : memref<1x15x128xi32, #tpu.memory_space<vmem>> -> memref<15x128xi32, #tpu.memory_space<vmem>>
          %dma_wait3A_800 = arith.constant 0 : i32
          %dma_wait3A_801 = tpu.memref_slice %arg5[%multiple_of3A_569, %dma_wait3A_800] : memref<7680x128xi32, #tpu.memory_space<hbm>> -> memref<15x128xi32, #tpu.memory_space<hbm>>
          tpu.wait_dma2 semaphore(%run_scoped3A_777 : memref<!tpu.dma_semaphore, #tpu.memory_space<semaphore_mem>>) src(%dma_wait3A_801 : memref<15x128xi32, #tpu.memory_space<hbm>>) dst(%dma_wait3A_799 : memref<15x128xi32, #tpu.memory_space<vmem>>)
          tpu.yield
        }) : () -> ()
        "tpu.region"() ({
          %run_scoped3A_777 = tpu.sem_alloc : memref<!tpu.dma_semaphore, #tpu.memory_space<semaphore_mem>>
          %dma_start3A_778 = arith.constant 0 : i32
          %dma_start3A_779 = tpu.memref_slice %arg8[%sub3A_337, %dma_start3A_778] : memref<2x32xi32, #tpu.memory_space<vmem>> -> memref<1x32xi32, #tpu.memory_space<vmem>>
          %dma_start3A_780 = tpu.memref_squeeze %dma_start3A_779 : memref<1x32xi32, #tpu.memory_space<vmem>> -> memref<32xi32, #tpu.memory_space<vmem>>
          %dma_start3A_781 = tpu.memref_slice %arg4[%multiple_of3A_566] : memref<16384xi32, #tpu.memory_space<hbm>> -> memref<32xi32, #tpu.memory_space<hbm>>
          %dma_start3A_782 = arith.constant 0 : i32
          %dma_start3A_783 = tpu.memref_slice %arg8[%sub3A_337, %dma_start3A_782] : memref<2x32xi32, #tpu.memory_space<vmem>> -> memref<1x32xi32, #tpu.memory_space<vmem>>
          %dma_start3A_784 = tpu.memref_squeeze %dma_start3A_783 : memref<1x32xi32, #tpu.memory_space<vmem>> -> memref<32xi32, #tpu.memory_space<vmem>>
          %dma_start3A_785 = tpu.memref_slice %arg4[%multiple_of3A_566] : memref<16384xi32, #tpu.memory_space<hbm>> -> memref<32xi32, #tpu.memory_space<hbm>>
          tpu.enqueue_dma source(%dma_start3A_785 : memref<32xi32, #tpu.memory_space<hbm>>) target(%dma_start3A_784 : memref<32xi32, #tpu.memory_space<vmem>>) target_semaphore(%run_scoped3A_777 : memref<!tpu.dma_semaphore, #tpu.memory_space<semaphore_mem>>)
          %dma_wait3A_786 = arith.constant 0 : i32
          %dma_wait3A_787 = tpu.memref_slice %arg8[%sub3A_337, %dma_wait3A_786] : memref<2x32xi32, #tpu.memory_space<vmem>> -> memref<1x32xi32, #tpu.memory_space<vmem>>
          %dma_wait3A_788 = tpu.memref_squeeze %dma_wait3A_787 : memref<1x32xi32, #tpu.memory_space<vmem>> -> memref<32xi32, #tpu.memory_space<vmem>>
          %dma_wait3A_789 = tpu.memref_slice %arg4[%multiple_of3A_566] : memref<16384xi32, #tpu.memory_space<hbm>> -> memref<32xi32, #tpu.memory_space<hbm>>
          %dma_wait3A_790 = arith.constant 0 : i32
          %dma_wait3A_791 = tpu.memref_slice %arg8[%sub3A_337, %dma_wait3A_790] : memref<2x32xi32, #tpu.memory_space<vmem>> -> memref<1x32xi32, #tpu.memory_space<vmem>>
          %dma_wait3A_792 = tpu.memref_squeeze %dma_wait3A_791 : memref<1x32xi32, #tpu.memory_space<vmem>> -> memref<32xi32, #tpu.memory_space<vmem>>
          %dma_wait3A_793 = tpu.memref_slice %arg4[%multiple_of3A_566] : memref<16384xi32, #tpu.memory_space<hbm>> -> memref<32xi32, #tpu.memory_space<hbm>>
          tpu.wait_dma2 semaphore(%run_scoped3A_777 : memref<!tpu.dma_semaphore, #tpu.memory_space<semaphore_mem>>) src(%dma_wait3A_793 : memref<32xi32, #tpu.memory_space<hbm>>) dst(%dma_wait3A_792 : memref<32xi32, #tpu.memory_space<vmem>>)
          tpu.yield
        }) : () -> ()
        %dma_start3A_570 = arith.constant 0 : i32
        %dma_start3A_571 = arith.constant 0 : i32
        %dma_start3A_572 = tpu.memref_slice %arg10[%sub3A_337, %dma_start3A_570, %dma_start3A_571] : memref<2x32x32xf32, #tpu.memory_space<vmem>> -> memref<1x32x32xf32, #tpu.memory_space<vmem>>
        %dma_start3A_573 = tpu.memref_squeeze %dma_start3A_572 : memref<1x32x32xf32, #tpu.memory_space<vmem>> -> memref<32x32xf32, #tpu.memory_space<vmem>>
        %dma_start3A_574 = arith.constant 0 : i32
        %dma_start3A_575 = tpu.memref_slice %arg8[%sub3A_337, %dma_start3A_574] : memref<2x32xi32, #tpu.memory_space<vmem>> -> memref<1x32xi32, #tpu.memory_space<vmem>>
        %dma_start3A_576 = tpu.memref_squeeze %dma_start3A_575 : memref<1x32xi32, #tpu.memory_space<vmem>> -> memref<32xi32, #tpu.memory_space<vmem>>
        %dma_start3A_577 = arith.constant 0 : i32
        %dma_start3A_578 = arith.constant 0 : i32
        %dma_start3A_579 = tpu.memref_slice %arg2[%dma_start3A_577, %dma_start3A_578] : memref<1015808x32xf32, #tpu.memory_space<hbm>> -> memref<1015808x32xf32, #tpu.memory_space<hbm>>
        %dma_start3A_580 = tpu.memref_slice %arg12[%sub3A_337] : memref<2x!tpu.dma_semaphore, #tpu.memory_space<semaphore_mem>> -> memref<1x!tpu.dma_semaphore, #tpu.memory_space<semaphore_mem>>
        %dma_start3A_581 = tpu.memref_squeeze %dma_start3A_580 : memref<1x!tpu.dma_semaphore, #tpu.memory_space<semaphore_mem>> -> memref<!tpu.dma_semaphore, #tpu.memory_space<semaphore_mem>>
        tpu.enqueue_indirect_dma source(%dma_start3A_579 : memref<1015808x32xf32, #tpu.memory_space<hbm>>) target(%dma_start3A_573 : memref<32x32xf32, #tpu.memory_space<vmem>>) offsets(%dma_start3A_576 : memref<32xi32, #tpu.memory_space<vmem>>) semaphore(%dma_start3A_581 : memref<!tpu.dma_semaphore, #tpu.memory_space<semaphore_mem>>)
        %dma_start3A_582 = arith.constant 0 : i32
        %dma_start3A_583 = arith.constant 0 : i32
        %dma_start3A_584 = arith.constant 0 : i32
        %dma_start3A_585 = tpu.memref_slice %arg9[%sub3A_337, %dma_start3A_583, %dma_start3A_584] : memref<2x1920x32xf32, #tpu.memory_space<vmem>> -> memref<1x128x32xf32, #tpu.memory_space<vmem>>
        %dma_start3A_586 = tpu.memref_squeeze %dma_start3A_585 : memref<1x128x32xf32, #tpu.memory_space<vmem>> -> memref<128x32xf32, #tpu.memory_space<vmem>>
        %dma_start3A_587 = arith.constant 0 : i32
        %dma_start3A_588 = tpu.memref_slice %arg7[%sub3A_337, %dma_start3A_582, %dma_start3A_587] : memref<2x15x128xi32, #tpu.memory_space<vmem>> -> memref<1x1x128xi32, #tpu.memory_space<vmem>>
        %dma_start3A_589 = tpu.memref_squeeze %dma_start3A_588 : memref<1x1x128xi32, #tpu.memory_space<vmem>> -> memref<128xi32, #tpu.memory_space<vmem>>
        %dma_start3A_590 = arith.constant 0 : i32
        %dma_start3A_591 = arith.constant 0 : i32
        %dma_start3A_592 = tpu.memref_slice %arg3[%dma_start3A_590, %dma_start3A_591] : memref<1015808x32xf32, #tpu.memory_space<hbm>> -> memref<1015808x32xf32, #tpu.memory_space<hbm>>
        %dma_start3A_593 = tpu.memref_slice %arg12[%sub3A_337] : memref<2x!tpu.dma_semaphore, #tpu.memory_space<semaphore_mem>> -> memref<1x!tpu.dma_semaphore, #tpu.memory_space<semaphore_mem>>
        %dma_start3A_594 = tpu.memref_squeeze %dma_start3A_593 : memref<1x!tpu.dma_semaphore, #tpu.memory_space<semaphore_mem>> -> memref<!tpu.dma_semaphore, #tpu.memory_space<semaphore_mem>>
        tpu.enqueue_indirect_dma source(%dma_start3A_592 : memref<1015808x32xf32, #tpu.memory_space<hbm>>) target(%dma_start3A_586 : memref<128x32xf32, #tpu.memory_space<vmem>>) offsets(%dma_start3A_589 : memref<128xi32, #tpu.memory_space<vmem>>) semaphore(%dma_start3A_594 : memref<!tpu.dma_semaphore, #tpu.memory_space<semaphore_mem>>)
        %dma_start3A_595 = arith.constant 1 : i32
        %dma_start3A_596 = arith.constant 128 : i32
        %dma_start3A_597 = arith.constant 0 : i32
        %dma_start3A_598 = tpu.memref_slice %arg9[%sub3A_337, %dma_start3A_596, %dma_start3A_597] : memref<2x1920x32xf32, #tpu.memory_space<vmem>> -> memref<1x128x32xf32, #tpu.memory_space<vmem>>
        %dma_start3A_599 = tpu.memref_squeeze %dma_start3A_598 : memref<1x128x32xf32, #tpu.memory_space<vmem>> -> memref<128x32xf32, #tpu.memory_space<vmem>>
        %dma_start3A_600 = arith.constant 0 : i32
        %dma_start3A_601 = tpu.memref_slice %arg7[%sub3A_337, %dma_start3A_595, %dma_start3A_600] : memref<2x15x128xi32, #tpu.memory_space<vmem>> -> memref<1x1x128xi32, #tpu.memory_space<vmem>>
        %dma_start3A_602 = tpu.memref_squeeze %dma_start3A_601 : memref<1x1x128xi32, #tpu.memory_space<vmem>> -> memref<128xi32, #tpu.memory_space<vmem>>
        %dma_start3A_603 = arith.constant 0 : i32
        %dma_start3A_604 = arith.constant 0 : i32
        %dma_start3A_605 = tpu.memref_slice %arg3[%dma_start3A_603, %dma_start3A_604] : memref<1015808x32xf32, #tpu.memory_space<hbm>> -> memref<1015808x32xf32, #tpu.memory_space<hbm>>
        %dma_start3A_606 = tpu.memref_slice %arg12[%sub3A_337] : memref<2x!tpu.dma_semaphore, #tpu.memory_space<semaphore_mem>> -> memref<1x!tpu.dma_semaphore, #tpu.memory_space<semaphore_mem>>
        %dma_start3A_607 = tpu.memref_squeeze %dma_start3A_606 : memref<1x!tpu.dma_semaphore, #tpu.memory_space<semaphore_mem>> -> memref<!tpu.dma_semaphore, #tpu.memory_space<semaphore_mem>>
        tpu.enqueue_indirect_dma source(%dma_start3A_605 : memref<1015808x32xf32, #tpu.memory_space<hbm>>) target(%dma_start3A_599 : memref<128x32xf32, #tpu.memory_space<vmem>>) offsets(%dma_start3A_602 : memref<128xi32, #tpu.memory_space<vmem>>) semaphore(%dma_start3A_607 : memref<!tpu.dma_semaphore, #tpu.memory_space<semaphore_mem>>)
        %dma_start3A_608 = arith.constant 2 : i32
        %dma_start3A_609 = arith.constant 256 : i32
        %dma_start3A_610 = arith.constant 0 : i32
        %dma_start3A_611 = tpu.memref_slice %arg9[%sub3A_337, %dma_start3A_609, %dma_start3A_610] : memref<2x1920x32xf32, #tpu.memory_space<vmem>> -> memref<1x128x32xf32, #tpu.memory_space<vmem>>
        %dma_start3A_612 = tpu.memref_squeeze %dma_start3A_611 : memref<1x128x32xf32, #tpu.memory_space<vmem>> -> memref<128x32xf32, #tpu.memory_space<vmem>>
        %dma_start3A_613 = arith.constant 0 : i32
        %dma_start3A_614 = tpu.memref_slice %arg7[%sub3A_337, %dma_start3A_608, %dma_start3A_613] : memref<2x15x128xi32, #tpu.memory_space<vmem>> -> memref<1x1x128xi32, #tpu.memory_space<vmem>>
        %dma_start3A_615 = tpu.memref_squeeze %dma_start3A_614 : memref<1x1x128xi32, #tpu.memory_space<vmem>> -> memref<128xi32, #tpu.memory_space<vmem>>
        %dma_start3A_616 = arith.constant 0 : i32
        %dma_start3A_617 = arith.constant 0 : i32
        %dma_start3A_618 = tpu.memref_slice %arg3[%dma_start3A_616, %dma_start3A_617] : memref<1015808x32xf32, #tpu.memory_space<hbm>> -> memref<1015808x32xf32, #tpu.memory_space<hbm>>
        %dma_start3A_619 = tpu.memref_slice %arg12[%sub3A_337] : memref<2x!tpu.dma_semaphore, #tpu.memory_space<semaphore_mem>> -> memref<1x!tpu.dma_semaphore, #tpu.memory_space<semaphore_mem>>
        %dma_start3A_620 = tpu.memref_squeeze %dma_start3A_619 : memref<1x!tpu.dma_semaphore, #tpu.memory_space<semaphore_mem>> -> memref<!tpu.dma_semaphore, #tpu.memory_space<semaphore_mem>>
        tpu.enqueue_indirect_dma source(%dma_start3A_618 : memref<1015808x32xf32, #tpu.memory_space<hbm>>) target(%dma_start3A_612 : memref<128x32xf32, #tpu.memory_space<vmem>>) offsets(%dma_start3A_615 : memref<128xi32, #tpu.memory_space<vmem>>) semaphore(%dma_start3A_620 : memref<!tpu.dma_semaphore, #tpu.memory_space<semaphore_mem>>)
        %dma_start3A_621 = arith.constant 3 : i32
        %dma_start3A_622 = arith.constant 384 : i32
        %dma_start3A_623 = arith.constant 0 : i32
        %dma_start3A_624 = tpu.memref_slice %arg9[%sub3A_337, %dma_start3A_622, %dma_start3A_623] : memref<2x1920x32xf32, #tpu.memory_space<vmem>> -> memref<1x128x32xf32, #tpu.memory_space<vmem>>
        %dma_start3A_625 = tpu.memref_squeeze %dma_start3A_624 : memref<1x128x32xf32, #tpu.memory_space<vmem>> -> memref<128x32xf32, #tpu.memory_space<vmem>>
        %dma_start3A_626 = arith.constant 0 : i32
        %dma_start3A_627 = tpu.memref_slice %arg7[%sub3A_337, %dma_start3A_621, %dma_start3A_626] : memref<2x15x128xi32, #tpu.memory_space<vmem>> -> memref<1x1x128xi32, #tpu.memory_space<vmem>>
        %dma_start3A_628 = tpu.memref_squeeze %dma_start3A_627 : memref<1x1x128xi32, #tpu.memory_space<vmem>> -> memref<128xi32, #tpu.memory_space<vmem>>
        %dma_start3A_629 = arith.constant 0 : i32
        %dma_start3A_630 = arith.constant 0 : i32
        %dma_start3A_631 = tpu.memref_slice %arg3[%dma_start3A_629, %dma_start3A_630] : memref<1015808x32xf32, #tpu.memory_space<hbm>> -> memref<1015808x32xf32, #tpu.memory_space<hbm>>
        %dma_start3A_632 = tpu.memref_slice %arg12[%sub3A_337] : memref<2x!tpu.dma_semaphore, #tpu.memory_space<semaphore_mem>> -> memref<1x!tpu.dma_semaphore, #tpu.memory_space<semaphore_mem>>
        %dma_start3A_633 = tpu.memref_squeeze %dma_start3A_632 : memref<1x!tpu.dma_semaphore, #tpu.memory_space<semaphore_mem>> -> memref<!tpu.dma_semaphore, #tpu.memory_space<semaphore_mem>>
        tpu.enqueue_indirect_dma source(%dma_start3A_631 : memref<1015808x32xf32, #tpu.memory_space<hbm>>) target(%dma_start3A_625 : memref<128x32xf32, #tpu.memory_space<vmem>>) offsets(%dma_start3A_628 : memref<128xi32, #tpu.memory_space<vmem>>) semaphore(%dma_start3A_633 : memref<!tpu.dma_semaphore, #tpu.memory_space<semaphore_mem>>)
        %dma_start3A_634 = arith.constant 4 : i32
        %dma_start3A_635 = arith.constant 512 : i32
        %dma_start3A_636 = arith.constant 0 : i32
        %dma_start3A_637 = tpu.memref_slice %arg9[%sub3A_337, %dma_start3A_635, %dma_start3A_636] : memref<2x1920x32xf32, #tpu.memory_space<vmem>> -> memref<1x128x32xf32, #tpu.memory_space<vmem>>
        %dma_start3A_638 = tpu.memref_squeeze %dma_start3A_637 : memref<1x128x32xf32, #tpu.memory_space<vmem>> -> memref<128x32xf32, #tpu.memory_space<vmem>>
        %dma_start3A_639 = arith.constant 0 : i32
        %dma_start3A_640 = tpu.memref_slice %arg7[%sub3A_337, %dma_start3A_634, %dma_start3A_639] : memref<2x15x128xi32, #tpu.memory_space<vmem>> -> memref<1x1x128xi32, #tpu.memory_space<vmem>>
        %dma_start3A_641 = tpu.memref_squeeze %dma_start3A_640 : memref<1x1x128xi32, #tpu.memory_space<vmem>> -> memref<128xi32, #tpu.memory_space<vmem>>
        %dma_start3A_642 = arith.constant 0 : i32
        %dma_start3A_643 = arith.constant 0 : i32
        %dma_start3A_644 = tpu.memref_slice %arg3[%dma_start3A_642, %dma_start3A_643] : memref<1015808x32xf32, #tpu.memory_space<hbm>> -> memref<1015808x32xf32, #tpu.memory_space<hbm>>
        %dma_start3A_645 = tpu.memref_slice %arg12[%sub3A_337] : memref<2x!tpu.dma_semaphore, #tpu.memory_space<semaphore_mem>> -> memref<1x!tpu.dma_semaphore, #tpu.memory_space<semaphore_mem>>
        %dma_start3A_646 = tpu.memref_squeeze %dma_start3A_645 : memref<1x!tpu.dma_semaphore, #tpu.memory_space<semaphore_mem>> -> memref<!tpu.dma_semaphore, #tpu.memory_space<semaphore_mem>>
        tpu.enqueue_indirect_dma source(%dma_start3A_644 : memref<1015808x32xf32, #tpu.memory_space<hbm>>) target(%dma_start3A_638 : memref<128x32xf32, #tpu.memory_space<vmem>>) offsets(%dma_start3A_641 : memref<128xi32, #tpu.memory_space<vmem>>) semaphore(%dma_start3A_646 : memref<!tpu.dma_semaphore, #tpu.memory_space<semaphore_mem>>)
        %dma_start3A_647 = arith.constant 5 : i32
        %dma_start3A_648 = arith.constant 640 : i32
        %dma_start3A_649 = arith.constant 0 : i32
        %dma_start3A_650 = tpu.memref_slice %arg9[%sub3A_337, %dma_start3A_648, %dma_start3A_649] : memref<2x1920x32xf32, #tpu.memory_space<vmem>> -> memref<1x128x32xf32, #tpu.memory_space<vmem>>
        %dma_start3A_651 = tpu.memref_squeeze %dma_start3A_650 : memref<1x128x32xf32, #tpu.memory_space<vmem>> -> memref<128x32xf32, #tpu.memory_space<vmem>>
        %dma_start3A_652 = arith.constant 0 : i32
        %dma_start3A_653 = tpu.memref_slice %arg7[%sub3A_337, %dma_start3A_647, %dma_start3A_652] : memref<2x15x128xi32, #tpu.memory_space<vmem>> -> memref<1x1x128xi32, #tpu.memory_space<vmem>>
        %dma_start3A_654 = tpu.memref_squeeze %dma_start3A_653 : memref<1x1x128xi32, #tpu.memory_space<vmem>> -> memref<128xi32, #tpu.memory_space<vmem>>
        %dma_start3A_655 = arith.constant 0 : i32
        %dma_start3A_656 = arith.constant 0 : i32
        %dma_start3A_657 = tpu.memref_slice %arg3[%dma_start3A_655, %dma_start3A_656] : memref<1015808x32xf32, #tpu.memory_space<hbm>> -> memref<1015808x32xf32, #tpu.memory_space<hbm>>
        %dma_start3A_658 = tpu.memref_slice %arg12[%sub3A_337] : memref<2x!tpu.dma_semaphore, #tpu.memory_space<semaphore_mem>> -> memref<1x!tpu.dma_semaphore, #tpu.memory_space<semaphore_mem>>
        %dma_start3A_659 = tpu.memref_squeeze %dma_start3A_658 : memref<1x!tpu.dma_semaphore, #tpu.memory_space<semaphore_mem>> -> memref<!tpu.dma_semaphore, #tpu.memory_space<semaphore_mem>>
        tpu.enqueue_indirect_dma source(%dma_start3A_657 : memref<1015808x32xf32, #tpu.memory_space<hbm>>) target(%dma_start3A_651 : memref<128x32xf32, #tpu.memory_space<vmem>>) offsets(%dma_start3A_654 : memref<128xi32, #tpu.memory_space<vmem>>) semaphore(%dma_start3A_659 : memref<!tpu.dma_semaphore, #tpu.memory_space<semaphore_mem>>)
        %dma_start3A_660 = arith.constant 6 : i32
        %dma_start3A_661 = arith.constant 768 : i32
        %dma_start3A_662 = arith.constant 0 : i32
        %dma_start3A_663 = tpu.memref_slice %arg9[%sub3A_337, %dma_start3A_661, %dma_start3A_662] : memref<2x1920x32xf32, #tpu.memory_space<vmem>> -> memref<1x128x32xf32, #tpu.memory_space<vmem>>
        %dma_start3A_664 = tpu.memref_squeeze %dma_start3A_663 : memref<1x128x32xf32, #tpu.memory_space<vmem>> -> memref<128x32xf32, #tpu.memory_space<vmem>>
        %dma_start3A_665 = arith.constant 0 : i32
        %dma_start3A_666 = tpu.memref_slice %arg7[%sub3A_337, %dma_start3A_660, %dma_start3A_665] : memref<2x15x128xi32, #tpu.memory_space<vmem>> -> memref<1x1x128xi32, #tpu.memory_space<vmem>>
        %dma_start3A_667 = tpu.memref_squeeze %dma_start3A_666 : memref<1x1x128xi32, #tpu.memory_space<vmem>> -> memref<128xi32, #tpu.memory_space<vmem>>
        %dma_start3A_668 = arith.constant 0 : i32
        %dma_start3A_669 = arith.constant 0 : i32
        %dma_start3A_670 = tpu.memref_slice %arg3[%dma_start3A_668, %dma_start3A_669] : memref<1015808x32xf32, #tpu.memory_space<hbm>> -> memref<1015808x32xf32, #tpu.memory_space<hbm>>
        %dma_start3A_671 = tpu.memref_slice %arg12[%sub3A_337] : memref<2x!tpu.dma_semaphore, #tpu.memory_space<semaphore_mem>> -> memref<1x!tpu.dma_semaphore, #tpu.memory_space<semaphore_mem>>
        %dma_start3A_672 = tpu.memref_squeeze %dma_start3A_671 : memref<1x!tpu.dma_semaphore, #tpu.memory_space<semaphore_mem>> -> memref<!tpu.dma_semaphore, #tpu.memory_space<semaphore_mem>>
        tpu.enqueue_indirect_dma source(%dma_start3A_670 : memref<1015808x32xf32, #tpu.memory_space<hbm>>) target(%dma_start3A_664 : memref<128x32xf32, #tpu.memory_space<vmem>>) offsets(%dma_start3A_667 : memref<128xi32, #tpu.memory_space<vmem>>) semaphore(%dma_start3A_672 : memref<!tpu.dma_semaphore, #tpu.memory_space<semaphore_mem>>)
        %dma_start3A_673 = arith.constant 7 : i32
        %dma_start3A_674 = arith.constant 896 : i32
        %dma_start3A_675 = arith.constant 0 : i32
        %dma_start3A_676 = tpu.memref_slice %arg9[%sub3A_337, %dma_start3A_674, %dma_start3A_675] : memref<2x1920x32xf32, #tpu.memory_space<vmem>> -> memref<1x128x32xf32, #tpu.memory_space<vmem>>
        %dma_start3A_677 = tpu.memref_squeeze %dma_start3A_676 : memref<1x128x32xf32, #tpu.memory_space<vmem>> -> memref<128x32xf32, #tpu.memory_space<vmem>>
        %dma_start3A_678 = arith.constant 0 : i32
        %dma_start3A_679 = tpu.memref_slice %arg7[%sub3A_337, %dma_start3A_673, %dma_start3A_678] : memref<2x15x128xi32, #tpu.memory_space<vmem>> -> memref<1x1x128xi32, #tpu.memory_space<vmem>>
        %dma_start3A_680 = tpu.memref_squeeze %dma_start3A_679 : memref<1x1x128xi32, #tpu.memory_space<vmem>> -> memref<128xi32, #tpu.memory_space<vmem>>
        %dma_start3A_681 = arith.constant 0 : i32
        %dma_start3A_682 = arith.constant 0 : i32
        %dma_start3A_683 = tpu.memref_slice %arg3[%dma_start3A_681, %dma_start3A_682] : memref<1015808x32xf32, #tpu.memory_space<hbm>> -> memref<1015808x32xf32, #tpu.memory_space<hbm>>
        %dma_start3A_684 = tpu.memref_slice %arg12[%sub3A_337] : memref<2x!tpu.dma_semaphore, #tpu.memory_space<semaphore_mem>> -> memref<1x!tpu.dma_semaphore, #tpu.memory_space<semaphore_mem>>
        %dma_start3A_685 = tpu.memref_squeeze %dma_start3A_684 : memref<1x!tpu.dma_semaphore, #tpu.memory_space<semaphore_mem>> -> memref<!tpu.dma_semaphore, #tpu.memory_space<semaphore_mem>>
        tpu.enqueue_indirect_dma source(%dma_start3A_683 : memref<1015808x32xf32, #tpu.memory_space<hbm>>) target(%dma_start3A_677 : memref<128x32xf32, #tpu.memory_space<vmem>>) offsets(%dma_start3A_680 : memref<128xi32, #tpu.memory_space<vmem>>) semaphore(%dma_start3A_685 : memref<!tpu.dma_semaphore, #tpu.memory_space<semaphore_mem>>)
        %dma_start3A_686 = arith.constant 8 : i32
        %dma_start3A_687 = arith.constant 1024 : i32
        %dma_start3A_688 = arith.constant 0 : i32
        %dma_start3A_689 = tpu.memref_slice %arg9[%sub3A_337, %dma_start3A_687, %dma_start3A_688] : memref<2x1920x32xf32, #tpu.memory_space<vmem>> -> memref<1x128x32xf32, #tpu.memory_space<vmem>>
        %dma_start3A_690 = tpu.memref_squeeze %dma_start3A_689 : memref<1x128x32xf32, #tpu.memory_space<vmem>> -> memref<128x32xf32, #tpu.memory_space<vmem>>
        %dma_start3A_691 = arith.constant 0 : i32
        %dma_start3A_692 = tpu.memref_slice %arg7[%sub3A_337, %dma_start3A_686, %dma_start3A_691] : memref<2x15x128xi32, #tpu.memory_space<vmem>> -> memref<1x1x128xi32, #tpu.memory_space<vmem>>
        %dma_start3A_693 = tpu.memref_squeeze %dma_start3A_692 : memref<1x1x128xi32, #tpu.memory_space<vmem>> -> memref<128xi32, #tpu.memory_space<vmem>>
        %dma_start3A_694 = arith.constant 0 : i32
        %dma_start3A_695 = arith.constant 0 : i32
        %dma_start3A_696 = tpu.memref_slice %arg3[%dma_start3A_694, %dma_start3A_695] : memref<1015808x32xf32, #tpu.memory_space<hbm>> -> memref<1015808x32xf32, #tpu.memory_space<hbm>>
        %dma_start3A_697 = tpu.memref_slice %arg12[%sub3A_337] : memref<2x!tpu.dma_semaphore, #tpu.memory_space<semaphore_mem>> -> memref<1x!tpu.dma_semaphore, #tpu.memory_space<semaphore_mem>>
        %dma_start3A_698 = tpu.memref_squeeze %dma_start3A_697 : memref<1x!tpu.dma_semaphore, #tpu.memory_space<semaphore_mem>> -> memref<!tpu.dma_semaphore, #tpu.memory_space<semaphore_mem>>
        tpu.enqueue_indirect_dma source(%dma_start3A_696 : memref<1015808x32xf32, #tpu.memory_space<hbm>>) target(%dma_start3A_690 : memref<128x32xf32, #tpu.memory_space<vmem>>) offsets(%dma_start3A_693 : memref<128xi32, #tpu.memory_space<vmem>>) semaphore(%dma_start3A_698 : memref<!tpu.dma_semaphore, #tpu.memory_space<semaphore_mem>>)
        %dma_start3A_699 = arith.constant 9 : i32
        %dma_start3A_700 = arith.constant 1152 : i32
        %dma_start3A_701 = arith.constant 0 : i32
        %dma_start3A_702 = tpu.memref_slice %arg9[%sub3A_337, %dma_start3A_700, %dma_start3A_701] : memref<2x1920x32xf32, #tpu.memory_space<vmem>> -> memref<1x128x32xf32, #tpu.memory_space<vmem>>
        %dma_start3A_703 = tpu.memref_squeeze %dma_start3A_702 : memref<1x128x32xf32, #tpu.memory_space<vmem>> -> memref<128x32xf32, #tpu.memory_space<vmem>>
        %dma_start3A_704 = arith.constant 0 : i32
        %dma_start3A_705 = tpu.memref_slice %arg7[%sub3A_337, %dma_start3A_699, %dma_start3A_704] : memref<2x15x128xi32, #tpu.memory_space<vmem>> -> memref<1x1x128xi32, #tpu.memory_space<vmem>>
        %dma_start3A_706 = tpu.memref_squeeze %dma_start3A_705 : memref<1x1x128xi32, #tpu.memory_space<vmem>> -> memref<128xi32, #tpu.memory_space<vmem>>
        %dma_start3A_707 = arith.constant 0 : i32
        %dma_start3A_708 = arith.constant 0 : i32
        %dma_start3A_709 = tpu.memref_slice %arg3[%dma_start3A_707, %dma_start3A_708] : memref<1015808x32xf32, #tpu.memory_space<hbm>> -> memref<1015808x32xf32, #tpu.memory_space<hbm>>
        %dma_start3A_710 = tpu.memref_slice %arg12[%sub3A_337] : memref<2x!tpu.dma_semaphore, #tpu.memory_space<semaphore_mem>> -> memref<1x!tpu.dma_semaphore, #tpu.memory_space<semaphore_mem>>
        %dma_start3A_711 = tpu.memref_squeeze %dma_start3A_710 : memref<1x!tpu.dma_semaphore, #tpu.memory_space<semaphore_mem>> -> memref<!tpu.dma_semaphore, #tpu.memory_space<semaphore_mem>>
        tpu.enqueue_indirect_dma source(%dma_start3A_709 : memref<1015808x32xf32, #tpu.memory_space<hbm>>) target(%dma_start3A_703 : memref<128x32xf32, #tpu.memory_space<vmem>>) offsets(%dma_start3A_706 : memref<128xi32, #tpu.memory_space<vmem>>) semaphore(%dma_start3A_711 : memref<!tpu.dma_semaphore, #tpu.memory_space<semaphore_mem>>)
        %dma_start3A_712 = arith.constant 10 : i32
        %dma_start3A_713 = arith.constant 1280 : i32
        %dma_start3A_714 = arith.constant 0 : i32
        %dma_start3A_715 = tpu.memref_slice %arg9[%sub3A_337, %dma_start3A_713, %dma_start3A_714] : memref<2x1920x32xf32, #tpu.memory_space<vmem>> -> memref<1x128x32xf32, #tpu.memory_space<vmem>>
        %dma_start3A_716 = tpu.memref_squeeze %dma_start3A_715 : memref<1x128x32xf32, #tpu.memory_space<vmem>> -> memref<128x32xf32, #tpu.memory_space<vmem>>
        %dma_start3A_717 = arith.constant 0 : i32
        %dma_start3A_718 = tpu.memref_slice %arg7[%sub3A_337, %dma_start3A_712, %dma_start3A_717] : memref<2x15x128xi32, #tpu.memory_space<vmem>> -> memref<1x1x128xi32, #tpu.memory_space<vmem>>
        %dma_start3A_719 = tpu.memref_squeeze %dma_start3A_718 : memref<1x1x128xi32, #tpu.memory_space<vmem>> -> memref<128xi32, #tpu.memory_space<vmem>>
        %dma_start3A_720 = arith.constant 0 : i32
        %dma_start3A_721 = arith.constant 0 : i32
        %dma_start3A_722 = tpu.memref_slice %arg3[%dma_start3A_720, %dma_start3A_721] : memref<1015808x32xf32, #tpu.memory_space<hbm>> -> memref<1015808x32xf32, #tpu.memory_space<hbm>>
        %dma_start3A_723 = tpu.memref_slice %arg12[%sub3A_337] : memref<2x!tpu.dma_semaphore, #tpu.memory_space<semaphore_mem>> -> memref<1x!tpu.dma_semaphore, #tpu.memory_space<semaphore_mem>>
        %dma_start3A_724 = tpu.memref_squeeze %dma_start3A_723 : memref<1x!tpu.dma_semaphore, #tpu.memory_space<semaphore_mem>> -> memref<!tpu.dma_semaphore, #tpu.memory_space<semaphore_mem>>
        tpu.enqueue_indirect_dma source(%dma_start3A_722 : memref<1015808x32xf32, #tpu.memory_space<hbm>>) target(%dma_start3A_716 : memref<128x32xf32, #tpu.memory_space<vmem>>) offsets(%dma_start3A_719 : memref<128xi32, #tpu.memory_space<vmem>>) semaphore(%dma_start3A_724 : memref<!tpu.dma_semaphore, #tpu.memory_space<semaphore_mem>>)
        %dma_start3A_725 = arith.constant 11 : i32
        %dma_start3A_726 = arith.constant 1408 : i32
        %dma_start3A_727 = arith.constant 0 : i32
        %dma_start3A_728 = tpu.memref_slice %arg9[%sub3A_337, %dma_start3A_726, %dma_start3A_727] : memref<2x1920x32xf32, #tpu.memory_space<vmem>> -> memref<1x128x32xf32, #tpu.memory_space<vmem>>
        %dma_start3A_729 = tpu.memref_squeeze %dma_start3A_728 : memref<1x128x32xf32, #tpu.memory_space<vmem>> -> memref<128x32xf32, #tpu.memory_space<vmem>>
        %dma_start3A_730 = arith.constant 0 : i32
        %dma_start3A_731 = tpu.memref_slice %arg7[%sub3A_337, %dma_start3A_725, %dma_start3A_730] : memref<2x15x128xi32, #tpu.memory_space<vmem>> -> memref<1x1x128xi32, #tpu.memory_space<vmem>>
        %dma_start3A_732 = tpu.memref_squeeze %dma_start3A_731 : memref<1x1x128xi32, #tpu.memory_space<vmem>> -> memref<128xi32, #tpu.memory_space<vmem>>
        %dma_start3A_733 = arith.constant 0 : i32
        %dma_start3A_734 = arith.constant 0 : i32
        %dma_start3A_735 = tpu.memref_slice %arg3[%dma_start3A_733, %dma_start3A_734] : memref<1015808x32xf32, #tpu.memory_space<hbm>> -> memref<1015808x32xf32, #tpu.memory_space<hbm>>
        %dma_start3A_736 = tpu.memref_slice %arg12[%sub3A_337] : memref<2x!tpu.dma_semaphore, #tpu.memory_space<semaphore_mem>> -> memref<1x!tpu.dma_semaphore, #tpu.memory_space<semaphore_mem>>
        %dma_start3A_737 = tpu.memref_squeeze %dma_start3A_736 : memref<1x!tpu.dma_semaphore, #tpu.memory_space<semaphore_mem>> -> memref<!tpu.dma_semaphore, #tpu.memory_space<semaphore_mem>>
        tpu.enqueue_indirect_dma source(%dma_start3A_735 : memref<1015808x32xf32, #tpu.memory_space<hbm>>) target(%dma_start3A_729 : memref<128x32xf32, #tpu.memory_space<vmem>>) offsets(%dma_start3A_732 : memref<128xi32, #tpu.memory_space<vmem>>) semaphore(%dma_start3A_737 : memref<!tpu.dma_semaphore, #tpu.memory_space<semaphore_mem>>)
        %dma_start3A_738 = arith.constant 12 : i32
        %dma_start3A_739 = arith.constant 1536 : i32
        %dma_start3A_740 = arith.constant 0 : i32
        %dma_start3A_741 = tpu.memref_slice %arg9[%sub3A_337, %dma_start3A_739, %dma_start3A_740] : memref<2x1920x32xf32, #tpu.memory_space<vmem>> -> memref<1x128x32xf32, #tpu.memory_space<vmem>>
        %dma_start3A_742 = tpu.memref_squeeze %dma_start3A_741 : memref<1x128x32xf32, #tpu.memory_space<vmem>> -> memref<128x32xf32, #tpu.memory_space<vmem>>
        %dma_start3A_743 = arith.constant 0 : i32
        %dma_start3A_744 = tpu.memref_slice %arg7[%sub3A_337, %dma_start3A_738, %dma_start3A_743] : memref<2x15x128xi32, #tpu.memory_space<vmem>> -> memref<1x1x128xi32, #tpu.memory_space<vmem>>
        %dma_start3A_745 = tpu.memref_squeeze %dma_start3A_744 : memref<1x1x128xi32, #tpu.memory_space<vmem>> -> memref<128xi32, #tpu.memory_space<vmem>>
        %dma_start3A_746 = arith.constant 0 : i32
        %dma_start3A_747 = arith.constant 0 : i32
        %dma_start3A_748 = tpu.memref_slice %arg3[%dma_start3A_746, %dma_start3A_747] : memref<1015808x32xf32, #tpu.memory_space<hbm>> -> memref<1015808x32xf32, #tpu.memory_space<hbm>>
        %dma_start3A_749 = tpu.memref_slice %arg12[%sub3A_337] : memref<2x!tpu.dma_semaphore, #tpu.memory_space<semaphore_mem>> -> memref<1x!tpu.dma_semaphore, #tpu.memory_space<semaphore_mem>>
        %dma_start3A_750 = tpu.memref_squeeze %dma_start3A_749 : memref<1x!tpu.dma_semaphore, #tpu.memory_space<semaphore_mem>> -> memref<!tpu.dma_semaphore, #tpu.memory_space<semaphore_mem>>
        tpu.enqueue_indirect_dma source(%dma_start3A_748 : memref<1015808x32xf32, #tpu.memory_space<hbm>>) target(%dma_start3A_742 : memref<128x32xf32, #tpu.memory_space<vmem>>) offsets(%dma_start3A_745 : memref<128xi32, #tpu.memory_space<vmem>>) semaphore(%dma_start3A_750 : memref<!tpu.dma_semaphore, #tpu.memory_space<semaphore_mem>>)
        %dma_start3A_751 = arith.constant 13 : i32
        %dma_start3A_752 = arith.constant 1664 : i32
        %dma_start3A_753 = arith.constant 0 : i32
        %dma_start3A_754 = tpu.memref_slice %arg9[%sub3A_337, %dma_start3A_752, %dma_start3A_753] : memref<2x1920x32xf32, #tpu.memory_space<vmem>> -> memref<1x128x32xf32, #tpu.memory_space<vmem>>
        %dma_start3A_755 = tpu.memref_squeeze %dma_start3A_754 : memref<1x128x32xf32, #tpu.memory_space<vmem>> -> memref<128x32xf32, #tpu.memory_space<vmem>>
        %dma_start3A_756 = arith.constant 0 : i32
        %dma_start3A_757 = tpu.memref_slice %arg7[%sub3A_337, %dma_start3A_751, %dma_start3A_756] : memref<2x15x128xi32, #tpu.memory_space<vmem>> -> memref<1x1x128xi32, #tpu.memory_space<vmem>>
        %dma_start3A_758 = tpu.memref_squeeze %dma_start3A_757 : memref<1x1x128xi32, #tpu.memory_space<vmem>> -> memref<128xi32, #tpu.memory_space<vmem>>
        %dma_start3A_759 = arith.constant 0 : i32
        %dma_start3A_760 = arith.constant 0 : i32
        %dma_start3A_761 = tpu.memref_slice %arg3[%dma_start3A_759, %dma_start3A_760] : memref<1015808x32xf32, #tpu.memory_space<hbm>> -> memref<1015808x32xf32, #tpu.memory_space<hbm>>
        %dma_start3A_762 = tpu.memref_slice %arg12[%sub3A_337] : memref<2x!tpu.dma_semaphore, #tpu.memory_space<semaphore_mem>> -> memref<1x!tpu.dma_semaphore, #tpu.memory_space<semaphore_mem>>
        %dma_start3A_763 = tpu.memref_squeeze %dma_start3A_762 : memref<1x!tpu.dma_semaphore, #tpu.memory_space<semaphore_mem>> -> memref<!tpu.dma_semaphore, #tpu.memory_space<semaphore_mem>>
        tpu.enqueue_indirect_dma source(%dma_start3A_761 : memref<1015808x32xf32, #tpu.memory_space<hbm>>) target(%dma_start3A_755 : memref<128x32xf32, #tpu.memory_space<vmem>>) offsets(%dma_start3A_758 : memref<128xi32, #tpu.memory_space<vmem>>) semaphore(%dma_start3A_763 : memref<!tpu.dma_semaphore, #tpu.memory_space<semaphore_mem>>)
        %dma_start3A_764 = arith.constant 14 : i32
        %dma_start3A_765 = arith.constant 1792 : i32
        %dma_start3A_766 = arith.constant 0 : i32
        %dma_start3A_767 = tpu.memref_slice %arg9[%sub3A_337, %dma_start3A_765, %dma_start3A_766] : memref<2x1920x32xf32, #tpu.memory_space<vmem>> -> memref<1x128x32xf32, #tpu.memory_space<vmem>>
        %dma_start3A_768 = tpu.memref_squeeze %dma_start3A_767 : memref<1x128x32xf32, #tpu.memory_space<vmem>> -> memref<128x32xf32, #tpu.memory_space<vmem>>
        %dma_start3A_769 = arith.constant 0 : i32
        %dma_start3A_770 = tpu.memref_slice %arg7[%sub3A_337, %dma_start3A_764, %dma_start3A_769] : memref<2x15x128xi32, #tpu.memory_space<vmem>> -> memref<1x1x128xi32, #tpu.memory_space<vmem>>
        %dma_start3A_771 = tpu.memref_squeeze %dma_start3A_770 : memref<1x1x128xi32, #tpu.memory_space<vmem>> -> memref<128xi32, #tpu.memory_space<vmem>>
        %dma_start3A_772 = arith.constant 0 : i32
        %dma_start3A_773 = arith.constant 0 : i32
        %dma_start3A_774 = tpu.memref_slice %arg3[%dma_start3A_772, %dma_start3A_773] : memref<1015808x32xf32, #tpu.memory_space<hbm>> -> memref<1015808x32xf32, #tpu.memory_space<hbm>>
        %dma_start3A_775 = tpu.memref_slice %arg12[%sub3A_337] : memref<2x!tpu.dma_semaphore, #tpu.memory_space<semaphore_mem>> -> memref<1x!tpu.dma_semaphore, #tpu.memory_space<semaphore_mem>>
        %dma_start3A_776 = tpu.memref_squeeze %dma_start3A_775 : memref<1x!tpu.dma_semaphore, #tpu.memory_space<semaphore_mem>> -> memref<!tpu.dma_semaphore, #tpu.memory_space<semaphore_mem>>
        tpu.enqueue_indirect_dma source(%dma_start3A_774 : memref<1015808x32xf32, #tpu.memory_space<hbm>>) target(%dma_start3A_768 : memref<128x32xf32, #tpu.memory_space<vmem>>) offsets(%dma_start3A_771 : memref<128xi32, #tpu.memory_space<vmem>>) semaphore(%dma_start3A_776 : memref<!tpu.dma_semaphore, #tpu.memory_space<semaphore_mem>>)
      } else {
      }
      %dma_wait3A = arith.constant 0 : i32
      %dma_wait3A_341 = arith.constant 0 : i32
      %dma_wait3A_342 = tpu.memref_slice %arg10[%rem3A_336, %dma_wait3A, %dma_wait3A_341] : memref<2x32x32xf32, #tpu.memory_space<vmem>> -> memref<1x32x32xf32, #tpu.memory_space<vmem>>
      %dma_wait3A_343 = tpu.memref_squeeze %dma_wait3A_342 : memref<1x32x32xf32, #tpu.memory_space<vmem>> -> memref<32x32xf32, #tpu.memory_space<vmem>>
      %dma_wait3A_344 = arith.constant 0 : i32
      %dma_wait3A_345 = tpu.memref_slice %arg8[%rem3A_336, %dma_wait3A_344] : memref<2x32xi32, #tpu.memory_space<vmem>> -> memref<1x32xi32, #tpu.memory_space<vmem>>
      %dma_wait3A_346 = tpu.memref_squeeze %dma_wait3A_345 : memref<1x32xi32, #tpu.memory_space<vmem>> -> memref<32xi32, #tpu.memory_space<vmem>>
      %dma_wait3A_347 = arith.constant 0 : i32
      %dma_wait3A_348 = arith.constant 0 : i32
      %dma_wait3A_349 = tpu.memref_slice %arg2[%dma_wait3A_347, %dma_wait3A_348] : memref<1015808x32xf32, #tpu.memory_space<hbm>> -> memref<1015808x32xf32, #tpu.memory_space<hbm>>
      %dma_wait3A_350 = tpu.memref_slice %arg12[%rem3A_336] : memref<2x!tpu.dma_semaphore, #tpu.memory_space<semaphore_mem>> -> memref<1x!tpu.dma_semaphore, #tpu.memory_space<semaphore_mem>>
      %dma_wait3A_351 = tpu.memref_squeeze %dma_wait3A_350 : memref<1x!tpu.dma_semaphore, #tpu.memory_space<semaphore_mem>> -> memref<!tpu.dma_semaphore, #tpu.memory_space<semaphore_mem>>
      tpu.wait_indirect_dma semaphore(%dma_wait3A_351 : memref<!tpu.dma_semaphore, #tpu.memory_space<semaphore_mem>>) src(%dma_wait3A_349 : memref<1015808x32xf32, #tpu.memory_space<hbm>>) dst(%dma_wait3A_343 : memref<32x32xf32, #tpu.memory_space<vmem>>)
      %dma_wait3A_352 = arith.constant 0 : i32
      %dma_wait3A_353 = arith.constant 0 : i32
      %dma_wait3A_354 = arith.constant 0 : i32
      %dma_wait3A_355 = tpu.memref_slice %arg9[%rem3A_336, %dma_wait3A_353, %dma_wait3A_354] : memref<2x1920x32xf32, #tpu.memory_space<vmem>> -> memref<1x128x32xf32, #tpu.memory_space<vmem>>
      %dma_wait3A_356 = tpu.memref_squeeze %dma_wait3A_355 : memref<1x128x32xf32, #tpu.memory_space<vmem>> -> memref<128x32xf32, #tpu.memory_space<vmem>>
      %dma_wait3A_357 = arith.constant 0 : i32
      %dma_wait3A_358 = tpu.memref_slice %arg7[%rem3A_336, %dma_wait3A_352, %dma_wait3A_357] : memref<2x15x128xi32, #tpu.memory_space<vmem>> -> memref<1x1x128xi32, #tpu.memory_space<vmem>>
      %dma_wait3A_359 = tpu.memref_squeeze %dma_wait3A_358 : memref<1x1x128xi32, #tpu.memory_space<vmem>> -> memref<128xi32, #tpu.memory_space<vmem>>
      %dma_wait3A_360 = arith.constant 0 : i32
      %dma_wait3A_361 = arith.constant 0 : i32
      %dma_wait3A_362 = tpu.memref_slice %arg3[%dma_wait3A_360, %dma_wait3A_361] : memref<1015808x32xf32, #tpu.memory_space<hbm>> -> memref<1015808x32xf32, #tpu.memory_space<hbm>>
      %dma_wait3A_363 = tpu.memref_slice %arg12[%rem3A_336] : memref<2x!tpu.dma_semaphore, #tpu.memory_space<semaphore_mem>> -> memref<1x!tpu.dma_semaphore, #tpu.memory_space<semaphore_mem>>
      %dma_wait3A_364 = tpu.memref_squeeze %dma_wait3A_363 : memref<1x!tpu.dma_semaphore, #tpu.memory_space<semaphore_mem>> -> memref<!tpu.dma_semaphore, #tpu.memory_space<semaphore_mem>>
      tpu.wait_indirect_dma semaphore(%dma_wait3A_364 : memref<!tpu.dma_semaphore, #tpu.memory_space<semaphore_mem>>) src(%dma_wait3A_362 : memref<1015808x32xf32, #tpu.memory_space<hbm>>) dst(%dma_wait3A_356 : memref<128x32xf32, #tpu.memory_space<vmem>>)
      %dma_wait3A_365 = arith.constant 1 : i32
      %dma_wait3A_366 = arith.constant 128 : i32
      %dma_wait3A_367 = arith.constant 0 : i32
      %dma_wait3A_368 = tpu.memref_slice %arg9[%rem3A_336, %dma_wait3A_366, %dma_wait3A_367] : memref<2x1920x32xf32, #tpu.memory_space<vmem>> -> memref<1x128x32xf32, #tpu.memory_space<vmem>>
      %dma_wait3A_369 = tpu.memref_squeeze %dma_wait3A_368 : memref<1x128x32xf32, #tpu.memory_space<vmem>> -> memref<128x32xf32, #tpu.memory_space<vmem>>
      %dma_wait3A_370 = arith.constant 0 : i32
      %dma_wait3A_371 = tpu.memref_slice %arg7[%rem3A_336, %dma_wait3A_365, %dma_wait3A_370] : memref<2x15x128xi32, #tpu.memory_space<vmem>> -> memref<1x1x128xi32, #tpu.memory_space<vmem>>
      %dma_wait3A_372 = tpu.memref_squeeze %dma_wait3A_371 : memref<1x1x128xi32, #tpu.memory_space<vmem>> -> memref<128xi32, #tpu.memory_space<vmem>>
      %dma_wait3A_373 = arith.constant 0 : i32
      %dma_wait3A_374 = arith.constant 0 : i32
      %dma_wait3A_375 = tpu.memref_slice %arg3[%dma_wait3A_373, %dma_wait3A_374] : memref<1015808x32xf32, #tpu.memory_space<hbm>> -> memref<1015808x32xf32, #tpu.memory_space<hbm>>
      %dma_wait3A_376 = tpu.memref_slice %arg12[%rem3A_336] : memref<2x!tpu.dma_semaphore, #tpu.memory_space<semaphore_mem>> -> memref<1x!tpu.dma_semaphore, #tpu.memory_space<semaphore_mem>>
      %dma_wait3A_377 = tpu.memref_squeeze %dma_wait3A_376 : memref<1x!tpu.dma_semaphore, #tpu.memory_space<semaphore_mem>> -> memref<!tpu.dma_semaphore, #tpu.memory_space<semaphore_mem>>
      tpu.wait_indirect_dma semaphore(%dma_wait3A_377 : memref<!tpu.dma_semaphore, #tpu.memory_space<semaphore_mem>>) src(%dma_wait3A_375 : memref<1015808x32xf32, #tpu.memory_space<hbm>>) dst(%dma_wait3A_369 : memref<128x32xf32, #tpu.memory_space<vmem>>)
      %dma_wait3A_378 = arith.constant 2 : i32
      %dma_wait3A_379 = arith.constant 256 : i32
      %dma_wait3A_380 = arith.constant 0 : i32
      %dma_wait3A_381 = tpu.memref_slice %arg9[%rem3A_336, %dma_wait3A_379, %dma_wait3A_380] : memref<2x1920x32xf32, #tpu.memory_space<vmem>> -> memref<1x128x32xf32, #tpu.memory_space<vmem>>
      %dma_wait3A_382 = tpu.memref_squeeze %dma_wait3A_381 : memref<1x128x32xf32, #tpu.memory_space<vmem>> -> memref<128x32xf32, #tpu.memory_space<vmem>>
      %dma_wait3A_383 = arith.constant 0 : i32
      %dma_wait3A_384 = tpu.memref_slice %arg7[%rem3A_336, %dma_wait3A_378, %dma_wait3A_383] : memref<2x15x128xi32, #tpu.memory_space<vmem>> -> memref<1x1x128xi32, #tpu.memory_space<vmem>>
      %dma_wait3A_385 = tpu.memref_squeeze %dma_wait3A_384 : memref<1x1x128xi32, #tpu.memory_space<vmem>> -> memref<128xi32, #tpu.memory_space<vmem>>
      %dma_wait3A_386 = arith.constant 0 : i32
      %dma_wait3A_387 = arith.constant 0 : i32
      %dma_wait3A_388 = tpu.memref_slice %arg3[%dma_wait3A_386, %dma_wait3A_387] : memref<1015808x32xf32, #tpu.memory_space<hbm>> -> memref<1015808x32xf32, #tpu.memory_space<hbm>>
      %dma_wait3A_389 = tpu.memref_slice %arg12[%rem3A_336] : memref<2x!tpu.dma_semaphore, #tpu.memory_space<semaphore_mem>> -> memref<1x!tpu.dma_semaphore, #tpu.memory_space<semaphore_mem>>
      %dma_wait3A_390 = tpu.memref_squeeze %dma_wait3A_389 : memref<1x!tpu.dma_semaphore, #tpu.memory_space<semaphore_mem>> -> memref<!tpu.dma_semaphore, #tpu.memory_space<semaphore_mem>>
      tpu.wait_indirect_dma semaphore(%dma_wait3A_390 : memref<!tpu.dma_semaphore, #tpu.memory_space<semaphore_mem>>) src(%dma_wait3A_388 : memref<1015808x32xf32, #tpu.memory_space<hbm>>) dst(%dma_wait3A_382 : memref<128x32xf32, #tpu.memory_space<vmem>>)
      %dma_wait3A_391 = arith.constant 3 : i32
      %dma_wait3A_392 = arith.constant 384 : i32
      %dma_wait3A_393 = arith.constant 0 : i32
      %dma_wait3A_394 = tpu.memref_slice %arg9[%rem3A_336, %dma_wait3A_392, %dma_wait3A_393] : memref<2x1920x32xf32, #tpu.memory_space<vmem>> -> memref<1x128x32xf32, #tpu.memory_space<vmem>>
      %dma_wait3A_395 = tpu.memref_squeeze %dma_wait3A_394 : memref<1x128x32xf32, #tpu.memory_space<vmem>> -> memref<128x32xf32, #tpu.memory_space<vmem>>
      %dma_wait3A_396 = arith.constant 0 : i32
      %dma_wait3A_397 = tpu.memref_slice %arg7[%rem3A_336, %dma_wait3A_391, %dma_wait3A_396] : memref<2x15x128xi32, #tpu.memory_space<vmem>> -> memref<1x1x128xi32, #tpu.memory_space<vmem>>
      %dma_wait3A_398 = tpu.memref_squeeze %dma_wait3A_397 : memref<1x1x128xi32, #tpu.memory_space<vmem>> -> memref<128xi32, #tpu.memory_space<vmem>>
      %dma_wait3A_399 = arith.constant 0 : i32
      %dma_wait3A_400 = arith.constant 0 : i32
      %dma_wait3A_401 = tpu.memref_slice %arg3[%dma_wait3A_399, %dma_wait3A_400] : memref<1015808x32xf32, #tpu.memory_space<hbm>> -> memref<1015808x32xf32, #tpu.memory_space<hbm>>
      %dma_wait3A_402 = tpu.memref_slice %arg12[%rem3A_336] : memref<2x!tpu.dma_semaphore, #tpu.memory_space<semaphore_mem>> -> memref<1x!tpu.dma_semaphore, #tpu.memory_space<semaphore_mem>>
      %dma_wait3A_403 = tpu.memref_squeeze %dma_wait3A_402 : memref<1x!tpu.dma_semaphore, #tpu.memory_space<semaphore_mem>> -> memref<!tpu.dma_semaphore, #tpu.memory_space<semaphore_mem>>
      tpu.wait_indirect_dma semaphore(%dma_wait3A_403 : memref<!tpu.dma_semaphore, #tpu.memory_space<semaphore_mem>>) src(%dma_wait3A_401 : memref<1015808x32xf32, #tpu.memory_space<hbm>>) dst(%dma_wait3A_395 : memref<128x32xf32, #tpu.memory_space<vmem>>)
      %dma_wait3A_404 = arith.constant 4 : i32
      %dma_wait3A_405 = arith.constant 512 : i32
      %dma_wait3A_406 = arith.constant 0 : i32
      %dma_wait3A_407 = tpu.memref_slice %arg9[%rem3A_336, %dma_wait3A_405, %dma_wait3A_406] : memref<2x1920x32xf32, #tpu.memory_space<vmem>> -> memref<1x128x32xf32, #tpu.memory_space<vmem>>
      %dma_wait3A_408 = tpu.memref_squeeze %dma_wait3A_407 : memref<1x128x32xf32, #tpu.memory_space<vmem>> -> memref<128x32xf32, #tpu.memory_space<vmem>>
      %dma_wait3A_409 = arith.constant 0 : i32
      %dma_wait3A_410 = tpu.memref_slice %arg7[%rem3A_336, %dma_wait3A_404, %dma_wait3A_409] : memref<2x15x128xi32, #tpu.memory_space<vmem>> -> memref<1x1x128xi32, #tpu.memory_space<vmem>>
      %dma_wait3A_411 = tpu.memref_squeeze %dma_wait3A_410 : memref<1x1x128xi32, #tpu.memory_space<vmem>> -> memref<128xi32, #tpu.memory_space<vmem>>
      %dma_wait3A_412 = arith.constant 0 : i32
      %dma_wait3A_413 = arith.constant 0 : i32
      %dma_wait3A_414 = tpu.memref_slice %arg3[%dma_wait3A_412, %dma_wait3A_413] : memref<1015808x32xf32, #tpu.memory_space<hbm>> -> memref<1015808x32xf32, #tpu.memory_space<hbm>>
      %dma_wait3A_415 = tpu.memref_slice %arg12[%rem3A_336] : memref<2x!tpu.dma_semaphore, #tpu.memory_space<semaphore_mem>> -> memref<1x!tpu.dma_semaphore, #tpu.memory_space<semaphore_mem>>
      %dma_wait3A_416 = tpu.memref_squeeze %dma_wait3A_415 : memref<1x!tpu.dma_semaphore, #tpu.memory_space<semaphore_mem>> -> memref<!tpu.dma_semaphore, #tpu.memory_space<semaphore_mem>>
      tpu.wait_indirect_dma semaphore(%dma_wait3A_416 : memref<!tpu.dma_semaphore, #tpu.memory_space<semaphore_mem>>) src(%dma_wait3A_414 : memref<1015808x32xf32, #tpu.memory_space<hbm>>) dst(%dma_wait3A_408 : memref<128x32xf32, #tpu.memory_space<vmem>>)
      %dma_wait3A_417 = arith.constant 5 : i32
      %dma_wait3A_418 = arith.constant 640 : i32
      %dma_wait3A_419 = arith.constant 0 : i32
      %dma_wait3A_420 = tpu.memref_slice %arg9[%rem3A_336, %dma_wait3A_418, %dma_wait3A_419] : memref<2x1920x32xf32, #tpu.memory_space<vmem>> -> memref<1x128x32xf32, #tpu.memory_space<vmem>>
      %dma_wait3A_421 = tpu.memref_squeeze %dma_wait3A_420 : memref<1x128x32xf32, #tpu.memory_space<vmem>> -> memref<128x32xf32, #tpu.memory_space<vmem>>
      %dma_wait3A_422 = arith.constant 0 : i32
      %dma_wait3A_423 = tpu.memref_slice %arg7[%rem3A_336, %dma_wait3A_417, %dma_wait3A_422] : memref<2x15x128xi32, #tpu.memory_space<vmem>> -> memref<1x1x128xi32, #tpu.memory_space<vmem>>
      %dma_wait3A_424 = tpu.memref_squeeze %dma_wait3A_423 : memref<1x1x128xi32, #tpu.memory_space<vmem>> -> memref<128xi32, #tpu.memory_space<vmem>>
      %dma_wait3A_425 = arith.constant 0 : i32
      %dma_wait3A_426 = arith.constant 0 : i32
      %dma_wait3A_427 = tpu.memref_slice %arg3[%dma_wait3A_425, %dma_wait3A_426] : memref<1015808x32xf32, #tpu.memory_space<hbm>> -> memref<1015808x32xf32, #tpu.memory_space<hbm>>
      %dma_wait3A_428 = tpu.memref_slice %arg12[%rem3A_336] : memref<2x!tpu.dma_semaphore, #tpu.memory_space<semaphore_mem>> -> memref<1x!tpu.dma_semaphore, #tpu.memory_space<semaphore_mem>>
      %dma_wait3A_429 = tpu.memref_squeeze %dma_wait3A_428 : memref<1x!tpu.dma_semaphore, #tpu.memory_space<semaphore_mem>> -> memref<!tpu.dma_semaphore, #tpu.memory_space<semaphore_mem>>
      tpu.wait_indirect_dma semaphore(%dma_wait3A_429 : memref<!tpu.dma_semaphore, #tpu.memory_space<semaphore_mem>>) src(%dma_wait3A_427 : memref<1015808x32xf32, #tpu.memory_space<hbm>>) dst(%dma_wait3A_421 : memref<128x32xf32, #tpu.memory_space<vmem>>)
      %dma_wait3A_430 = arith.constant 6 : i32
      %dma_wait3A_431 = arith.constant 768 : i32
      %dma_wait3A_432 = arith.constant 0 : i32
      %dma_wait3A_433 = tpu.memref_slice %arg9[%rem3A_336, %dma_wait3A_431, %dma_wait3A_432] : memref<2x1920x32xf32, #tpu.memory_space<vmem>> -> memref<1x128x32xf32, #tpu.memory_space<vmem>>
      %dma_wait3A_434 = tpu.memref_squeeze %dma_wait3A_433 : memref<1x128x32xf32, #tpu.memory_space<vmem>> -> memref<128x32xf32, #tpu.memory_space<vmem>>
      %dma_wait3A_435 = arith.constant 0 : i32
      %dma_wait3A_436 = tpu.memref_slice %arg7[%rem3A_336, %dma_wait3A_430, %dma_wait3A_435] : memref<2x15x128xi32, #tpu.memory_space<vmem>> -> memref<1x1x128xi32, #tpu.memory_space<vmem>>
      %dma_wait3A_437 = tpu.memref_squeeze %dma_wait3A_436 : memref<1x1x128xi32, #tpu.memory_space<vmem>> -> memref<128xi32, #tpu.memory_space<vmem>>
      %dma_wait3A_438 = arith.constant 0 : i32
      %dma_wait3A_439 = arith.constant 0 : i32
      %dma_wait3A_440 = tpu.memref_slice %arg3[%dma_wait3A_438, %dma_wait3A_439] : memref<1015808x32xf32, #tpu.memory_space<hbm>> -> memref<1015808x32xf32, #tpu.memory_space<hbm>>
      %dma_wait3A_441 = tpu.memref_slice %arg12[%rem3A_336] : memref<2x!tpu.dma_semaphore, #tpu.memory_space<semaphore_mem>> -> memref<1x!tpu.dma_semaphore, #tpu.memory_space<semaphore_mem>>
      %dma_wait3A_442 = tpu.memref_squeeze %dma_wait3A_441 : memref<1x!tpu.dma_semaphore, #tpu.memory_space<semaphore_mem>> -> memref<!tpu.dma_semaphore, #tpu.memory_space<semaphore_mem>>
      tpu.wait_indirect_dma semaphore(%dma_wait3A_442 : memref<!tpu.dma_semaphore, #tpu.memory_space<semaphore_mem>>) src(%dma_wait3A_440 : memref<1015808x32xf32, #tpu.memory_space<hbm>>) dst(%dma_wait3A_434 : memref<128x32xf32, #tpu.memory_space<vmem>>)
      %dma_wait3A_443 = arith.constant 7 : i32
      %dma_wait3A_444 = arith.constant 896 : i32
      %dma_wait3A_445 = arith.constant 0 : i32
      %dma_wait3A_446 = tpu.memref_slice %arg9[%rem3A_336, %dma_wait3A_444, %dma_wait3A_445] : memref<2x1920x32xf32, #tpu.memory_space<vmem>> -> memref<1x128x32xf32, #tpu.memory_space<vmem>>
      %dma_wait3A_447 = tpu.memref_squeeze %dma_wait3A_446 : memref<1x128x32xf32, #tpu.memory_space<vmem>> -> memref<128x32xf32, #tpu.memory_space<vmem>>
      %dma_wait3A_448 = arith.constant 0 : i32
      %dma_wait3A_449 = tpu.memref_slice %arg7[%rem3A_336, %dma_wait3A_443, %dma_wait3A_448] : memref<2x15x128xi32, #tpu.memory_space<vmem>> -> memref<1x1x128xi32, #tpu.memory_space<vmem>>
      %dma_wait3A_450 = tpu.memref_squeeze %dma_wait3A_449 : memref<1x1x128xi32, #tpu.memory_space<vmem>> -> memref<128xi32, #tpu.memory_space<vmem>>
      %dma_wait3A_451 = arith.constant 0 : i32
      %dma_wait3A_452 = arith.constant 0 : i32
      %dma_wait3A_453 = tpu.memref_slice %arg3[%dma_wait3A_451, %dma_wait3A_452] : memref<1015808x32xf32, #tpu.memory_space<hbm>> -> memref<1015808x32xf32, #tpu.memory_space<hbm>>
      %dma_wait3A_454 = tpu.memref_slice %arg12[%rem3A_336] : memref<2x!tpu.dma_semaphore, #tpu.memory_space<semaphore_mem>> -> memref<1x!tpu.dma_semaphore, #tpu.memory_space<semaphore_mem>>
      %dma_wait3A_455 = tpu.memref_squeeze %dma_wait3A_454 : memref<1x!tpu.dma_semaphore, #tpu.memory_space<semaphore_mem>> -> memref<!tpu.dma_semaphore, #tpu.memory_space<semaphore_mem>>
      tpu.wait_indirect_dma semaphore(%dma_wait3A_455 : memref<!tpu.dma_semaphore, #tpu.memory_space<semaphore_mem>>) src(%dma_wait3A_453 : memref<1015808x32xf32, #tpu.memory_space<hbm>>) dst(%dma_wait3A_447 : memref<128x32xf32, #tpu.memory_space<vmem>>)
      %dma_wait3A_456 = arith.constant 8 : i32
      %dma_wait3A_457 = arith.constant 1024 : i32
      %dma_wait3A_458 = arith.constant 0 : i32
      %dma_wait3A_459 = tpu.memref_slice %arg9[%rem3A_336, %dma_wait3A_457, %dma_wait3A_458] : memref<2x1920x32xf32, #tpu.memory_space<vmem>> -> memref<1x128x32xf32, #tpu.memory_space<vmem>>
      %dma_wait3A_460 = tpu.memref_squeeze %dma_wait3A_459 : memref<1x128x32xf32, #tpu.memory_space<vmem>> -> memref<128x32xf32, #tpu.memory_space<vmem>>
      %dma_wait3A_461 = arith.constant 0 : i32
      %dma_wait3A_462 = tpu.memref_slice %arg7[%rem3A_336, %dma_wait3A_456, %dma_wait3A_461] : memref<2x15x128xi32, #tpu.memory_space<vmem>> -> memref<1x1x128xi32, #tpu.memory_space<vmem>>
      %dma_wait3A_463 = tpu.memref_squeeze %dma_wait3A_462 : memref<1x1x128xi32, #tpu.memory_space<vmem>> -> memref<128xi32, #tpu.memory_space<vmem>>
      %dma_wait3A_464 = arith.constant 0 : i32
      %dma_wait3A_465 = arith.constant 0 : i32
      %dma_wait3A_466 = tpu.memref_slice %arg3[%dma_wait3A_464, %dma_wait3A_465] : memref<1015808x32xf32, #tpu.memory_space<hbm>> -> memref<1015808x32xf32, #tpu.memory_space<hbm>>
      %dma_wait3A_467 = tpu.memref_slice %arg12[%rem3A_336] : memref<2x!tpu.dma_semaphore, #tpu.memory_space<semaphore_mem>> -> memref<1x!tpu.dma_semaphore, #tpu.memory_space<semaphore_mem>>
      %dma_wait3A_468 = tpu.memref_squeeze %dma_wait3A_467 : memref<1x!tpu.dma_semaphore, #tpu.memory_space<semaphore_mem>> -> memref<!tpu.dma_semaphore, #tpu.memory_space<semaphore_mem>>
      tpu.wait_indirect_dma semaphore(%dma_wait3A_468 : memref<!tpu.dma_semaphore, #tpu.memory_space<semaphore_mem>>) src(%dma_wait3A_466 : memref<1015808x32xf32, #tpu.memory_space<hbm>>) dst(%dma_wait3A_460 : memref<128x32xf32, #tpu.memory_space<vmem>>)
      %dma_wait3A_469 = arith.constant 9 : i32
      %dma_wait3A_470 = arith.constant 1152 : i32
      %dma_wait3A_471 = arith.constant 0 : i32
      %dma_wait3A_472 = tpu.memref_slice %arg9[%rem3A_336, %dma_wait3A_470, %dma_wait3A_471] : memref<2x1920x32xf32, #tpu.memory_space<vmem>> -> memref<1x128x32xf32, #tpu.memory_space<vmem>>
      %dma_wait3A_473 = tpu.memref_squeeze %dma_wait3A_472 : memref<1x128x32xf32, #tpu.memory_space<vmem>> -> memref<128x32xf32, #tpu.memory_space<vmem>>
      %dma_wait3A_474 = arith.constant 0 : i32
      %dma_wait3A_475 = tpu.memref_slice %arg7[%rem3A_336, %dma_wait3A_469, %dma_wait3A_474] : memref<2x15x128xi32, #tpu.memory_space<vmem>> -> memref<1x1x128xi32, #tpu.memory_space<vmem>>
      %dma_wait3A_476 = tpu.memref_squeeze %dma_wait3A_475 : memref<1x1x128xi32, #tpu.memory_space<vmem>> -> memref<128xi32, #tpu.memory_space<vmem>>
      %dma_wait3A_477 = arith.constant 0 : i32
      %dma_wait3A_478 = arith.constant 0 : i32
      %dma_wait3A_479 = tpu.memref_slice %arg3[%dma_wait3A_477, %dma_wait3A_478] : memref<1015808x32xf32, #tpu.memory_space<hbm>> -> memref<1015808x32xf32, #tpu.memory_space<hbm>>
      %dma_wait3A_480 = tpu.memref_slice %arg12[%rem3A_336] : memref<2x!tpu.dma_semaphore, #tpu.memory_space<semaphore_mem>> -> memref<1x!tpu.dma_semaphore, #tpu.memory_space<semaphore_mem>>
      %dma_wait3A_481 = tpu.memref_squeeze %dma_wait3A_480 : memref<1x!tpu.dma_semaphore, #tpu.memory_space<semaphore_mem>> -> memref<!tpu.dma_semaphore, #tpu.memory_space<semaphore_mem>>
      tpu.wait_indirect_dma semaphore(%dma_wait3A_481 : memref<!tpu.dma_semaphore, #tpu.memory_space<semaphore_mem>>) src(%dma_wait3A_479 : memref<1015808x32xf32, #tpu.memory_space<hbm>>) dst(%dma_wait3A_473 : memref<128x32xf32, #tpu.memory_space<vmem>>)
      %dma_wait3A_482 = arith.constant 10 : i32
      %dma_wait3A_483 = arith.constant 1280 : i32
      %dma_wait3A_484 = arith.constant 0 : i32
      %dma_wait3A_485 = tpu.memref_slice %arg9[%rem3A_336, %dma_wait3A_483, %dma_wait3A_484] : memref<2x1920x32xf32, #tpu.memory_space<vmem>> -> memref<1x128x32xf32, #tpu.memory_space<vmem>>
      %dma_wait3A_486 = tpu.memref_squeeze %dma_wait3A_485 : memref<1x128x32xf32, #tpu.memory_space<vmem>> -> memref<128x32xf32, #tpu.memory_space<vmem>>
      %dma_wait3A_487 = arith.constant 0 : i32
      %dma_wait3A_488 = tpu.memref_slice %arg7[%rem3A_336, %dma_wait3A_482, %dma_wait3A_487] : memref<2x15x128xi32, #tpu.memory_space<vmem>> -> memref<1x1x128xi32, #tpu.memory_space<vmem>>
      %dma_wait3A_489 = tpu.memref_squeeze %dma_wait3A_488 : memref<1x1x128xi32, #tpu.memory_space<vmem>> -> memref<128xi32, #tpu.memory_space<vmem>>
      %dma_wait3A_490 = arith.constant 0 : i32
      %dma_wait3A_491 = arith.constant 0 : i32
      %dma_wait3A_492 = tpu.memref_slice %arg3[%dma_wait3A_490, %dma_wait3A_491] : memref<1015808x32xf32, #tpu.memory_space<hbm>> -> memref<1015808x32xf32, #tpu.memory_space<hbm>>
      %dma_wait3A_493 = tpu.memref_slice %arg12[%rem3A_336] : memref<2x!tpu.dma_semaphore, #tpu.memory_space<semaphore_mem>> -> memref<1x!tpu.dma_semaphore, #tpu.memory_space<semaphore_mem>>
      %dma_wait3A_494 = tpu.memref_squeeze %dma_wait3A_493 : memref<1x!tpu.dma_semaphore, #tpu.memory_space<semaphore_mem>> -> memref<!tpu.dma_semaphore, #tpu.memory_space<semaphore_mem>>
      tpu.wait_indirect_dma semaphore(%dma_wait3A_494 : memref<!tpu.dma_semaphore, #tpu.memory_space<semaphore_mem>>) src(%dma_wait3A_492 : memref<1015808x32xf32, #tpu.memory_space<hbm>>) dst(%dma_wait3A_486 : memref<128x32xf32, #tpu.memory_space<vmem>>)
      %dma_wait3A_495 = arith.constant 11 : i32
      %dma_wait3A_496 = arith.constant 1408 : i32
      %dma_wait3A_497 = arith.constant 0 : i32
      %dma_wait3A_498 = tpu.memref_slice %arg9[%rem3A_336, %dma_wait3A_496, %dma_wait3A_497] : memref<2x1920x32xf32, #tpu.memory_space<vmem>> -> memref<1x128x32xf32, #tpu.memory_space<vmem>>
      %dma_wait3A_499 = tpu.memref_squeeze %dma_wait3A_498 : memref<1x128x32xf32, #tpu.memory_space<vmem>> -> memref<128x32xf32, #tpu.memory_space<vmem>>
      %dma_wait3A_500 = arith.constant 0 : i32
      %dma_wait3A_501 = tpu.memref_slice %arg7[%rem3A_336, %dma_wait3A_495, %dma_wait3A_500] : memref<2x15x128xi32, #tpu.memory_space<vmem>> -> memref<1x1x128xi32, #tpu.memory_space<vmem>>
      %dma_wait3A_502 = tpu.memref_squeeze %dma_wait3A_501 : memref<1x1x128xi32, #tpu.memory_space<vmem>> -> memref<128xi32, #tpu.memory_space<vmem>>
      %dma_wait3A_503 = arith.constant 0 : i32
      %dma_wait3A_504 = arith.constant 0 : i32
      %dma_wait3A_505 = tpu.memref_slice %arg3[%dma_wait3A_503, %dma_wait3A_504] : memref<1015808x32xf32, #tpu.memory_space<hbm>> -> memref<1015808x32xf32, #tpu.memory_space<hbm>>
      %dma_wait3A_506 = tpu.memref_slice %arg12[%rem3A_336] : memref<2x!tpu.dma_semaphore, #tpu.memory_space<semaphore_mem>> -> memref<1x!tpu.dma_semaphore, #tpu.memory_space<semaphore_mem>>
      %dma_wait3A_507 = tpu.memref_squeeze %dma_wait3A_506 : memref<1x!tpu.dma_semaphore, #tpu.memory_space<semaphore_mem>> -> memref<!tpu.dma_semaphore, #tpu.memory_space<semaphore_mem>>
      tpu.wait_indirect_dma semaphore(%dma_wait3A_507 : memref<!tpu.dma_semaphore, #tpu.memory_space<semaphore_mem>>) src(%dma_wait3A_505 : memref<1015808x32xf32, #tpu.memory_space<hbm>>) dst(%dma_wait3A_499 : memref<128x32xf32, #tpu.memory_space<vmem>>)
      %dma_wait3A_508 = arith.constant 12 : i32
      %dma_wait3A_509 = arith.constant 1536 : i32
      %dma_wait3A_510 = arith.constant 0 : i32
      %dma_wait3A_511 = tpu.memref_slice %arg9[%rem3A_336, %dma_wait3A_509, %dma_wait3A_510] : memref<2x1920x32xf32, #tpu.memory_space<vmem>> -> memref<1x128x32xf32, #tpu.memory_space<vmem>>
      %dma_wait3A_512 = tpu.memref_squeeze %dma_wait3A_511 : memref<1x128x32xf32, #tpu.memory_space<vmem>> -> memref<128x32xf32, #tpu.memory_space<vmem>>
      %dma_wait3A_513 = arith.constant 0 : i32
      %dma_wait3A_514 = tpu.memref_slice %arg7[%rem3A_336, %dma_wait3A_508, %dma_wait3A_513] : memref<2x15x128xi32, #tpu.memory_space<vmem>> -> memref<1x1x128xi32, #tpu.memory_space<vmem>>
      %dma_wait3A_515 = tpu.memref_squeeze %dma_wait3A_514 : memref<1x1x128xi32, #tpu.memory_space<vmem>> -> memref<128xi32, #tpu.memory_space<vmem>>
      %dma_wait3A_516 = arith.constant 0 : i32
      %dma_wait3A_517 = arith.constant 0 : i32
      %dma_wait3A_518 = tpu.memref_slice %arg3[%dma_wait3A_516, %dma_wait3A_517] : memref<1015808x32xf32, #tpu.memory_space<hbm>> -> memref<1015808x32xf32, #tpu.memory_space<hbm>>
      %dma_wait3A_519 = tpu.memref_slice %arg12[%rem3A_336] : memref<2x!tpu.dma_semaphore, #tpu.memory_space<semaphore_mem>> -> memref<1x!tpu.dma_semaphore, #tpu.memory_space<semaphore_mem>>
      %dma_wait3A_520 = tpu.memref_squeeze %dma_wait3A_519 : memref<1x!tpu.dma_semaphore, #tpu.memory_space<semaphore_mem>> -> memref<!tpu.dma_semaphore, #tpu.memory_space<semaphore_mem>>
      tpu.wait_indirect_dma semaphore(%dma_wait3A_520 : memref<!tpu.dma_semaphore, #tpu.memory_space<semaphore_mem>>) src(%dma_wait3A_518 : memref<1015808x32xf32, #tpu.memory_space<hbm>>) dst(%dma_wait3A_512 : memref<128x32xf32, #tpu.memory_space<vmem>>)
      %dma_wait3A_521 = arith.constant 13 : i32
      %dma_wait3A_522 = arith.constant 1664 : i32
      %dma_wait3A_523 = arith.constant 0 : i32
      %dma_wait3A_524 = tpu.memref_slice %arg9[%rem3A_336, %dma_wait3A_522, %dma_wait3A_523] : memref<2x1920x32xf32, #tpu.memory_space<vmem>> -> memref<1x128x32xf32, #tpu.memory_space<vmem>>
      %dma_wait3A_525 = tpu.memref_squeeze %dma_wait3A_524 : memref<1x128x32xf32, #tpu.memory_space<vmem>> -> memref<128x32xf32, #tpu.memory_space<vmem>>
      %dma_wait3A_526 = arith.constant 0 : i32
      %dma_wait3A_527 = tpu.memref_slice %arg7[%rem3A_336, %dma_wait3A_521, %dma_wait3A_526] : memref<2x15x128xi32, #tpu.memory_space<vmem>> -> memref<1x1x128xi32, #tpu.memory_space<vmem>>
      %dma_wait3A_528 = tpu.memref_squeeze %dma_wait3A_527 : memref<1x1x128xi32, #tpu.memory_space<vmem>> -> memref<128xi32, #tpu.memory_space<vmem>>
      %dma_wait3A_529 = arith.constant 0 : i32
      %dma_wait3A_530 = arith.constant 0 : i32
      %dma_wait3A_531 = tpu.memref_slice %arg3[%dma_wait3A_529, %dma_wait3A_530] : memref<1015808x32xf32, #tpu.memory_space<hbm>> -> memref<1015808x32xf32, #tpu.memory_space<hbm>>
      %dma_wait3A_532 = tpu.memref_slice %arg12[%rem3A_336] : memref<2x!tpu.dma_semaphore, #tpu.memory_space<semaphore_mem>> -> memref<1x!tpu.dma_semaphore, #tpu.memory_space<semaphore_mem>>
      %dma_wait3A_533 = tpu.memref_squeeze %dma_wait3A_532 : memref<1x!tpu.dma_semaphore, #tpu.memory_space<semaphore_mem>> -> memref<!tpu.dma_semaphore, #tpu.memory_space<semaphore_mem>>
      tpu.wait_indirect_dma semaphore(%dma_wait3A_533 : memref<!tpu.dma_semaphore, #tpu.memory_space<semaphore_mem>>) src(%dma_wait3A_531 : memref<1015808x32xf32, #tpu.memory_space<hbm>>) dst(%dma_wait3A_525 : memref<128x32xf32, #tpu.memory_space<vmem>>)
      %dma_wait3A_534 = arith.constant 14 : i32
      %dma_wait3A_535 = arith.constant 1792 : i32
      %dma_wait3A_536 = arith.constant 0 : i32
      %dma_wait3A_537 = tpu.memref_slice %arg9[%rem3A_336, %dma_wait3A_535, %dma_wait3A_536] : memref<2x1920x32xf32, #tpu.memory_space<vmem>> -> memref<1x128x32xf32, #tpu.memory_space<vmem>>
      %dma_wait3A_538 = tpu.memref_squeeze %dma_wait3A_537 : memref<1x128x32xf32, #tpu.memory_space<vmem>> -> memref<128x32xf32, #tpu.memory_space<vmem>>
      %dma_wait3A_539 = arith.constant 0 : i32
      %dma_wait3A_540 = tpu.memref_slice %arg7[%rem3A_336, %dma_wait3A_534, %dma_wait3A_539] : memref<2x15x128xi32, #tpu.memory_space<vmem>> -> memref<1x1x128xi32, #tpu.memory_space<vmem>>
      %dma_wait3A_541 = tpu.memref_squeeze %dma_wait3A_540 : memref<1x1x128xi32, #tpu.memory_space<vmem>> -> memref<128xi32, #tpu.memory_space<vmem>>
      %dma_wait3A_542 = arith.constant 0 : i32
      %dma_wait3A_543 = arith.constant 0 : i32
      %dma_wait3A_544 = tpu.memref_slice %arg3[%dma_wait3A_542, %dma_wait3A_543] : memref<1015808x32xf32, #tpu.memory_space<hbm>> -> memref<1015808x32xf32, #tpu.memory_space<hbm>>
      %dma_wait3A_545 = tpu.memref_slice %arg12[%rem3A_336] : memref<2x!tpu.dma_semaphore, #tpu.memory_space<semaphore_mem>> -> memref<1x!tpu.dma_semaphore, #tpu.memory_space<semaphore_mem>>
      %dma_wait3A_546 = tpu.memref_squeeze %dma_wait3A_545 : memref<1x!tpu.dma_semaphore, #tpu.memory_space<semaphore_mem>> -> memref<!tpu.dma_semaphore, #tpu.memory_space<semaphore_mem>>
      tpu.wait_indirect_dma semaphore(%dma_wait3A_546 : memref<!tpu.dma_semaphore, #tpu.memory_space<semaphore_mem>>) src(%dma_wait3A_544 : memref<1015808x32xf32, #tpu.memory_space<hbm>>) dst(%dma_wait3A_538 : memref<128x32xf32, #tpu.memory_space<vmem>>)
      %scan3A_547 = arith.constant 0 : i32
      %scan3A_548 = arith.constant 0 : i32
      %scan3A_549 = arith.constant 32 : i32
      %scan3A_550 = arith.addi %scan3A_548, %scan3A_549 : i32
      %scan3A_551 = arith.constant 1 : i32
      scf.for %scan3A_559 = %scan3A_548 to %scan3A_550 step %scan3A_551  : i32 {
        %mul3A_560 = arith.constant 60 : i32
        %mul3A_561 = arith.muli %scan3A_559, %mul3A_560 : i32
        %add3A_562 = vector.broadcast %mul3A_561 : i32 to vector<16xi32>
        %add3A_563 = arith.addi %iota3A, %add3A_562 : vector<16xi32>
        %add3A_564 = arith.constant 0 : i32
        %add3A_565 = vector.broadcast %add3A_564 : i32 to vector<16xi32>
        %add3A_566 = arith.addi %add3A_563, %add3A_565 : vector<16xi32>
        %add3A_567 = arith.constant 16 : i32
        %add3A_568 = vector.broadcast %add3A_567 : i32 to vector<16xi32>
        %add3A_569 = arith.addi %add3A_563, %add3A_568 : vector<16xi32>
        %add3A_570 = arith.constant 32 : i32
        %add3A_571 = vector.broadcast %add3A_570 : i32 to vector<16xi32>
        %add3A_572 = arith.addi %add3A_563, %add3A_571 : vector<16xi32>
        %add3A_573 = arith.constant 48 : i32
        %add3A_574 = vector.broadcast %add3A_573 : i32 to vector<16xi32>
        %add3A_575 = arith.addi %add3A_563, %add3A_574 : vector<16xi32>
        %broadcast_in_dim3A_576 = arith.constant 0.000000e+00 : f32
        %broadcast_in_dim3A_577 = vector.broadcast %broadcast_in_dim3A_576 : f32 to vector<16xf32>
        %broadcast_in_dim3A_578 = arith.constant 0.000000e+00 : f32
        %broadcast_in_dim3A_579 = vector.broadcast %broadcast_in_dim3A_578 : f32 to vector<16xf32>
        %broadcast_in_dim3A_580 = arith.constant 0.000000e+00 : f32
        %broadcast_in_dim3A_581 = vector.broadcast %broadcast_in_dim3A_580 : f32 to vector<16xf32>
        %broadcast_in_dim3A_582 = arith.constant 0.000000e+00 : f32
        %broadcast_in_dim3A_583 = vector.broadcast %broadcast_in_dim3A_582 : f32 to vector<16xf32>
        %get3A = arith.index_cast %rem3A_336 : i32 to index
        %get3A_584 = arith.index_cast %scan3A_559 : i32 to index
        %get3A_585 = arith.constant 0 : index
        %get3A_586 = tpu.vector_load %arg10[%get3A, %get3A_584, %get3A_585] {strides = array<i32>} : memref<2x32x32xf32, #tpu.memory_space<vmem>>, vector<16xf32>,
        %get3A_587 = arith.index_cast %rem3A_336 : i32 to index
        %get3A_588 = arith.index_cast %scan3A_559 : i32 to index
        %get3A_589 = arith.constant 16 : index
        %get3A_590 = tpu.vector_load %arg10[%get3A_587, %get3A_588, %get3A_589] {strides = array<i32>} : memref<2x32x32xf32, #tpu.memory_space<vmem>>, vector<16xf32>,
        %broadcast_in_dim3A_591 = vector.broadcast %rem3A_336 : i32 to vector<16xi32>
        %slice3A = vector.extract_strided_slice %get3A_586 {offsets = [0], sizes = [1], strides = [1]} : vector<16xf32> to vector<1xf32>
        %squeeze3A = vector.extract %slice3A[0] : f32 from vector<1xf32>
        %gather3A = tpu.vector_load_idx %arg9[%broadcast_in_dim3A_591, %add3A_566, %broadcast_in_dim3A_1] : memref<2x1920x32xf32, #tpu.memory_space<vmem>>[vector<16xi32>, vector<16xi32>, vector<16xi32>], vector<16xf32>,
        %mul3A_592 = vector.broadcast %squeeze3A : f32 to vector<16xf32>
        %mul3A_593 = arith.mulf %gather3A, %mul3A_592 : vector<16xf32>
        %add3A_594 = arith.addf %broadcast_in_dim3A_577, %mul3A_593 : vector<16xf32>
        %gather3A_595 = tpu.vector_load_idx %arg9[%broadcast_in_dim3A_591, %add3A_569, %broadcast_in_dim3A_1] : memref<2x1920x32xf32, #tpu.memory_space<vmem>>[vector<16xi32>, vector<16xi32>, vector<16xi32>], vector<16xf32>,
        %mul3A_596 = vector.broadcast %squeeze3A : f32 to vector<16xf32>
        %mul3A_597 = arith.mulf %gather3A_595, %mul3A_596 : vector<16xf32>
        %add3A_598 = arith.addf %broadcast_in_dim3A_579, %mul3A_597 : vector<16xf32>
        %gather3A_599 = tpu.vector_load_idx %arg9[%broadcast_in_dim3A_591, %add3A_572, %broadcast_in_dim3A_1] : memref<2x1920x32xf32, #tpu.memory_space<vmem>>[vector<16xi32>, vector<16xi32>, vector<16xi32>], vector<16xf32>,
        %mul3A_600 = vector.broadcast %squeeze3A : f32 to vector<16xf32>
        %mul3A_601 = arith.mulf %gather3A_599, %mul3A_600 : vector<16xf32>
        %add3A_602 = arith.addf %broadcast_in_dim3A_581, %mul3A_601 : vector<16xf32>
        %gather3A_603 = tpu.vector_load_idx %arg9[%broadcast_in_dim3A_591, %add3A_575, %broadcast_in_dim3A_1] masked %lt3A_65 : memref<2x1920x32xf32, #tpu.memory_space<vmem>>[vector<16xi32>, vector<16xi32>, vector<16xi32>], vector<16xf32>, vector<16xi1>
        %mul3A_604 = vector.broadcast %squeeze3A : f32 to vector<16xf32>
        %mul3A_605 = arith.mulf %gather3A_603, %mul3A_604 : vector<16xf32>
        %add3A_606 = arith.addf %broadcast_in_dim3A_583, %mul3A_605 : vector<16xf32>
        %slice3A_607 = vector.extract_strided_slice %get3A_586 {offsets = [1], sizes = [1], strides = [1]} : vector<16xf32> to vector<1xf32>
        %squeeze3A_608 = vector.extract %slice3A_607[0] : f32 from vector<1xf32>
        %gather3A_609 = tpu.vector_load_idx %arg9[%broadcast_in_dim3A_591, %add3A_566, %broadcast_in_dim3A_3] : memref<2x1920x32xf32, #tpu.memory_space<vmem>>[vector<16xi32>, vector<16xi32>, vector<16xi32>], vector<16xf32>,
        %mul3A_610 = vector.broadcast %squeeze3A_608 : f32 to vector<16xf32>
        %mul3A_611 = arith.mulf %gather3A_609, %mul3A_610 : vector<16xf32>
        %add3A_612 = arith.addf %add3A_594, %mul3A_611 : vector<16xf32>
        %gather3A_613 = tpu.vector_load_idx %arg9[%broadcast_in_dim3A_591, %add3A_569, %broadcast_in_dim3A_3] : memref<2x1920x32xf32, #tpu.memory_space<vmem>>[vector<16xi32>, vector<16xi32>, vector<16xi32>], vector<16xf32>,
        %mul3A_614 = vector.broadcast %squeeze3A_608 : f32 to vector<16xf32>
        %mul3A_615 = arith.mulf %gather3A_613, %mul3A_614 : vector<16xf32>
        %add3A_616 = arith.addf %add3A_598, %mul3A_615 : vector<16xf32>
        %gather3A_617 = tpu.vector_load_idx %arg9[%broadcast_in_dim3A_591, %add3A_572, %broadcast_in_dim3A_3] : memref<2x1920x32xf32, #tpu.memory_space<vmem>>[vector<16xi32>, vector<16xi32>, vector<16xi32>], vector<16xf32>,
        %mul3A_618 = vector.broadcast %squeeze3A_608 : f32 to vector<16xf32>
        %mul3A_619 = arith.mulf %gather3A_617, %mul3A_618 : vector<16xf32>
        %add3A_620 = arith.addf %add3A_602, %mul3A_619 : vector<16xf32>
        %gather3A_621 = tpu.vector_load_idx %arg9[%broadcast_in_dim3A_591, %add3A_575, %broadcast_in_dim3A_3] masked %lt3A_65 : memref<2x1920x32xf32, #tpu.memory_space<vmem>>[vector<16xi32>, vector<16xi32>, vector<16xi32>], vector<16xf32>, vector<16xi1>
        %mul3A_622 = vector.broadcast %squeeze3A_608 : f32 to vector<16xf32>
        %mul3A_623 = arith.mulf %gather3A_621, %mul3A_622 : vector<16xf32>
        %add3A_624 = arith.addf %add3A_606, %mul3A_623 : vector<16xf32>
        %slice3A_625 = vector.extract_strided_slice %get3A_586 {offsets = [2], sizes = [1], strides = [1]} : vector<16xf32> to vector<1xf32>
        %squeeze3A_626 = vector.extract %slice3A_625[0] : f32 from vector<1xf32>
        %gather3A_627 = tpu.vector_load_idx %arg9[%broadcast_in_dim3A_591, %add3A_566, %broadcast_in_dim3A_5] : memref<2x1920x32xf32, #tpu.memory_space<vmem>>[vector<16xi32>, vector<16xi32>, vector<16xi32>], vector<16xf32>,
        %mul3A_628 = vector.broadcast %squeeze3A_626 : f32 to vector<16xf32>
        %mul3A_629 = arith.mulf %gather3A_627, %mul3A_628 : vector<16xf32>
        %add3A_630 = arith.addf %add3A_612, %mul3A_629 : vector<16xf32>
        %gather3A_631 = tpu.vector_load_idx %arg9[%broadcast_in_dim3A_591, %add3A_569, %broadcast_in_dim3A_5] : memref<2x1920x32xf32, #tpu.memory_space<vmem>>[vector<16xi32>, vector<16xi32>, vector<16xi32>], vector<16xf32>,
        %mul3A_632 = vector.broadcast %squeeze3A_626 : f32 to vector<16xf32>
        %mul3A_633 = arith.mulf %gather3A_631, %mul3A_632 : vector<16xf32>
        %add3A_634 = arith.addf %add3A_616, %mul3A_633 : vector<16xf32>
        %gather3A_635 = tpu.vector_load_idx %arg9[%broadcast_in_dim3A_591, %add3A_572, %broadcast_in_dim3A_5] : memref<2x1920x32xf32, #tpu.memory_space<vmem>>[vector<16xi32>, vector<16xi32>, vector<16xi32>], vector<16xf32>,
        %mul3A_636 = vector.broadcast %squeeze3A_626 : f32 to vector<16xf32>
        %mul3A_637 = arith.mulf %gather3A_635, %mul3A_636 : vector<16xf32>
        %add3A_638 = arith.addf %add3A_620, %mul3A_637 : vector<16xf32>
        %gather3A_639 = tpu.vector_load_idx %arg9[%broadcast_in_dim3A_591, %add3A_575, %broadcast_in_dim3A_5] masked %lt3A_65 : memref<2x1920x32xf32, #tpu.memory_space<vmem>>[vector<16xi32>, vector<16xi32>, vector<16xi32>], vector<16xf32>, vector<16xi1>
        %mul3A_640 = vector.broadcast %squeeze3A_626 : f32 to vector<16xf32>
        %mul3A_641 = arith.mulf %gather3A_639, %mul3A_640 : vector<16xf32>
        %add3A_642 = arith.addf %add3A_624, %mul3A_641 : vector<16xf32>
        %slice3A_643 = vector.extract_strided_slice %get3A_586 {offsets = [3], sizes = [1], strides = [1]} : vector<16xf32> to vector<1xf32>
        %squeeze3A_644 = vector.extract %slice3A_643[0] : f32 from vector<1xf32>
        %gather3A_645 = tpu.vector_load_idx %arg9[%broadcast_in_dim3A_591, %add3A_566, %broadcast_in_dim3A_7] : memref<2x1920x32xf32, #tpu.memory_space<vmem>>[vector<16xi32>, vector<16xi32>, vector<16xi32>], vector<16xf32>,
        %mul3A_646 = vector.broadcast %squeeze3A_644 : f32 to vector<16xf32>
        %mul3A_647 = arith.mulf %gather3A_645, %mul3A_646 : vector<16xf32>
        %add3A_648 = arith.addf %add3A_630, %mul3A_647 : vector<16xf32>
        %gather3A_649 = tpu.vector_load_idx %arg9[%broadcast_in_dim3A_591, %add3A_569, %broadcast_in_dim3A_7] : memref<2x1920x32xf32, #tpu.memory_space<vmem>>[vector<16xi32>, vector<16xi32>, vector<16xi32>], vector<16xf32>,
        %mul3A_650 = vector.broadcast %squeeze3A_644 : f32 to vector<16xf32>
        %mul3A_651 = arith.mulf %gather3A_649, %mul3A_650 : vector<16xf32>
        %add3A_652 = arith.addf %add3A_634, %mul3A_651 : vector<16xf32>
        %gather3A_653 = tpu.vector_load_idx %arg9[%broadcast_in_dim3A_591, %add3A_572, %broadcast_in_dim3A_7] : memref<2x1920x32xf32, #tpu.memory_space<vmem>>[vector<16xi32>, vector<16xi32>, vector<16xi32>], vector<16xf32>,
        %mul3A_654 = vector.broadcast %squeeze3A_644 : f32 to vector<16xf32>
        %mul3A_655 = arith.mulf %gather3A_653, %mul3A_654 : vector<16xf32>
        %add3A_656 = arith.addf %add3A_638, %mul3A_655 : vector<16xf32>
        %gather3A_657 = tpu.vector_load_idx %arg9[%broadcast_in_dim3A_591, %add3A_575, %broadcast_in_dim3A_7] masked %lt3A_65 : memref<2x1920x32xf32, #tpu.memory_space<vmem>>[vector<16xi32>, vector<16xi32>, vector<16xi32>], vector<16xf32>, vector<16xi1>
        %mul3A_658 = vector.broadcast %squeeze3A_644 : f32 to vector<16xf32>
        %mul3A_659 = arith.mulf %gather3A_657, %mul3A_658 : vector<16xf32>
        %add3A_660 = arith.addf %add3A_642, %mul3A_659 : vector<16xf32>
        %slice3A_661 = vector.extract_strided_slice %get3A_586 {offsets = [4], sizes = [1], strides = [1]} : vector<16xf32> to vector<1xf32>
        %squeeze3A_662 = vector.extract %slice3A_661[0] : f32 from vector<1xf32>
        %gather3A_663 = tpu.vector_load_idx %arg9[%broadcast_in_dim3A_591, %add3A_566, %broadcast_in_dim3A_9] : memref<2x1920x32xf32, #tpu.memory_space<vmem>>[vector<16xi32>, vector<16xi32>, vector<16xi32>], vector<16xf32>,
        %mul3A_664 = vector.broadcast %squeeze3A_662 : f32 to vector<16xf32>
        %mul3A_665 = arith.mulf %gather3A_663, %mul3A_664 : vector<16xf32>
        %add3A_666 = arith.addf %add3A_648, %mul3A_665 : vector<16xf32>
        %gather3A_667 = tpu.vector_load_idx %arg9[%broadcast_in_dim3A_591, %add3A_569, %broadcast_in_dim3A_9] : memref<2x1920x32xf32, #tpu.memory_space<vmem>>[vector<16xi32>, vector<16xi32>, vector<16xi32>], vector<16xf32>,
        %mul3A_668 = vector.broadcast %squeeze3A_662 : f32 to vector<16xf32>
        %mul3A_669 = arith.mulf %gather3A_667, %mul3A_668 : vector<16xf32>
        %add3A_670 = arith.addf %add3A_652, %mul3A_669 : vector<16xf32>
        %gather3A_671 = tpu.vector_load_idx %arg9[%broadcast_in_dim3A_591, %add3A_572, %broadcast_in_dim3A_9] : memref<2x1920x32xf32, #tpu.memory_space<vmem>>[vector<16xi32>, vector<16xi32>, vector<16xi32>], vector<16xf32>,
        %mul3A_672 = vector.broadcast %squeeze3A_662 : f32 to vector<16xf32>
        %mul3A_673 = arith.mulf %gather3A_671, %mul3A_672 : vector<16xf32>
        %add3A_674 = arith.addf %add3A_656, %mul3A_673 : vector<16xf32>
        %gather3A_675 = tpu.vector_load_idx %arg9[%broadcast_in_dim3A_591, %add3A_575, %broadcast_in_dim3A_9] masked %lt3A_65 : memref<2x1920x32xf32, #tpu.memory_space<vmem>>[vector<16xi32>, vector<16xi32>, vector<16xi32>], vector<16xf32>, vector<16xi1>
        %mul3A_676 = vector.broadcast %squeeze3A_662 : f32 to vector<16xf32>
        %mul3A_677 = arith.mulf %gather3A_675, %mul3A_676 : vector<16xf32>
        %add3A_678 = arith.addf %add3A_660, %mul3A_677 : vector<16xf32>
        %slice3A_679 = vector.extract_strided_slice %get3A_586 {offsets = [5], sizes = [1], strides = [1]} : vector<16xf32> to vector<1xf32>
        %squeeze3A_680 = vector.extract %slice3A_679[0] : f32 from vector<1xf32>
        %gather3A_681 = tpu.vector_load_idx %arg9[%broadcast_in_dim3A_591, %add3A_566, %broadcast_in_dim3A_11] : memref<2x1920x32xf32, #tpu.memory_space<vmem>>[vector<16xi32>, vector<16xi32>, vector<16xi32>], vector<16xf32>,
        %mul3A_682 = vector.broadcast %squeeze3A_680 : f32 to vector<16xf32>
        %mul3A_683 = arith.mulf %gather3A_681, %mul3A_682 : vector<16xf32>
        %add3A_684 = arith.addf %add3A_666, %mul3A_683 : vector<16xf32>
        %gather3A_685 = tpu.vector_load_idx %arg9[%broadcast_in_dim3A_591, %add3A_569, %broadcast_in_dim3A_11] : memref<2x1920x32xf32, #tpu.memory_space<vmem>>[vector<16xi32>, vector<16xi32>, vector<16xi32>], vector<16xf32>,
        %mul3A_686 = vector.broadcast %squeeze3A_680 : f32 to vector<16xf32>
        %mul3A_687 = arith.mulf %gather3A_685, %mul3A_686 : vector<16xf32>
        %add3A_688 = arith.addf %add3A_670, %mul3A_687 : vector<16xf32>
        %gather3A_689 = tpu.vector_load_idx %arg9[%broadcast_in_dim3A_591, %add3A_572, %broadcast_in_dim3A_11] : memref<2x1920x32xf32, #tpu.memory_space<vmem>>[vector<16xi32>, vector<16xi32>, vector<16xi32>], vector<16xf32>,
        %mul3A_690 = vector.broadcast %squeeze3A_680 : f32 to vector<16xf32>
        %mul3A_691 = arith.mulf %gather3A_689, %mul3A_690 : vector<16xf32>
        %add3A_692 = arith.addf %add3A_674, %mul3A_691 : vector<16xf32>
        %gather3A_693 = tpu.vector_load_idx %arg9[%broadcast_in_dim3A_591, %add3A_575, %broadcast_in_dim3A_11] masked %lt3A_65 : memref<2x1920x32xf32, #tpu.memory_space<vmem>>[vector<16xi32>, vector<16xi32>, vector<16xi32>], vector<16xf32>, vector<16xi1>
        %mul3A_694 = vector.broadcast %squeeze3A_680 : f32 to vector<16xf32>
        %mul3A_695 = arith.mulf %gather3A_693, %mul3A_694 : vector<16xf32>
        %add3A_696 = arith.addf %add3A_678, %mul3A_695 : vector<16xf32>
        %slice3A_697 = vector.extract_strided_slice %get3A_586 {offsets = [6], sizes = [1], strides = [1]} : vector<16xf32> to vector<1xf32>
        %squeeze3A_698 = vector.extract %slice3A_697[0] : f32 from vector<1xf32>
        %gather3A_699 = tpu.vector_load_idx %arg9[%broadcast_in_dim3A_591, %add3A_566, %broadcast_in_dim3A_13] : memref<2x1920x32xf32, #tpu.memory_space<vmem>>[vector<16xi32>, vector<16xi32>, vector<16xi32>], vector<16xf32>,
        %mul3A_700 = vector.broadcast %squeeze3A_698 : f32 to vector<16xf32>
        %mul3A_701 = arith.mulf %gather3A_699, %mul3A_700 : vector<16xf32>
        %add3A_702 = arith.addf %add3A_684, %mul3A_701 : vector<16xf32>
        %gather3A_703 = tpu.vector_load_idx %arg9[%broadcast_in_dim3A_591, %add3A_569, %broadcast_in_dim3A_13] : memref<2x1920x32xf32, #tpu.memory_space<vmem>>[vector<16xi32>, vector<16xi32>, vector<16xi32>], vector<16xf32>,
        %mul3A_704 = vector.broadcast %squeeze3A_698 : f32 to vector<16xf32>
        %mul3A_705 = arith.mulf %gather3A_703, %mul3A_704 : vector<16xf32>
        %add3A_706 = arith.addf %add3A_688, %mul3A_705 : vector<16xf32>
        %gather3A_707 = tpu.vector_load_idx %arg9[%broadcast_in_dim3A_591, %add3A_572, %broadcast_in_dim3A_13] : memref<2x1920x32xf32, #tpu.memory_space<vmem>>[vector<16xi32>, vector<16xi32>, vector<16xi32>], vector<16xf32>,
        %mul3A_708 = vector.broadcast %squeeze3A_698 : f32 to vector<16xf32>
        %mul3A_709 = arith.mulf %gather3A_707, %mul3A_708 : vector<16xf32>
        %add3A_710 = arith.addf %add3A_692, %mul3A_709 : vector<16xf32>
        %gather3A_711 = tpu.vector_load_idx %arg9[%broadcast_in_dim3A_591, %add3A_575, %broadcast_in_dim3A_13] masked %lt3A_65 : memref<2x1920x32xf32, #tpu.memory_space<vmem>>[vector<16xi32>, vector<16xi32>, vector<16xi32>], vector<16xf32>, vector<16xi1>
        %mul3A_712 = vector.broadcast %squeeze3A_698 : f32 to vector<16xf32>
        %mul3A_713 = arith.mulf %gather3A_711, %mul3A_712 : vector<16xf32>
        %add3A_714 = arith.addf %add3A_696, %mul3A_713 : vector<16xf32>
        %slice3A_715 = vector.extract_strided_slice %get3A_586 {offsets = [7], sizes = [1], strides = [1]} : vector<16xf32> to vector<1xf32>
        %squeeze3A_716 = vector.extract %slice3A_715[0] : f32 from vector<1xf32>
        %gather3A_717 = tpu.vector_load_idx %arg9[%broadcast_in_dim3A_591, %add3A_566, %broadcast_in_dim3A_15] : memref<2x1920x32xf32, #tpu.memory_space<vmem>>[vector<16xi32>, vector<16xi32>, vector<16xi32>], vector<16xf32>,
        %mul3A_718 = vector.broadcast %squeeze3A_716 : f32 to vector<16xf32>
        %mul3A_719 = arith.mulf %gather3A_717, %mul3A_718 : vector<16xf32>
        %add3A_720 = arith.addf %add3A_702, %mul3A_719 : vector<16xf32>
        %gather3A_721 = tpu.vector_load_idx %arg9[%broadcast_in_dim3A_591, %add3A_569, %broadcast_in_dim3A_15] : memref<2x1920x32xf32, #tpu.memory_space<vmem>>[vector<16xi32>, vector<16xi32>, vector<16xi32>], vector<16xf32>,
        %mul3A_722 = vector.broadcast %squeeze3A_716 : f32 to vector<16xf32>
        %mul3A_723 = arith.mulf %gather3A_721, %mul3A_722 : vector<16xf32>
        %add3A_724 = arith.addf %add3A_706, %mul3A_723 : vector<16xf32>
        %gather3A_725 = tpu.vector_load_idx %arg9[%broadcast_in_dim3A_591, %add3A_572, %broadcast_in_dim3A_15] : memref<2x1920x32xf32, #tpu.memory_space<vmem>>[vector<16xi32>, vector<16xi32>, vector<16xi32>], vector<16xf32>,
        %mul3A_726 = vector.broadcast %squeeze3A_716 : f32 to vector<16xf32>
        %mul3A_727 = arith.mulf %gather3A_725, %mul3A_726 : vector<16xf32>
        %add3A_728 = arith.addf %add3A_710, %mul3A_727 : vector<16xf32>
        %gather3A_729 = tpu.vector_load_idx %arg9[%broadcast_in_dim3A_591, %add3A_575, %broadcast_in_dim3A_15] masked %lt3A_65 : memref<2x1920x32xf32, #tpu.memory_space<vmem>>[vector<16xi32>, vector<16xi32>, vector<16xi32>], vector<16xf32>, vector<16xi1>
        %mul3A_730 = vector.broadcast %squeeze3A_716 : f32 to vector<16xf32>
        %mul3A_731 = arith.mulf %gather3A_729, %mul3A_730 : vector<16xf32>
        %add3A_732 = arith.addf %add3A_714, %mul3A_731 : vector<16xf32>
        %slice3A_733 = vector.extract_strided_slice %get3A_586 {offsets = [8], sizes = [1], strides = [1]} : vector<16xf32> to vector<1xf32>
        %squeeze3A_734 = vector.extract %slice3A_733[0] : f32 from vector<1xf32>
        %gather3A_735 = tpu.vector_load_idx %arg9[%broadcast_in_dim3A_591, %add3A_566, %broadcast_in_dim3A_17] : memref<2x1920x32xf32, #tpu.memory_space<vmem>>[vector<16xi32>, vector<16xi32>, vector<16xi32>], vector<16xf32>,
        %mul3A_736 = vector.broadcast %squeeze3A_734 : f32 to vector<16xf32>
        %mul3A_737 = arith.mulf %gather3A_735, %mul3A_736 : vector<16xf32>
        %add3A_738 = arith.addf %add3A_720, %mul3A_737 : vector<16xf32>
        %gather3A_739 = tpu.vector_load_idx %arg9[%broadcast_in_dim3A_591, %add3A_569, %broadcast_in_dim3A_17] : memref<2x1920x32xf32, #tpu.memory_space<vmem>>[vector<16xi32>, vector<16xi32>, vector<16xi32>], vector<16xf32>,
        %mul3A_740 = vector.broadcast %squeeze3A_734 : f32 to vector<16xf32>
        %mul3A_741 = arith.mulf %gather3A_739, %mul3A_740 : vector<16xf32>
        %add3A_742 = arith.addf %add3A_724, %mul3A_741 : vector<16xf32>
        %gather3A_743 = tpu.vector_load_idx %arg9[%broadcast_in_dim3A_591, %add3A_572, %broadcast_in_dim3A_17] : memref<2x1920x32xf32, #tpu.memory_space<vmem>>[vector<16xi32>, vector<16xi32>, vector<16xi32>], vector<16xf32>,
        %mul3A_744 = vector.broadcast %squeeze3A_734 : f32 to vector<16xf32>
        %mul3A_745 = arith.mulf %gather3A_743, %mul3A_744 : vector<16xf32>
        %add3A_746 = arith.addf %add3A_728, %mul3A_745 : vector<16xf32>
        %gather3A_747 = tpu.vector_load_idx %arg9[%broadcast_in_dim3A_591, %add3A_575, %broadcast_in_dim3A_17] masked %lt3A_65 : memref<2x1920x32xf32, #tpu.memory_space<vmem>>[vector<16xi32>, vector<16xi32>, vector<16xi32>], vector<16xf32>, vector<16xi1>
        %mul3A_748 = vector.broadcast %squeeze3A_734 : f32 to vector<16xf32>
        %mul3A_749 = arith.mulf %gather3A_747, %mul3A_748 : vector<16xf32>
        %add3A_750 = arith.addf %add3A_732, %mul3A_749 : vector<16xf32>
        %slice3A_751 = vector.extract_strided_slice %get3A_586 {offsets = [9], sizes = [1], strides = [1]} : vector<16xf32> to vector<1xf32>
        %squeeze3A_752 = vector.extract %slice3A_751[0] : f32 from vector<1xf32>
        %gather3A_753 = tpu.vector_load_idx %arg9[%broadcast_in_dim3A_591, %add3A_566, %broadcast_in_dim3A_19] : memref<2x1920x32xf32, #tpu.memory_space<vmem>>[vector<16xi32>, vector<16xi32>, vector<16xi32>], vector<16xf32>,
        %mul3A_754 = vector.broadcast %squeeze3A_752 : f32 to vector<16xf32>
        %mul3A_755 = arith.mulf %gather3A_753, %mul3A_754 : vector<16xf32>
        %add3A_756 = arith.addf %add3A_738, %mul3A_755 : vector<16xf32>
        %gather3A_757 = tpu.vector_load_idx %arg9[%broadcast_in_dim3A_591, %add3A_569, %broadcast_in_dim3A_19] : memref<2x1920x32xf32, #tpu.memory_space<vmem>>[vector<16xi32>, vector<16xi32>, vector<16xi32>], vector<16xf32>,
        %mul3A_758 = vector.broadcast %squeeze3A_752 : f32 to vector<16xf32>
        %mul3A_759 = arith.mulf %gather3A_757, %mul3A_758 : vector<16xf32>
        %add3A_760 = arith.addf %add3A_742, %mul3A_759 : vector<16xf32>
        %gather3A_761 = tpu.vector_load_idx %arg9[%broadcast_in_dim3A_591, %add3A_572, %broadcast_in_dim3A_19] : memref<2x1920x32xf32, #tpu.memory_space<vmem>>[vector<16xi32>, vector<16xi32>, vector<16xi32>], vector<16xf32>,
        %mul3A_762 = vector.broadcast %squeeze3A_752 : f32 to vector<16xf32>
        %mul3A_763 = arith.mulf %gather3A_761, %mul3A_762 : vector<16xf32>
        %add3A_764 = arith.addf %add3A_746, %mul3A_763 : vector<16xf32>
        %gather3A_765 = tpu.vector_load_idx %arg9[%broadcast_in_dim3A_591, %add3A_575, %broadcast_in_dim3A_19] masked %lt3A_65 : memref<2x1920x32xf32, #tpu.memory_space<vmem>>[vector<16xi32>, vector<16xi32>, vector<16xi32>], vector<16xf32>, vector<16xi1>
        %mul3A_766 = vector.broadcast %squeeze3A_752 : f32 to vector<16xf32>
        %mul3A_767 = arith.mulf %gather3A_765, %mul3A_766 : vector<16xf32>
        %add3A_768 = arith.addf %add3A_750, %mul3A_767 : vector<16xf32>
        %slice3A_769 = vector.extract_strided_slice %get3A_586 {offsets = [10], sizes = [1], strides = [1]} : vector<16xf32> to vector<1xf32>
        %squeeze3A_770 = vector.extract %slice3A_769[0] : f32 from vector<1xf32>
        %gather3A_771 = tpu.vector_load_idx %arg9[%broadcast_in_dim3A_591, %add3A_566, %broadcast_in_dim3A_21] : memref<2x1920x32xf32, #tpu.memory_space<vmem>>[vector<16xi32>, vector<16xi32>, vector<16xi32>], vector<16xf32>,
        %mul3A_772 = vector.broadcast %squeeze3A_770 : f32 to vector<16xf32>
        %mul3A_773 = arith.mulf %gather3A_771, %mul3A_772 : vector<16xf32>
        %add3A_774 = arith.addf %add3A_756, %mul3A_773 : vector<16xf32>
        %gather3A_775 = tpu.vector_load_idx %arg9[%broadcast_in_dim3A_591, %add3A_569, %broadcast_in_dim3A_21] : memref<2x1920x32xf32, #tpu.memory_space<vmem>>[vector<16xi32>, vector<16xi32>, vector<16xi32>], vector<16xf32>,
        %mul3A_776 = vector.broadcast %squeeze3A_770 : f32 to vector<16xf32>
        %mul3A_777 = arith.mulf %gather3A_775, %mul3A_776 : vector<16xf32>
        %add3A_778 = arith.addf %add3A_760, %mul3A_777 : vector<16xf32>
        %gather3A_779 = tpu.vector_load_idx %arg9[%broadcast_in_dim3A_591, %add3A_572, %broadcast_in_dim3A_21] : memref<2x1920x32xf32, #tpu.memory_space<vmem>>[vector<16xi32>, vector<16xi32>, vector<16xi32>], vector<16xf32>,
        %mul3A_780 = vector.broadcast %squeeze3A_770 : f32 to vector<16xf32>
        %mul3A_781 = arith.mulf %gather3A_779, %mul3A_780 : vector<16xf32>
        %add3A_782 = arith.addf %add3A_764, %mul3A_781 : vector<16xf32>
        %gather3A_783 = tpu.vector_load_idx %arg9[%broadcast_in_dim3A_591, %add3A_575, %broadcast_in_dim3A_21] masked %lt3A_65 : memref<2x1920x32xf32, #tpu.memory_space<vmem>>[vector<16xi32>, vector<16xi32>, vector<16xi32>], vector<16xf32>, vector<16xi1>
        %mul3A_784 = vector.broadcast %squeeze3A_770 : f32 to vector<16xf32>
        %mul3A_785 = arith.mulf %gather3A_783, %mul3A_784 : vector<16xf32>
        %add3A_786 = arith.addf %add3A_768, %mul3A_785 : vector<16xf32>
        %slice3A_787 = vector.extract_strided_slice %get3A_586 {offsets = [11], sizes = [1], strides = [1]} : vector<16xf32> to vector<1xf32>
        %squeeze3A_788 = vector.extract %slice3A_787[0] : f32 from vector<1xf32>
        %gather3A_789 = tpu.vector_load_idx %arg9[%broadcast_in_dim3A_591, %add3A_566, %broadcast_in_dim3A_23] : memref<2x1920x32xf32, #tpu.memory_space<vmem>>[vector<16xi32>, vector<16xi32>, vector<16xi32>], vector<16xf32>,
        %mul3A_790 = vector.broadcast %squeeze3A_788 : f32 to vector<16xf32>
        %mul3A_791 = arith.mulf %gather3A_789, %mul3A_790 : vector<16xf32>
        %add3A_792 = arith.addf %add3A_774, %mul3A_791 : vector<16xf32>
        %gather3A_793 = tpu.vector_load_idx %arg9[%broadcast_in_dim3A_591, %add3A_569, %broadcast_in_dim3A_23] : memref<2x1920x32xf32, #tpu.memory_space<vmem>>[vector<16xi32>, vector<16xi32>, vector<16xi32>], vector<16xf32>,
        %mul3A_794 = vector.broadcast %squeeze3A_788 : f32 to vector<16xf32>
        %mul3A_795 = arith.mulf %gather3A_793, %mul3A_794 : vector<16xf32>
        %add3A_796 = arith.addf %add3A_778, %mul3A_795 : vector<16xf32>
        %gather3A_797 = tpu.vector_load_idx %arg9[%broadcast_in_dim3A_591, %add3A_572, %broadcast_in_dim3A_23] : memref<2x1920x32xf32, #tpu.memory_space<vmem>>[vector<16xi32>, vector<16xi32>, vector<16xi32>], vector<16xf32>,
        %mul3A_798 = vector.broadcast %squeeze3A_788 : f32 to vector<16xf32>
        %mul3A_799 = arith.mulf %gather3A_797, %mul3A_798 : vector<16xf32>
        %add3A_800 = arith.addf %add3A_782, %mul3A_799 : vector<16xf32>
        %gather3A_801 = tpu.vector_load_idx %arg9[%broadcast_in_dim3A_591, %add3A_575, %broadcast_in_dim3A_23] masked %lt3A_65 : memref<2x1920x32xf32, #tpu.memory_space<vmem>>[vector<16xi32>, vector<16xi32>, vector<16xi32>], vector<16xf32>, vector<16xi1>
        %mul3A_802 = vector.broadcast %squeeze3A_788 : f32 to vector<16xf32>
        %mul3A_803 = arith.mulf %gather3A_801, %mul3A_802 : vector<16xf32>
        %add3A_804 = arith.addf %add3A_786, %mul3A_803 : vector<16xf32>
        %slice3A_805 = vector.extract_strided_slice %get3A_586 {offsets = [12], sizes = [1], strides = [1]} : vector<16xf32> to vector<1xf32>
        %squeeze3A_806 = vector.extract %slice3A_805[0] : f32 from vector<1xf32>
        %gather3A_807 = tpu.vector_load_idx %arg9[%broadcast_in_dim3A_591, %add3A_566, %broadcast_in_dim3A_25] : memref<2x1920x32xf32, #tpu.memory_space<vmem>>[vector<16xi32>, vector<16xi32>, vector<16xi32>], vector<16xf32>,
        %mul3A_808 = vector.broadcast %squeeze3A_806 : f32 to vector<16xf32>
        %mul3A_809 = arith.mulf %gather3A_807, %mul3A_808 : vector<16xf32>
        %add3A_810 = arith.addf %add3A_792, %mul3A_809 : vector<16xf32>
        %gather3A_811 = tpu.vector_load_idx %arg9[%broadcast_in_dim3A_591, %add3A_569, %broadcast_in_dim3A_25] : memref<2x1920x32xf32, #tpu.memory_space<vmem>>[vector<16xi32>, vector<16xi32>, vector<16xi32>], vector<16xf32>,
        %mul3A_812 = vector.broadcast %squeeze3A_806 : f32 to vector<16xf32>
        %mul3A_813 = arith.mulf %gather3A_811, %mul3A_812 : vector<16xf32>
        %add3A_814 = arith.addf %add3A_796, %mul3A_813 : vector<16xf32>
        %gather3A_815 = tpu.vector_load_idx %arg9[%broadcast_in_dim3A_591, %add3A_572, %broadcast_in_dim3A_25] : memref<2x1920x32xf32, #tpu.memory_space<vmem>>[vector<16xi32>, vector<16xi32>, vector<16xi32>], vector<16xf32>,
        %mul3A_816 = vector.broadcast %squeeze3A_806 : f32 to vector<16xf32>
        %mul3A_817 = arith.mulf %gather3A_815, %mul3A_816 : vector<16xf32>
        %add3A_818 = arith.addf %add3A_800, %mul3A_817 : vector<16xf32>
        %gather3A_819 = tpu.vector_load_idx %arg9[%broadcast_in_dim3A_591, %add3A_575, %broadcast_in_dim3A_25] masked %lt3A_65 : memref<2x1920x32xf32, #tpu.memory_space<vmem>>[vector<16xi32>, vector<16xi32>, vector<16xi32>], vector<16xf32>, vector<16xi1>
        %mul3A_820 = vector.broadcast %squeeze3A_806 : f32 to vector<16xf32>
        %mul3A_821 = arith.mulf %gather3A_819, %mul3A_820 : vector<16xf32>
        %add3A_822 = arith.addf %add3A_804, %mul3A_821 : vector<16xf32>
        %slice3A_823 = vector.extract_strided_slice %get3A_586 {offsets = [13], sizes = [1], strides = [1]} : vector<16xf32> to vector<1xf32>
        %squeeze3A_824 = vector.extract %slice3A_823[0] : f32 from vector<1xf32>
        %gather3A_825 = tpu.vector_load_idx %arg9[%broadcast_in_dim3A_591, %add3A_566, %broadcast_in_dim3A_27] : memref<2x1920x32xf32, #tpu.memory_space<vmem>>[vector<16xi32>, vector<16xi32>, vector<16xi32>], vector<16xf32>,
        %mul3A_826 = vector.broadcast %squeeze3A_824 : f32 to vector<16xf32>
        %mul3A_827 = arith.mulf %gather3A_825, %mul3A_826 : vector<16xf32>
        %add3A_828 = arith.addf %add3A_810, %mul3A_827 : vector<16xf32>
        %gather3A_829 = tpu.vector_load_idx %arg9[%broadcast_in_dim3A_591, %add3A_569, %broadcast_in_dim3A_27] : memref<2x1920x32xf32, #tpu.memory_space<vmem>>[vector<16xi32>, vector<16xi32>, vector<16xi32>], vector<16xf32>,
        %mul3A_830 = vector.broadcast %squeeze3A_824 : f32 to vector<16xf32>
        %mul3A_831 = arith.mulf %gather3A_829, %mul3A_830 : vector<16xf32>
        %add3A_832 = arith.addf %add3A_814, %mul3A_831 : vector<16xf32>
        %gather3A_833 = tpu.vector_load_idx %arg9[%broadcast_in_dim3A_591, %add3A_572, %broadcast_in_dim3A_27] : memref<2x1920x32xf32, #tpu.memory_space<vmem>>[vector<16xi32>, vector<16xi32>, vector<16xi32>], vector<16xf32>,
        %mul3A_834 = vector.broadcast %squeeze3A_824 : f32 to vector<16xf32>
        %mul3A_835 = arith.mulf %gather3A_833, %mul3A_834 : vector<16xf32>
        %add3A_836 = arith.addf %add3A_818, %mul3A_835 : vector<16xf32>
        %gather3A_837 = tpu.vector_load_idx %arg9[%broadcast_in_dim3A_591, %add3A_575, %broadcast_in_dim3A_27] masked %lt3A_65 : memref<2x1920x32xf32, #tpu.memory_space<vmem>>[vector<16xi32>, vector<16xi32>, vector<16xi32>], vector<16xf32>, vector<16xi1>
        %mul3A_838 = vector.broadcast %squeeze3A_824 : f32 to vector<16xf32>
        %mul3A_839 = arith.mulf %gather3A_837, %mul3A_838 : vector<16xf32>
        %add3A_840 = arith.addf %add3A_822, %mul3A_839 : vector<16xf32>
        %slice3A_841 = vector.extract_strided_slice %get3A_586 {offsets = [14], sizes = [1], strides = [1]} : vector<16xf32> to vector<1xf32>
        %squeeze3A_842 = vector.extract %slice3A_841[0] : f32 from vector<1xf32>
        %gather3A_843 = tpu.vector_load_idx %arg9[%broadcast_in_dim3A_591, %add3A_566, %broadcast_in_dim3A_29] : memref<2x1920x32xf32, #tpu.memory_space<vmem>>[vector<16xi32>, vector<16xi32>, vector<16xi32>], vector<16xf32>,
        %mul3A_844 = vector.broadcast %squeeze3A_842 : f32 to vector<16xf32>
        %mul3A_845 = arith.mulf %gather3A_843, %mul3A_844 : vector<16xf32>
        %add3A_846 = arith.addf %add3A_828, %mul3A_845 : vector<16xf32>
        %gather3A_847 = tpu.vector_load_idx %arg9[%broadcast_in_dim3A_591, %add3A_569, %broadcast_in_dim3A_29] : memref<2x1920x32xf32, #tpu.memory_space<vmem>>[vector<16xi32>, vector<16xi32>, vector<16xi32>], vector<16xf32>,
        %mul3A_848 = vector.broadcast %squeeze3A_842 : f32 to vector<16xf32>
        %mul3A_849 = arith.mulf %gather3A_847, %mul3A_848 : vector<16xf32>
        %add3A_850 = arith.addf %add3A_832, %mul3A_849 : vector<16xf32>
        %gather3A_851 = tpu.vector_load_idx %arg9[%broadcast_in_dim3A_591, %add3A_572, %broadcast_in_dim3A_29] : memref<2x1920x32xf32, #tpu.memory_space<vmem>>[vector<16xi32>, vector<16xi32>, vector<16xi32>], vector<16xf32>,
        %mul3A_852 = vector.broadcast %squeeze3A_842 : f32 to vector<16xf32>
        %mul3A_853 = arith.mulf %gather3A_851, %mul3A_852 : vector<16xf32>
        %add3A_854 = arith.addf %add3A_836, %mul3A_853 : vector<16xf32>
        %gather3A_855 = tpu.vector_load_idx %arg9[%broadcast_in_dim3A_591, %add3A_575, %broadcast_in_dim3A_29] masked %lt3A_65 : memref<2x1920x32xf32, #tpu.memory_space<vmem>>[vector<16xi32>, vector<16xi32>, vector<16xi32>], vector<16xf32>, vector<16xi1>
        %mul3A_856 = vector.broadcast %squeeze3A_842 : f32 to vector<16xf32>
        %mul3A_857 = arith.mulf %gather3A_855, %mul3A_856 : vector<16xf32>
        %add3A_858 = arith.addf %add3A_840, %mul3A_857 : vector<16xf32>
        %slice3A_859 = vector.extract_strided_slice %get3A_586 {offsets = [15], sizes = [1], strides = [1]} : vector<16xf32> to vector<1xf32>
        %squeeze3A_860 = vector.extract %slice3A_859[0] : f32 from vector<1xf32>
        %gather3A_861 = tpu.vector_load_idx %arg9[%broadcast_in_dim3A_591, %add3A_566, %broadcast_in_dim3A_31] : memref<2x1920x32xf32, #tpu.memory_space<vmem>>[vector<16xi32>, vector<16xi32>, vector<16xi32>], vector<16xf32>,
        %mul3A_862 = vector.broadcast %squeeze3A_860 : f32 to vector<16xf32>
        %mul3A_863 = arith.mulf %gather3A_861, %mul3A_862 : vector<16xf32>
        %add3A_864 = arith.addf %add3A_846, %mul3A_863 : vector<16xf32>
        %gather3A_865 = tpu.vector_load_idx %arg9[%broadcast_in_dim3A_591, %add3A_569, %broadcast_in_dim3A_31] : memref<2x1920x32xf32, #tpu.memory_space<vmem>>[vector<16xi32>, vector<16xi32>, vector<16xi32>], vector<16xf32>,
        %mul3A_866 = vector.broadcast %squeeze3A_860 : f32 to vector<16xf32>
        %mul3A_867 = arith.mulf %gather3A_865, %mul3A_866 : vector<16xf32>
        %add3A_868 = arith.addf %add3A_850, %mul3A_867 : vector<16xf32>
        %gather3A_869 = tpu.vector_load_idx %arg9[%broadcast_in_dim3A_591, %add3A_572, %broadcast_in_dim3A_31] : memref<2x1920x32xf32, #tpu.memory_space<vmem>>[vector<16xi32>, vector<16xi32>, vector<16xi32>], vector<16xf32>,
        %mul3A_870 = vector.broadcast %squeeze3A_860 : f32 to vector<16xf32>
        %mul3A_871 = arith.mulf %gather3A_869, %mul3A_870 : vector<16xf32>
        %add3A_872 = arith.addf %add3A_854, %mul3A_871 : vector<16xf32>
        %gather3A_873 = tpu.vector_load_idx %arg9[%broadcast_in_dim3A_591, %add3A_575, %broadcast_in_dim3A_31] masked %lt3A_65 : memref<2x1920x32xf32, #tpu.memory_space<vmem>>[vector<16xi32>, vector<16xi32>, vector<16xi32>], vector<16xf32>, vector<16xi1>
        %mul3A_874 = vector.broadcast %squeeze3A_860 : f32 to vector<16xf32>
        %mul3A_875 = arith.mulf %gather3A_873, %mul3A_874 : vector<16xf32>
        %add3A_876 = arith.addf %add3A_858, %mul3A_875 : vector<16xf32>
        %slice3A_877 = vector.extract_strided_slice %get3A_590 {offsets = [0], sizes = [1], strides = [1]} : vector<16xf32> to vector<1xf32>
        %squeeze3A_878 = vector.extract %slice3A_877[0] : f32 from vector<1xf32>
        %gather3A_879 = tpu.vector_load_idx %arg9[%broadcast_in_dim3A_591, %add3A_566, %broadcast_in_dim3A_33] : memref<2x1920x32xf32, #tpu.memory_space<vmem>>[vector<16xi32>, vector<16xi32>, vector<16xi32>], vector<16xf32>,
        %mul3A_880 = vector.broadcast %squeeze3A_878 : f32 to vector<16xf32>
        %mul3A_881 = arith.mulf %gather3A_879, %mul3A_880 : vector<16xf32>
        %add3A_882 = arith.addf %add3A_864, %mul3A_881 : vector<16xf32>
        %gather3A_883 = tpu.vector_load_idx %arg9[%broadcast_in_dim3A_591, %add3A_569, %broadcast_in_dim3A_33] : memref<2x1920x32xf32, #tpu.memory_space<vmem>>[vector<16xi32>, vector<16xi32>, vector<16xi32>], vector<16xf32>,
        %mul3A_884 = vector.broadcast %squeeze3A_878 : f32 to vector<16xf32>
        %mul3A_885 = arith.mulf %gather3A_883, %mul3A_884 : vector<16xf32>
        %add3A_886 = arith.addf %add3A_868, %mul3A_885 : vector<16xf32>
        %gather3A_887 = tpu.vector_load_idx %arg9[%broadcast_in_dim3A_591, %add3A_572, %broadcast_in_dim3A_33] : memref<2x1920x32xf32, #tpu.memory_space<vmem>>[vector<16xi32>, vector<16xi32>, vector<16xi32>], vector<16xf32>,
        %mul3A_888 = vector.broadcast %squeeze3A_878 : f32 to vector<16xf32>
        %mul3A_889 = arith.mulf %gather3A_887, %mul3A_888 : vector<16xf32>
        %add3A_890 = arith.addf %add3A_872, %mul3A_889 : vector<16xf32>
        %gather3A_891 = tpu.vector_load_idx %arg9[%broadcast_in_dim3A_591, %add3A_575, %broadcast_in_dim3A_33] masked %lt3A_65 : memref<2x1920x32xf32, #tpu.memory_space<vmem>>[vector<16xi32>, vector<16xi32>, vector<16xi32>], vector<16xf32>, vector<16xi1>
        %mul3A_892 = vector.broadcast %squeeze3A_878 : f32 to vector<16xf32>
        %mul3A_893 = arith.mulf %gather3A_891, %mul3A_892 : vector<16xf32>
        %add3A_894 = arith.addf %add3A_876, %mul3A_893 : vector<16xf32>
        %slice3A_895 = vector.extract_strided_slice %get3A_590 {offsets = [1], sizes = [1], strides = [1]} : vector<16xf32> to vector<1xf32>
        %squeeze3A_896 = vector.extract %slice3A_895[0] : f32 from vector<1xf32>
        %gather3A_897 = tpu.vector_load_idx %arg9[%broadcast_in_dim3A_591, %add3A_566, %broadcast_in_dim3A_35] : memref<2x1920x32xf32, #tpu.memory_space<vmem>>[vector<16xi32>, vector<16xi32>, vector<16xi32>], vector<16xf32>,
        %mul3A_898 = vector.broadcast %squeeze3A_896 : f32 to vector<16xf32>
        %mul3A_899 = arith.mulf %gather3A_897, %mul3A_898 : vector<16xf32>
        %add3A_900 = arith.addf %add3A_882, %mul3A_899 : vector<16xf32>
        %gather3A_901 = tpu.vector_load_idx %arg9[%broadcast_in_dim3A_591, %add3A_569, %broadcast_in_dim3A_35] : memref<2x1920x32xf32, #tpu.memory_space<vmem>>[vector<16xi32>, vector<16xi32>, vector<16xi32>], vector<16xf32>,
        %mul3A_902 = vector.broadcast %squeeze3A_896 : f32 to vector<16xf32>
        %mul3A_903 = arith.mulf %gather3A_901, %mul3A_902 : vector<16xf32>
        %add3A_904 = arith.addf %add3A_886, %mul3A_903 : vector<16xf32>
        %gather3A_905 = tpu.vector_load_idx %arg9[%broadcast_in_dim3A_591, %add3A_572, %broadcast_in_dim3A_35] : memref<2x1920x32xf32, #tpu.memory_space<vmem>>[vector<16xi32>, vector<16xi32>, vector<16xi32>], vector<16xf32>,
        %mul3A_906 = vector.broadcast %squeeze3A_896 : f32 to vector<16xf32>
        %mul3A_907 = arith.mulf %gather3A_905, %mul3A_906 : vector<16xf32>
        %add3A_908 = arith.addf %add3A_890, %mul3A_907 : vector<16xf32>
        %gather3A_909 = tpu.vector_load_idx %arg9[%broadcast_in_dim3A_591, %add3A_575, %broadcast_in_dim3A_35] masked %lt3A_65 : memref<2x1920x32xf32, #tpu.memory_space<vmem>>[vector<16xi32>, vector<16xi32>, vector<16xi32>], vector<16xf32>, vector<16xi1>
        %mul3A_910 = vector.broadcast %squeeze3A_896 : f32 to vector<16xf32>
        %mul3A_911 = arith.mulf %gather3A_909, %mul3A_910 : vector<16xf32>
        %add3A_912 = arith.addf %add3A_894, %mul3A_911 : vector<16xf32>
        %slice3A_913 = vector.extract_strided_slice %get3A_590 {offsets = [2], sizes = [1], strides = [1]} : vector<16xf32> to vector<1xf32>
        %squeeze3A_914 = vector.extract %slice3A_913[0] : f32 from vector<1xf32>
        %gather3A_915 = tpu.vector_load_idx %arg9[%broadcast_in_dim3A_591, %add3A_566, %broadcast_in_dim3A_37] : memref<2x1920x32xf32, #tpu.memory_space<vmem>>[vector<16xi32>, vector<16xi32>, vector<16xi32>], vector<16xf32>,
        %mul3A_916 = vector.broadcast %squeeze3A_914 : f32 to vector<16xf32>
        %mul3A_917 = arith.mulf %gather3A_915, %mul3A_916 : vector<16xf32>
        %add3A_918 = arith.addf %add3A_900, %mul3A_917 : vector<16xf32>
        %gather3A_919 = tpu.vector_load_idx %arg9[%broadcast_in_dim3A_591, %add3A_569, %broadcast_in_dim3A_37] : memref<2x1920x32xf32, #tpu.memory_space<vmem>>[vector<16xi32>, vector<16xi32>, vector<16xi32>], vector<16xf32>,
        %mul3A_920 = vector.broadcast %squeeze3A_914 : f32 to vector<16xf32>
        %mul3A_921 = arith.mulf %gather3A_919, %mul3A_920 : vector<16xf32>
        %add3A_922 = arith.addf %add3A_904, %mul3A_921 : vector<16xf32>
        %gather3A_923 = tpu.vector_load_idx %arg9[%broadcast_in_dim3A_591, %add3A_572, %broadcast_in_dim3A_37] : memref<2x1920x32xf32, #tpu.memory_space<vmem>>[vector<16xi32>, vector<16xi32>, vector<16xi32>], vector<16xf32>,
        %mul3A_924 = vector.broadcast %squeeze3A_914 : f32 to vector<16xf32>
        %mul3A_925 = arith.mulf %gather3A_923, %mul3A_924 : vector<16xf32>
        %add3A_926 = arith.addf %add3A_908, %mul3A_925 : vector<16xf32>
        %gather3A_927 = tpu.vector_load_idx %arg9[%broadcast_in_dim3A_591, %add3A_575, %broadcast_in_dim3A_37] masked %lt3A_65 : memref<2x1920x32xf32, #tpu.memory_space<vmem>>[vector<16xi32>, vector<16xi32>, vector<16xi32>], vector<16xf32>, vector<16xi1>
        %mul3A_928 = vector.broadcast %squeeze3A_914 : f32 to vector<16xf32>
        %mul3A_929 = arith.mulf %gather3A_927, %mul3A_928 : vector<16xf32>
        %add3A_930 = arith.addf %add3A_912, %mul3A_929 : vector<16xf32>
        %slice3A_931 = vector.extract_strided_slice %get3A_590 {offsets = [3], sizes = [1], strides = [1]} : vector<16xf32> to vector<1xf32>
        %squeeze3A_932 = vector.extract %slice3A_931[0] : f32 from vector<1xf32>
        %gather3A_933 = tpu.vector_load_idx %arg9[%broadcast_in_dim3A_591, %add3A_566, %broadcast_in_dim3A_39] : memref<2x1920x32xf32, #tpu.memory_space<vmem>>[vector<16xi32>, vector<16xi32>, vector<16xi32>], vector<16xf32>,
        %mul3A_934 = vector.broadcast %squeeze3A_932 : f32 to vector<16xf32>
        %mul3A_935 = arith.mulf %gather3A_933, %mul3A_934 : vector<16xf32>
        %add3A_936 = arith.addf %add3A_918, %mul3A_935 : vector<16xf32>
        %gather3A_937 = tpu.vector_load_idx %arg9[%broadcast_in_dim3A_591, %add3A_569, %broadcast_in_dim3A_39] : memref<2x1920x32xf32, #tpu.memory_space<vmem>>[vector<16xi32>, vector<16xi32>, vector<16xi32>], vector<16xf32>,
        %mul3A_938 = vector.broadcast %squeeze3A_932 : f32 to vector<16xf32>
        %mul3A_939 = arith.mulf %gather3A_937, %mul3A_938 : vector<16xf32>
        %add3A_940 = arith.addf %add3A_922, %mul3A_939 : vector<16xf32>
        %gather3A_941 = tpu.vector_load_idx %arg9[%broadcast_in_dim3A_591, %add3A_572, %broadcast_in_dim3A_39] : memref<2x1920x32xf32, #tpu.memory_space<vmem>>[vector<16xi32>, vector<16xi32>, vector<16xi32>], vector<16xf32>,
        %mul3A_942 = vector.broadcast %squeeze3A_932 : f32 to vector<16xf32>
        %mul3A_943 = arith.mulf %gather3A_941, %mul3A_942 : vector<16xf32>
        %add3A_944 = arith.addf %add3A_926, %mul3A_943 : vector<16xf32>
        %gather3A_945 = tpu.vector_load_idx %arg9[%broadcast_in_dim3A_591, %add3A_575, %broadcast_in_dim3A_39] masked %lt3A_65 : memref<2x1920x32xf32, #tpu.memory_space<vmem>>[vector<16xi32>, vector<16xi32>, vector<16xi32>], vector<16xf32>, vector<16xi1>
        %mul3A_946 = vector.broadcast %squeeze3A_932 : f32 to vector<16xf32>
        %mul3A_947 = arith.mulf %gather3A_945, %mul3A_946 : vector<16xf32>
        %add3A_948 = arith.addf %add3A_930, %mul3A_947 : vector<16xf32>
        %slice3A_949 = vector.extract_strided_slice %get3A_590 {offsets = [4], sizes = [1], strides = [1]} : vector<16xf32> to vector<1xf32>
        %squeeze3A_950 = vector.extract %slice3A_949[0] : f32 from vector<1xf32>
        %gather3A_951 = tpu.vector_load_idx %arg9[%broadcast_in_dim3A_591, %add3A_566, %broadcast_in_dim3A_41] : memref<2x1920x32xf32, #tpu.memory_space<vmem>>[vector<16xi32>, vector<16xi32>, vector<16xi32>], vector<16xf32>,
        %mul3A_952 = vector.broadcast %squeeze3A_950 : f32 to vector<16xf32>
        %mul3A_953 = arith.mulf %gather3A_951, %mul3A_952 : vector<16xf32>
        %add3A_954 = arith.addf %add3A_936, %mul3A_953 : vector<16xf32>
        %gather3A_955 = tpu.vector_load_idx %arg9[%broadcast_in_dim3A_591, %add3A_569, %broadcast_in_dim3A_41] : memref<2x1920x32xf32, #tpu.memory_space<vmem>>[vector<16xi32>, vector<16xi32>, vector<16xi32>], vector<16xf32>,
        %mul3A_956 = vector.broadcast %squeeze3A_950 : f32 to vector<16xf32>
        %mul3A_957 = arith.mulf %gather3A_955, %mul3A_956 : vector<16xf32>
        %add3A_958 = arith.addf %add3A_940, %mul3A_957 : vector<16xf32>
        %gather3A_959 = tpu.vector_load_idx %arg9[%broadcast_in_dim3A_591, %add3A_572, %broadcast_in_dim3A_41] : memref<2x1920x32xf32, #tpu.memory_space<vmem>>[vector<16xi32>, vector<16xi32>, vector<16xi32>], vector<16xf32>,
        %mul3A_960 = vector.broadcast %squeeze3A_950 : f32 to vector<16xf32>
        %mul3A_961 = arith.mulf %gather3A_959, %mul3A_960 : vector<16xf32>
        %add3A_962 = arith.addf %add3A_944, %mul3A_961 : vector<16xf32>
        %gather3A_963 = tpu.vector_load_idx %arg9[%broadcast_in_dim3A_591, %add3A_575, %broadcast_in_dim3A_41] masked %lt3A_65 : memref<2x1920x32xf32, #tpu.memory_space<vmem>>[vector<16xi32>, vector<16xi32>, vector<16xi32>], vector<16xf32>, vector<16xi1>
        %mul3A_964 = vector.broadcast %squeeze3A_950 : f32 to vector<16xf32>
        %mul3A_965 = arith.mulf %gather3A_963, %mul3A_964 : vector<16xf32>
        %add3A_966 = arith.addf %add3A_948, %mul3A_965 : vector<16xf32>
        %slice3A_967 = vector.extract_strided_slice %get3A_590 {offsets = [5], sizes = [1], strides = [1]} : vector<16xf32> to vector<1xf32>
        %squeeze3A_968 = vector.extract %slice3A_967[0] : f32 from vector<1xf32>
        %gather3A_969 = tpu.vector_load_idx %arg9[%broadcast_in_dim3A_591, %add3A_566, %broadcast_in_dim3A_43] : memref<2x1920x32xf32, #tpu.memory_space<vmem>>[vector<16xi32>, vector<16xi32>, vector<16xi32>], vector<16xf32>,
        %mul3A_970 = vector.broadcast %squeeze3A_968 : f32 to vector<16xf32>
        %mul3A_971 = arith.mulf %gather3A_969, %mul3A_970 : vector<16xf32>
        %add3A_972 = arith.addf %add3A_954, %mul3A_971 : vector<16xf32>
        %gather3A_973 = tpu.vector_load_idx %arg9[%broadcast_in_dim3A_591, %add3A_569, %broadcast_in_dim3A_43] : memref<2x1920x32xf32, #tpu.memory_space<vmem>>[vector<16xi32>, vector<16xi32>, vector<16xi32>], vector<16xf32>,
        %mul3A_974 = vector.broadcast %squeeze3A_968 : f32 to vector<16xf32>
        %mul3A_975 = arith.mulf %gather3A_973, %mul3A_974 : vector<16xf32>
        %add3A_976 = arith.addf %add3A_958, %mul3A_975 : vector<16xf32>
        %gather3A_977 = tpu.vector_load_idx %arg9[%broadcast_in_dim3A_591, %add3A_572, %broadcast_in_dim3A_43] : memref<2x1920x32xf32, #tpu.memory_space<vmem>>[vector<16xi32>, vector<16xi32>, vector<16xi32>], vector<16xf32>,
        %mul3A_978 = vector.broadcast %squeeze3A_968 : f32 to vector<16xf32>
        %mul3A_979 = arith.mulf %gather3A_977, %mul3A_978 : vector<16xf32>
        %add3A_980 = arith.addf %add3A_962, %mul3A_979 : vector<16xf32>
        %gather3A_981 = tpu.vector_load_idx %arg9[%broadcast_in_dim3A_591, %add3A_575, %broadcast_in_dim3A_43] masked %lt3A_65 : memref<2x1920x32xf32, #tpu.memory_space<vmem>>[vector<16xi32>, vector<16xi32>, vector<16xi32>], vector<16xf32>, vector<16xi1>
        %mul3A_982 = vector.broadcast %squeeze3A_968 : f32 to vector<16xf32>
        %mul3A_983 = arith.mulf %gather3A_981, %mul3A_982 : vector<16xf32>
        %add3A_984 = arith.addf %add3A_966, %mul3A_983 : vector<16xf32>
        %slice3A_985 = vector.extract_strided_slice %get3A_590 {offsets = [6], sizes = [1], strides = [1]} : vector<16xf32> to vector<1xf32>
        %squeeze3A_986 = vector.extract %slice3A_985[0] : f32 from vector<1xf32>
        %gather3A_987 = tpu.vector_load_idx %arg9[%broadcast_in_dim3A_591, %add3A_566, %broadcast_in_dim3A_45] : memref<2x1920x32xf32, #tpu.memory_space<vmem>>[vector<16xi32>, vector<16xi32>, vector<16xi32>], vector<16xf32>,
        %mul3A_988 = vector.broadcast %squeeze3A_986 : f32 to vector<16xf32>
        %mul3A_989 = arith.mulf %gather3A_987, %mul3A_988 : vector<16xf32>
        %add3A_990 = arith.addf %add3A_972, %mul3A_989 : vector<16xf32>
        %gather3A_991 = tpu.vector_load_idx %arg9[%broadcast_in_dim3A_591, %add3A_569, %broadcast_in_dim3A_45] : memref<2x1920x32xf32, #tpu.memory_space<vmem>>[vector<16xi32>, vector<16xi32>, vector<16xi32>], vector<16xf32>,
        %mul3A_992 = vector.broadcast %squeeze3A_986 : f32 to vector<16xf32>
        %mul3A_993 = arith.mulf %gather3A_991, %mul3A_992 : vector<16xf32>
        %add3A_994 = arith.addf %add3A_976, %mul3A_993 : vector<16xf32>
        %gather3A_995 = tpu.vector_load_idx %arg9[%broadcast_in_dim3A_591, %add3A_572, %broadcast_in_dim3A_45] : memref<2x1920x32xf32, #tpu.memory_space<vmem>>[vector<16xi32>, vector<16xi32>, vector<16xi32>], vector<16xf32>,
        %mul3A_996 = vector.broadcast %squeeze3A_986 : f32 to vector<16xf32>
        %mul3A_997 = arith.mulf %gather3A_995, %mul3A_996 : vector<16xf32>
        %add3A_998 = arith.addf %add3A_980, %mul3A_997 : vector<16xf32>
        %gather3A_999 = tpu.vector_load_idx %arg9[%broadcast_in_dim3A_591, %add3A_575, %broadcast_in_dim3A_45] masked %lt3A_65 : memref<2x1920x32xf32, #tpu.memory_space<vmem>>[vector<16xi32>, vector<16xi32>, vector<16xi32>], vector<16xf32>, vector<16xi1>
        %mul3A_1000 = vector.broadcast %squeeze3A_986 : f32 to vector<16xf32>
        %mul3A_1001 = arith.mulf %gather3A_999, %mul3A_1000 : vector<16xf32>
        %add3A_1002 = arith.addf %add3A_984, %mul3A_1001 : vector<16xf32>
        %slice3A_1003 = vector.extract_strided_slice %get3A_590 {offsets = [7], sizes = [1], strides = [1]} : vector<16xf32> to vector<1xf32>
        %squeeze3A_1004 = vector.extract %slice3A_1003[0] : f32 from vector<1xf32>
        %gather3A_1005 = tpu.vector_load_idx %arg9[%broadcast_in_dim3A_591, %add3A_566, %broadcast_in_dim3A_47] : memref<2x1920x32xf32, #tpu.memory_space<vmem>>[vector<16xi32>, vector<16xi32>, vector<16xi32>], vector<16xf32>,
        %mul3A_1006 = vector.broadcast %squeeze3A_1004 : f32 to vector<16xf32>
        %mul3A_1007 = arith.mulf %gather3A_1005, %mul3A_1006 : vector<16xf32>
        %add3A_1008 = arith.addf %add3A_990, %mul3A_1007 : vector<16xf32>
        %gather3A_1009 = tpu.vector_load_idx %arg9[%broadcast_in_dim3A_591, %add3A_569, %broadcast_in_dim3A_47] : memref<2x1920x32xf32, #tpu.memory_space<vmem>>[vector<16xi32>, vector<16xi32>, vector<16xi32>], vector<16xf32>,
        %mul3A_1010 = vector.broadcast %squeeze3A_1004 : f32 to vector<16xf32>
        %mul3A_1011 = arith.mulf %gather3A_1009, %mul3A_1010 : vector<16xf32>
        %add3A_1012 = arith.addf %add3A_994, %mul3A_1011 : vector<16xf32>
        %gather3A_1013 = tpu.vector_load_idx %arg9[%broadcast_in_dim3A_591, %add3A_572, %broadcast_in_dim3A_47] : memref<2x1920x32xf32, #tpu.memory_space<vmem>>[vector<16xi32>, vector<16xi32>, vector<16xi32>], vector<16xf32>,
        %mul3A_1014 = vector.broadcast %squeeze3A_1004 : f32 to vector<16xf32>
        %mul3A_1015 = arith.mulf %gather3A_1013, %mul3A_1014 : vector<16xf32>
        %add3A_1016 = arith.addf %add3A_998, %mul3A_1015 : vector<16xf32>
        %gather3A_1017 = tpu.vector_load_idx %arg9[%broadcast_in_dim3A_591, %add3A_575, %broadcast_in_dim3A_47] masked %lt3A_65 : memref<2x1920x32xf32, #tpu.memory_space<vmem>>[vector<16xi32>, vector<16xi32>, vector<16xi32>], vector<16xf32>, vector<16xi1>
        %mul3A_1018 = vector.broadcast %squeeze3A_1004 : f32 to vector<16xf32>
        %mul3A_1019 = arith.mulf %gather3A_1017, %mul3A_1018 : vector<16xf32>
        %add3A_1020 = arith.addf %add3A_1002, %mul3A_1019 : vector<16xf32>
        %slice3A_1021 = vector.extract_strided_slice %get3A_590 {offsets = [8], sizes = [1], strides = [1]} : vector<16xf32> to vector<1xf32>
        %squeeze3A_1022 = vector.extract %slice3A_1021[0] : f32 from vector<1xf32>
        %gather3A_1023 = tpu.vector_load_idx %arg9[%broadcast_in_dim3A_591, %add3A_566, %broadcast_in_dim3A_49] : memref<2x1920x32xf32, #tpu.memory_space<vmem>>[vector<16xi32>, vector<16xi32>, vector<16xi32>], vector<16xf32>,
        %mul3A_1024 = vector.broadcast %squeeze3A_1022 : f32 to vector<16xf32>
        %mul3A_1025 = arith.mulf %gather3A_1023, %mul3A_1024 : vector<16xf32>
        %add3A_1026 = arith.addf %add3A_1008, %mul3A_1025 : vector<16xf32>
        %gather3A_1027 = tpu.vector_load_idx %arg9[%broadcast_in_dim3A_591, %add3A_569, %broadcast_in_dim3A_49] : memref<2x1920x32xf32, #tpu.memory_space<vmem>>[vector<16xi32>, vector<16xi32>, vector<16xi32>], vector<16xf32>,
        %mul3A_1028 = vector.broadcast %squeeze3A_1022 : f32 to vector<16xf32>
        %mul3A_1029 = arith.mulf %gather3A_1027, %mul3A_1028 : vector<16xf32>
        %add3A_1030 = arith.addf %add3A_1012, %mul3A_1029 : vector<16xf32>
        %gather3A_1031 = tpu.vector_load_idx %arg9[%broadcast_in_dim3A_591, %add3A_572, %broadcast_in_dim3A_49] : memref<2x1920x32xf32, #tpu.memory_space<vmem>>[vector<16xi32>, vector<16xi32>, vector<16xi32>], vector<16xf32>,
        %mul3A_1032 = vector.broadcast %squeeze3A_1022 : f32 to vector<16xf32>
        %mul3A_1033 = arith.mulf %gather3A_1031, %mul3A_1032 : vector<16xf32>
        %add3A_1034 = arith.addf %add3A_1016, %mul3A_1033 : vector<16xf32>
        %gather3A_1035 = tpu.vector_load_idx %arg9[%broadcast_in_dim3A_591, %add3A_575, %broadcast_in_dim3A_49] masked %lt3A_65 : memref<2x1920x32xf32, #tpu.memory_space<vmem>>[vector<16xi32>, vector<16xi32>, vector<16xi32>], vector<16xf32>, vector<16xi1>
        %mul3A_1036 = vector.broadcast %squeeze3A_1022 : f32 to vector<16xf32>
        %mul3A_1037 = arith.mulf %gather3A_1035, %mul3A_1036 : vector<16xf32>
        %add3A_1038 = arith.addf %add3A_1020, %mul3A_1037 : vector<16xf32>
        %slice3A_1039 = vector.extract_strided_slice %get3A_590 {offsets = [9], sizes = [1], strides = [1]} : vector<16xf32> to vector<1xf32>
        %squeeze3A_1040 = vector.extract %slice3A_1039[0] : f32 from vector<1xf32>
        %gather3A_1041 = tpu.vector_load_idx %arg9[%broadcast_in_dim3A_591, %add3A_566, %broadcast_in_dim3A_51] : memref<2x1920x32xf32, #tpu.memory_space<vmem>>[vector<16xi32>, vector<16xi32>, vector<16xi32>], vector<16xf32>,
        %mul3A_1042 = vector.broadcast %squeeze3A_1040 : f32 to vector<16xf32>
        %mul3A_1043 = arith.mulf %gather3A_1041, %mul3A_1042 : vector<16xf32>
        %add3A_1044 = arith.addf %add3A_1026, %mul3A_1043 : vector<16xf32>
        %gather3A_1045 = tpu.vector_load_idx %arg9[%broadcast_in_dim3A_591, %add3A_569, %broadcast_in_dim3A_51] : memref<2x1920x32xf32, #tpu.memory_space<vmem>>[vector<16xi32>, vector<16xi32>, vector<16xi32>], vector<16xf32>,
        %mul3A_1046 = vector.broadcast %squeeze3A_1040 : f32 to vector<16xf32>
        %mul3A_1047 = arith.mulf %gather3A_1045, %mul3A_1046 : vector<16xf32>
        %add3A_1048 = arith.addf %add3A_1030, %mul3A_1047 : vector<16xf32>
        %gather3A_1049 = tpu.vector_load_idx %arg9[%broadcast_in_dim3A_591, %add3A_572, %broadcast_in_dim3A_51] : memref<2x1920x32xf32, #tpu.memory_space<vmem>>[vector<16xi32>, vector<16xi32>, vector<16xi32>], vector<16xf32>,
        %mul3A_1050 = vector.broadcast %squeeze3A_1040 : f32 to vector<16xf32>
        %mul3A_1051 = arith.mulf %gather3A_1049, %mul3A_1050 : vector<16xf32>
        %add3A_1052 = arith.addf %add3A_1034, %mul3A_1051 : vector<16xf32>
        %gather3A_1053 = tpu.vector_load_idx %arg9[%broadcast_in_dim3A_591, %add3A_575, %broadcast_in_dim3A_51] masked %lt3A_65 : memref<2x1920x32xf32, #tpu.memory_space<vmem>>[vector<16xi32>, vector<16xi32>, vector<16xi32>], vector<16xf32>, vector<16xi1>
        %mul3A_1054 = vector.broadcast %squeeze3A_1040 : f32 to vector<16xf32>
        %mul3A_1055 = arith.mulf %gather3A_1053, %mul3A_1054 : vector<16xf32>
        %add3A_1056 = arith.addf %add3A_1038, %mul3A_1055 : vector<16xf32>
        %slice3A_1057 = vector.extract_strided_slice %get3A_590 {offsets = [10], sizes = [1], strides = [1]} : vector<16xf32> to vector<1xf32>
        %squeeze3A_1058 = vector.extract %slice3A_1057[0] : f32 from vector<1xf32>
        %gather3A_1059 = tpu.vector_load_idx %arg9[%broadcast_in_dim3A_591, %add3A_566, %broadcast_in_dim3A_53] : memref<2x1920x32xf32, #tpu.memory_space<vmem>>[vector<16xi32>, vector<16xi32>, vector<16xi32>], vector<16xf32>,
        %mul3A_1060 = vector.broadcast %squeeze3A_1058 : f32 to vector<16xf32>
        %mul3A_1061 = arith.mulf %gather3A_1059, %mul3A_1060 : vector<16xf32>
        %add3A_1062 = arith.addf %add3A_1044, %mul3A_1061 : vector<16xf32>
        %gather3A_1063 = tpu.vector_load_idx %arg9[%broadcast_in_dim3A_591, %add3A_569, %broadcast_in_dim3A_53] : memref<2x1920x32xf32, #tpu.memory_space<vmem>>[vector<16xi32>, vector<16xi32>, vector<16xi32>], vector<16xf32>,
        %mul3A_1064 = vector.broadcast %squeeze3A_1058 : f32 to vector<16xf32>
        %mul3A_1065 = arith.mulf %gather3A_1063, %mul3A_1064 : vector<16xf32>
        %add3A_1066 = arith.addf %add3A_1048, %mul3A_1065 : vector<16xf32>
        %gather3A_1067 = tpu.vector_load_idx %arg9[%broadcast_in_dim3A_591, %add3A_572, %broadcast_in_dim3A_53] : memref<2x1920x32xf32, #tpu.memory_space<vmem>>[vector<16xi32>, vector<16xi32>, vector<16xi32>], vector<16xf32>,
        %mul3A_1068 = vector.broadcast %squeeze3A_1058 : f32 to vector<16xf32>
        %mul3A_1069 = arith.mulf %gather3A_1067, %mul3A_1068 : vector<16xf32>
        %add3A_1070 = arith.addf %add3A_1052, %mul3A_1069 : vector<16xf32>
        %gather3A_1071 = tpu.vector_load_idx %arg9[%broadcast_in_dim3A_591, %add3A_575, %broadcast_in_dim3A_53] masked %lt3A_65 : memref<2x1920x32xf32, #tpu.memory_space<vmem>>[vector<16xi32>, vector<16xi32>, vector<16xi32>], vector<16xf32>, vector<16xi1>
        %mul3A_1072 = vector.broadcast %squeeze3A_1058 : f32 to vector<16xf32>
        %mul3A_1073 = arith.mulf %gather3A_1071, %mul3A_1072 : vector<16xf32>
        %add3A_1074 = arith.addf %add3A_1056, %mul3A_1073 : vector<16xf32>
        %slice3A_1075 = vector.extract_strided_slice %get3A_590 {offsets = [11], sizes = [1], strides = [1]} : vector<16xf32> to vector<1xf32>
        %squeeze3A_1076 = vector.extract %slice3A_1075[0] : f32 from vector<1xf32>
        %gather3A_1077 = tpu.vector_load_idx %arg9[%broadcast_in_dim3A_591, %add3A_566, %broadcast_in_dim3A_55] : memref<2x1920x32xf32, #tpu.memory_space<vmem>>[vector<16xi32>, vector<16xi32>, vector<16xi32>], vector<16xf32>,
        %mul3A_1078 = vector.broadcast %squeeze3A_1076 : f32 to vector<16xf32>
        %mul3A_1079 = arith.mulf %gather3A_1077, %mul3A_1078 : vector<16xf32>
        %add3A_1080 = arith.addf %add3A_1062, %mul3A_1079 : vector<16xf32>
        %gather3A_1081 = tpu.vector_load_idx %arg9[%broadcast_in_dim3A_591, %add3A_569, %broadcast_in_dim3A_55] : memref<2x1920x32xf32, #tpu.memory_space<vmem>>[vector<16xi32>, vector<16xi32>, vector<16xi32>], vector<16xf32>,
        %mul3A_1082 = vector.broadcast %squeeze3A_1076 : f32 to vector<16xf32>
        %mul3A_1083 = arith.mulf %gather3A_1081, %mul3A_1082 : vector<16xf32>
        %add3A_1084 = arith.addf %add3A_1066, %mul3A_1083 : vector<16xf32>
        %gather3A_1085 = tpu.vector_load_idx %arg9[%broadcast_in_dim3A_591, %add3A_572, %broadcast_in_dim3A_55] : memref<2x1920x32xf32, #tpu.memory_space<vmem>>[vector<16xi32>, vector<16xi32>, vector<16xi32>], vector<16xf32>,
        %mul3A_1086 = vector.broadcast %squeeze3A_1076 : f32 to vector<16xf32>
        %mul3A_1087 = arith.mulf %gather3A_1085, %mul3A_1086 : vector<16xf32>
        %add3A_1088 = arith.addf %add3A_1070, %mul3A_1087 : vector<16xf32>
        %gather3A_1089 = tpu.vector_load_idx %arg9[%broadcast_in_dim3A_591, %add3A_575, %broadcast_in_dim3A_55] masked %lt3A_65 : memref<2x1920x32xf32, #tpu.memory_space<vmem>>[vector<16xi32>, vector<16xi32>, vector<16xi32>], vector<16xf32>, vector<16xi1>
        %mul3A_1090 = vector.broadcast %squeeze3A_1076 : f32 to vector<16xf32>
        %mul3A_1091 = arith.mulf %gather3A_1089, %mul3A_1090 : vector<16xf32>
        %add3A_1092 = arith.addf %add3A_1074, %mul3A_1091 : vector<16xf32>
        %slice3A_1093 = vector.extract_strided_slice %get3A_590 {offsets = [12], sizes = [1], strides = [1]} : vector<16xf32> to vector<1xf32>
        %squeeze3A_1094 = vector.extract %slice3A_1093[0] : f32 from vector<1xf32>
        %gather3A_1095 = tpu.vector_load_idx %arg9[%broadcast_in_dim3A_591, %add3A_566, %broadcast_in_dim3A_57] : memref<2x1920x32xf32, #tpu.memory_space<vmem>>[vector<16xi32>, vector<16xi32>, vector<16xi32>], vector<16xf32>,
        %mul3A_1096 = vector.broadcast %squeeze3A_1094 : f32 to vector<16xf32>
        %mul3A_1097 = arith.mulf %gather3A_1095, %mul3A_1096 : vector<16xf32>
        %add3A_1098 = arith.addf %add3A_1080, %mul3A_1097 : vector<16xf32>
        %gather3A_1099 = tpu.vector_load_idx %arg9[%broadcast_in_dim3A_591, %add3A_569, %broadcast_in_dim3A_57] : memref<2x1920x32xf32, #tpu.memory_space<vmem>>[vector<16xi32>, vector<16xi32>, vector<16xi32>], vector<16xf32>,
        %mul3A_1100 = vector.broadcast %squeeze3A_1094 : f32 to vector<16xf32>
        %mul3A_1101 = arith.mulf %gather3A_1099, %mul3A_1100 : vector<16xf32>
        %add3A_1102 = arith.addf %add3A_1084, %mul3A_1101 : vector<16xf32>
        %gather3A_1103 = tpu.vector_load_idx %arg9[%broadcast_in_dim3A_591, %add3A_572, %broadcast_in_dim3A_57] : memref<2x1920x32xf32, #tpu.memory_space<vmem>>[vector<16xi32>, vector<16xi32>, vector<16xi32>], vector<16xf32>,
        %mul3A_1104 = vector.broadcast %squeeze3A_1094 : f32 to vector<16xf32>
        %mul3A_1105 = arith.mulf %gather3A_1103, %mul3A_1104 : vector<16xf32>
        %add3A_1106 = arith.addf %add3A_1088, %mul3A_1105 : vector<16xf32>
        %gather3A_1107 = tpu.vector_load_idx %arg9[%broadcast_in_dim3A_591, %add3A_575, %broadcast_in_dim3A_57] masked %lt3A_65 : memref<2x1920x32xf32, #tpu.memory_space<vmem>>[vector<16xi32>, vector<16xi32>, vector<16xi32>], vector<16xf32>, vector<16xi1>
        %mul3A_1108 = vector.broadcast %squeeze3A_1094 : f32 to vector<16xf32>
        %mul3A_1109 = arith.mulf %gather3A_1107, %mul3A_1108 : vector<16xf32>
        %add3A_1110 = arith.addf %add3A_1092, %mul3A_1109 : vector<16xf32>
        %slice3A_1111 = vector.extract_strided_slice %get3A_590 {offsets = [13], sizes = [1], strides = [1]} : vector<16xf32> to vector<1xf32>
        %squeeze3A_1112 = vector.extract %slice3A_1111[0] : f32 from vector<1xf32>
        %gather3A_1113 = tpu.vector_load_idx %arg9[%broadcast_in_dim3A_591, %add3A_566, %broadcast_in_dim3A_59] : memref<2x1920x32xf32, #tpu.memory_space<vmem>>[vector<16xi32>, vector<16xi32>, vector<16xi32>], vector<16xf32>,
        %mul3A_1114 = vector.broadcast %squeeze3A_1112 : f32 to vector<16xf32>
        %mul3A_1115 = arith.mulf %gather3A_1113, %mul3A_1114 : vector<16xf32>
        %add3A_1116 = arith.addf %add3A_1098, %mul3A_1115 : vector<16xf32>
        %gather3A_1117 = tpu.vector_load_idx %arg9[%broadcast_in_dim3A_591, %add3A_569, %broadcast_in_dim3A_59] : memref<2x1920x32xf32, #tpu.memory_space<vmem>>[vector<16xi32>, vector<16xi32>, vector<16xi32>], vector<16xf32>,
        %mul3A_1118 = vector.broadcast %squeeze3A_1112 : f32 to vector<16xf32>
        %mul3A_1119 = arith.mulf %gather3A_1117, %mul3A_1118 : vector<16xf32>
        %add3A_1120 = arith.addf %add3A_1102, %mul3A_1119 : vector<16xf32>
        %gather3A_1121 = tpu.vector_load_idx %arg9[%broadcast_in_dim3A_591, %add3A_572, %broadcast_in_dim3A_59] : memref<2x1920x32xf32, #tpu.memory_space<vmem>>[vector<16xi32>, vector<16xi32>, vector<16xi32>], vector<16xf32>,
        %mul3A_1122 = vector.broadcast %squeeze3A_1112 : f32 to vector<16xf32>
        %mul3A_1123 = arith.mulf %gather3A_1121, %mul3A_1122 : vector<16xf32>
        %add3A_1124 = arith.addf %add3A_1106, %mul3A_1123 : vector<16xf32>
        %gather3A_1125 = tpu.vector_load_idx %arg9[%broadcast_in_dim3A_591, %add3A_575, %broadcast_in_dim3A_59] masked %lt3A_65 : memref<2x1920x32xf32, #tpu.memory_space<vmem>>[vector<16xi32>, vector<16xi32>, vector<16xi32>], vector<16xf32>, vector<16xi1>
        %mul3A_1126 = vector.broadcast %squeeze3A_1112 : f32 to vector<16xf32>
        %mul3A_1127 = arith.mulf %gather3A_1125, %mul3A_1126 : vector<16xf32>
        %add3A_1128 = arith.addf %add3A_1110, %mul3A_1127 : vector<16xf32>
        %slice3A_1129 = vector.extract_strided_slice %get3A_590 {offsets = [14], sizes = [1], strides = [1]} : vector<16xf32> to vector<1xf32>
        %squeeze3A_1130 = vector.extract %slice3A_1129[0] : f32 from vector<1xf32>
        %gather3A_1131 = tpu.vector_load_idx %arg9[%broadcast_in_dim3A_591, %add3A_566, %broadcast_in_dim3A_61] : memref<2x1920x32xf32, #tpu.memory_space<vmem>>[vector<16xi32>, vector<16xi32>, vector<16xi32>], vector<16xf32>,
        %mul3A_1132 = vector.broadcast %squeeze3A_1130 : f32 to vector<16xf32>
        %mul3A_1133 = arith.mulf %gather3A_1131, %mul3A_1132 : vector<16xf32>
        %add3A_1134 = arith.addf %add3A_1116, %mul3A_1133 : vector<16xf32>
        %gather3A_1135 = tpu.vector_load_idx %arg9[%broadcast_in_dim3A_591, %add3A_569, %broadcast_in_dim3A_61] : memref<2x1920x32xf32, #tpu.memory_space<vmem>>[vector<16xi32>, vector<16xi32>, vector<16xi32>], vector<16xf32>,
        %mul3A_1136 = vector.broadcast %squeeze3A_1130 : f32 to vector<16xf32>
        %mul3A_1137 = arith.mulf %gather3A_1135, %mul3A_1136 : vector<16xf32>
        %add3A_1138 = arith.addf %add3A_1120, %mul3A_1137 : vector<16xf32>
        %gather3A_1139 = tpu.vector_load_idx %arg9[%broadcast_in_dim3A_591, %add3A_572, %broadcast_in_dim3A_61] : memref<2x1920x32xf32, #tpu.memory_space<vmem>>[vector<16xi32>, vector<16xi32>, vector<16xi32>], vector<16xf32>,
        %mul3A_1140 = vector.broadcast %squeeze3A_1130 : f32 to vector<16xf32>
        %mul3A_1141 = arith.mulf %gather3A_1139, %mul3A_1140 : vector<16xf32>
        %add3A_1142 = arith.addf %add3A_1124, %mul3A_1141 : vector<16xf32>
        %gather3A_1143 = tpu.vector_load_idx %arg9[%broadcast_in_dim3A_591, %add3A_575, %broadcast_in_dim3A_61] masked %lt3A_65 : memref<2x1920x32xf32, #tpu.memory_space<vmem>>[vector<16xi32>, vector<16xi32>, vector<16xi32>], vector<16xf32>, vector<16xi1>
        %mul3A_1144 = vector.broadcast %squeeze3A_1130 : f32 to vector<16xf32>
        %mul3A_1145 = arith.mulf %gather3A_1143, %mul3A_1144 : vector<16xf32>
        %add3A_1146 = arith.addf %add3A_1128, %mul3A_1145 : vector<16xf32>
        %slice3A_1147 = vector.extract_strided_slice %get3A_590 {offsets = [15], sizes = [1], strides = [1]} : vector<16xf32> to vector<1xf32>
        %squeeze3A_1148 = vector.extract %slice3A_1147[0] : f32 from vector<1xf32>
        %gather3A_1149 = tpu.vector_load_idx %arg9[%broadcast_in_dim3A_591, %add3A_566, %broadcast_in_dim3A_63] : memref<2x1920x32xf32, #tpu.memory_space<vmem>>[vector<16xi32>, vector<16xi32>, vector<16xi32>], vector<16xf32>,
        %mul3A_1150 = vector.broadcast %squeeze3A_1148 : f32 to vector<16xf32>
        %mul3A_1151 = arith.mulf %gather3A_1149, %mul3A_1150 : vector<16xf32>
        %add3A_1152 = arith.addf %add3A_1134, %mul3A_1151 : vector<16xf32>
        %gather3A_1153 = tpu.vector_load_idx %arg9[%broadcast_in_dim3A_591, %add3A_569, %broadcast_in_dim3A_63] : memref<2x1920x32xf32, #tpu.memory_space<vmem>>[vector<16xi32>, vector<16xi32>, vector<16xi32>], vector<16xf32>,
        %mul3A_1154 = vector.broadcast %squeeze3A_1148 : f32 to vector<16xf32>
        %mul3A_1155 = arith.mulf %gather3A_1153, %mul3A_1154 : vector<16xf32>
        %add3A_1156 = arith.addf %add3A_1138, %mul3A_1155 : vector<16xf32>
        %gather3A_1157 = tpu.vector_load_idx %arg9[%broadcast_in_dim3A_591, %add3A_572, %broadcast_in_dim3A_63] : memref<2x1920x32xf32, #tpu.memory_space<vmem>>[vector<16xi32>, vector<16xi32>, vector<16xi32>], vector<16xf32>,
        %mul3A_1158 = vector.broadcast %squeeze3A_1148 : f32 to vector<16xf32>
        %mul3A_1159 = arith.mulf %gather3A_1157, %mul3A_1158 : vector<16xf32>
        %add3A_1160 = arith.addf %add3A_1142, %mul3A_1159 : vector<16xf32>
        %gather3A_1161 = tpu.vector_load_idx %arg9[%broadcast_in_dim3A_591, %add3A_575, %broadcast_in_dim3A_63] masked %lt3A_65 : memref<2x1920x32xf32, #tpu.memory_space<vmem>>[vector<16xi32>, vector<16xi32>, vector<16xi32>], vector<16xf32>, vector<16xi1>
        %mul3A_1162 = vector.broadcast %squeeze3A_1148 : f32 to vector<16xf32>
        %mul3A_1163 = arith.mulf %gather3A_1161, %mul3A_1162 : vector<16xf32>
        %add3A_1164 = arith.addf %add3A_1146, %mul3A_1163 : vector<16xf32>
        %swap3A = arith.index_cast %scan3A_559 : i32 to index
        %swap3A_1165 = arith.constant 0 : index
        %swap3A_1166 = tpu.vector_load %arg11[%swap3A, %swap3A_1165] {strides = array<i32>} : memref<32x64xf32, #tpu.memory_space<vmem>>, vector<16xf32>,
        tpu.vector_store %arg11[%swap3A, %swap3A_1165], %add3A_1152 {strides = array<i32>} : memref<32x64xf32, #tpu.memory_space<vmem>>, vector<16xf32>,
        %swap3A_1167 = arith.index_cast %scan3A_559 : i32 to index
        %swap3A_1168 = arith.constant 16 : index
        %swap3A_1169 = tpu.vector_load %arg11[%swap3A_1167, %swap3A_1168] {strides = array<i32>} : memref<32x64xf32, #tpu.memory_space<vmem>>, vector<16xf32>,
        tpu.vector_store %arg11[%swap3A_1167, %swap3A_1168], %add3A_1156 {strides = array<i32>} : memref<32x64xf32, #tpu.memory_space<vmem>>, vector<16xf32>,
        %swap3A_1170 = arith.index_cast %scan3A_559 : i32 to index
        %swap3A_1171 = arith.constant 32 : index
        %swap3A_1172 = tpu.vector_load %arg11[%swap3A_1170, %swap3A_1171] {strides = array<i32>} : memref<32x64xf32, #tpu.memory_space<vmem>>, vector<16xf32>,
        tpu.vector_store %arg11[%swap3A_1170, %swap3A_1171], %add3A_1160 {strides = array<i32>} : memref<32x64xf32, #tpu.memory_space<vmem>>, vector<16xf32>,
        %swap3A_1173 = arith.index_cast %scan3A_559 : i32 to index
        %swap3A_1174 = arith.constant 48 : index
        %swap3A_1175 = tpu.vector_load %arg11[%swap3A_1173, %swap3A_1174] {strides = array<i32>} : memref<32x64xf32, #tpu.memory_space<vmem>>, vector<16xf32>,
        tpu.vector_store %arg11[%swap3A_1173, %swap3A_1174], %add3A_1164 {strides = array<i32>} : memref<32x64xf32, #tpu.memory_space<vmem>>, vector<16xf32>,
      }
      %scan3A_552 = arith.constant 32 : i32
      %mul3A_553 = arith.constant 16 : i32
      %mul3A_554 = arith.muli %add3A, %mul3A_553 : i32
      %add3A_555 = arith.addi %mul3A_554, %scan3A_335 : i32
      %mul3A_556 = arith.constant 32 : i32
      %mul3A_557 = arith.muli %add3A_555, %mul3A_556 : i32
      %multiple_of3A_558 = tpu.assume_multiple %mul3A_557, 32 : i32
      "tpu.region"() ({
        %run_scoped3A_559 = tpu.sem_alloc : memref<!tpu.dma_semaphore, #tpu.memory_space<semaphore_mem>>
        %dma_start3A_560 = arith.constant 0 : i32
        %dma_start3A_561 = tpu.memref_slice %arg6[%multiple_of3A_558, %dma_start3A_560] : memref<16384x64xf32, #tpu.memory_space<hbm>> -> memref<32x64xf32, #tpu.memory_space<hbm>>
        %dma_start3A_562 = arith.constant 0 : i32
        %dma_start3A_563 = tpu.memref_slice %arg6[%multiple_of3A_558, %dma_start3A_562] : memref<16384x64xf32, #tpu.memory_space<hbm>> -> memref<32x64xf32, #tpu.memory_space<hbm>>
        tpu.enqueue_dma source(%arg11 : memref<32x64xf32, #tpu.memory_space<vmem>>) target(%dma_start3A_563 : memref<32x64xf32, #tpu.memory_space<hbm>>) target_semaphore(%run_scoped3A_559 : memref<!tpu.dma_semaphore, #tpu.memory_space<semaphore_mem>>)
        %dma_wait3A_564 = arith.constant 0 : i32
        %dma_wait3A_565 = tpu.memref_slice %arg6[%multiple_of3A_558, %dma_wait3A_564] : memref<16384x64xf32, #tpu.memory_space<hbm>> -> memref<32x64xf32, #tpu.memory_space<hbm>>
        %dma_wait3A_566 = arith.constant 0 : i32
        %dma_wait3A_567 = tpu.memref_slice %arg6[%multiple_of3A_558, %dma_wait3A_566] : memref<16384x64xf32, #tpu.memory_space<hbm>> -> memref<32x64xf32, #tpu.memory_space<hbm>>
        tpu.wait_dma2 semaphore(%run_scoped3A_559 : memref<!tpu.dma_semaphore, #tpu.memory_space<semaphore_mem>>) src(%arg11 : memref<32x64xf32, #tpu.memory_space<vmem>>) dst(%dma_wait3A_567 : memref<32x64xf32, #tpu.memory_space<hbm>>)
        tpu.yield
      }) : () -> ()
    }
    %scan3A_334 = arith.constant 16 : i32
    return
  }
}

module attributes {stable_mosaic.version = 14 : i64} {
  func.func @_transpose_body(%arg0: i32, %arg1: memref<32x16384xf32, #tpu.memory_space<vmem>>, %arg2: memref<4096x128xf32, #tpu.memory_space<vmem>>) attributes {dimension_semantics = [#tpu.dimension_semantics<arbitrary>], iteration_bounds = array<i64: 62>, scalar_prefetch = 0 : i64, scratch_operands = 0 : i64, tpu.core_type = #tpu.core_type<tc>, window_params = [{transform_indices = @transform_0, window_bounds = array<i64: 32, 16384>}, {transform_indices = @transform_1, window_bounds = array<i64: 4096, 128>}]} {
    %get3A = arith.constant 0 : index
    %get3A_0 = arith.constant 0 : index
    %get3A_1 = vector.load %arg1[%get3A, %get3A_0] : memref<32x16384xf32, #tpu.memory_space<vmem>>, vector<32x16384xf32>
    %slice3A = vector.extract_strided_slice %get3A_1 {offsets = [0, 0], sizes = [32, 1024], strides = [1, 1]} : vector<32x16384xf32> to vector<32x1024xf32>
    %slice3A_2 = vector.extract_strided_slice %get3A_1 {offsets = [0, 1024], sizes = [32, 1024], strides = [1, 1]} : vector<32x16384xf32> to vector<32x1024xf32>
    %slice3A_3 = vector.extract_strided_slice %get3A_1 {offsets = [0, 2048], sizes = [32, 1024], strides = [1, 1]} : vector<32x16384xf32> to vector<32x1024xf32>
    %slice3A_4 = vector.extract_strided_slice %get3A_1 {offsets = [0, 3072], sizes = [32, 1024], strides = [1, 1]} : vector<32x16384xf32> to vector<32x1024xf32>
    %slice3A_5 = vector.extract_strided_slice %get3A_1 {offsets = [0, 4096], sizes = [32, 1024], strides = [1, 1]} : vector<32x16384xf32> to vector<32x1024xf32>
    %slice3A_6 = vector.extract_strided_slice %get3A_1 {offsets = [0, 5120], sizes = [32, 1024], strides = [1, 1]} : vector<32x16384xf32> to vector<32x1024xf32>
    %slice3A_7 = vector.extract_strided_slice %get3A_1 {offsets = [0, 6144], sizes = [32, 1024], strides = [1, 1]} : vector<32x16384xf32> to vector<32x1024xf32>
    %slice3A_8 = vector.extract_strided_slice %get3A_1 {offsets = [0, 7168], sizes = [32, 1024], strides = [1, 1]} : vector<32x16384xf32> to vector<32x1024xf32>
    %slice3A_9 = vector.extract_strided_slice %get3A_1 {offsets = [0, 8192], sizes = [32, 1024], strides = [1, 1]} : vector<32x16384xf32> to vector<32x1024xf32>
    %slice3A_10 = vector.extract_strided_slice %get3A_1 {offsets = [0, 9216], sizes = [32, 1024], strides = [1, 1]} : vector<32x16384xf32> to vector<32x1024xf32>
    %slice3A_11 = vector.extract_strided_slice %get3A_1 {offsets = [0, 10240], sizes = [32, 1024], strides = [1, 1]} : vector<32x16384xf32> to vector<32x1024xf32>
    %slice3A_12 = vector.extract_strided_slice %get3A_1 {offsets = [0, 11264], sizes = [32, 1024], strides = [1, 1]} : vector<32x16384xf32> to vector<32x1024xf32>
    %slice3A_13 = vector.extract_strided_slice %get3A_1 {offsets = [0, 12288], sizes = [32, 1024], strides = [1, 1]} : vector<32x16384xf32> to vector<32x1024xf32>
    %slice3A_14 = vector.extract_strided_slice %get3A_1 {offsets = [0, 13312], sizes = [32, 1024], strides = [1, 1]} : vector<32x16384xf32> to vector<32x1024xf32>
    %slice3A_15 = vector.extract_strided_slice %get3A_1 {offsets = [0, 14336], sizes = [32, 1024], strides = [1, 1]} : vector<32x16384xf32> to vector<32x1024xf32>
    %slice3A_16 = vector.extract_strided_slice %get3A_1 {offsets = [0, 15360], sizes = [32, 1024], strides = [1, 1]} : vector<32x16384xf32> to vector<32x1024xf32>
    %concatenate3A = tpu.concatenate %slice3A, %slice3A_2, %slice3A_3, %slice3A_4, %slice3A_5, %slice3A_6, %slice3A_7, %slice3A_8, %slice3A_9, %slice3A_10, %slice3A_11, %slice3A_12, %slice3A_13, %slice3A_14, %slice3A_15, %slice3A_16 in 0 : vector<32x1024xf32>, vector<32x1024xf32>, vector<32x1024xf32>, vector<32x1024xf32>, vector<32x1024xf32>, vector<32x1024xf32>, vector<32x1024xf32>, vector<32x1024xf32>, vector<32x1024xf32>, vector<32x1024xf32>, vector<32x1024xf32>, vector<32x1024xf32>, vector<32x1024xf32>, vector<32x1024xf32>, vector<32x1024xf32>, vector<32x1024xf32> -> vector<512x1024xf32>
    %iota3A = tpu.iota {dimensions = array<i32: 0>} : vector<512x512xi32>
    %iota3A_17 = tpu.iota {dimensions = array<i32: 1>} : vector<512x512xi32>
    %add3A = arith.constant 0 : i32
    %add3A_18 = vector.broadcast %add3A : i32 to vector<512x512xi32>
    %add3A_19 = arith.addi %iota3A, %add3A_18 : vector<512x512xi32>
    %eq3A = arith.cmpi eq, %add3A_19, %iota3A_17 : vector<512x512xi32>
    %convert_element_type3A = arith.extui %eq3A : vector<512x512xi1> to vector<512x512xi32>
    %convert_element_type3A_20 = arith.sitofp %convert_element_type3A : vector<512x512xi32> to vector<512x512xf32>
    %dot_general3A = arith.constant dense<0.000000e+00> : vector<1024x512xf32>
    %dot_general3A_21 = tpu.matmul %concatenate3A, %convert_element_type3A_20, %dot_general3A {dimension_numbers = #tpu.dot_dimension_numbers<[0], [0], [1], [1], [0, 1, 1, 1], [], []>, transpose_lhs_hint = false} : vector<512x1024xf32>, vector<512x512xf32>, vector<1024x512xf32> -> vector<1024x512xf32>
    %slice3A_22 = vector.extract_strided_slice %dot_general3A_21 {offsets = [0, 0], sizes = [1024, 128], strides = [1, 1]} : vector<1024x512xf32> to vector<1024x128xf32>
    %swap3A = arith.constant 0 : index
    %swap3A_23 = arith.constant 0 : index
    %swap3A_24 = vector.load %arg2[%swap3A, %swap3A_23] : memref<4096x128xf32, #tpu.memory_space<vmem>>, vector<1024x128xf32>
    tpu.vector_store %arg2[%swap3A, %swap3A_23], %slice3A_22 {strides = array<i32>} : memref<4096x128xf32, #tpu.memory_space<vmem>>, vector<1024x128xf32>,
    %slice3A_25 = vector.extract_strided_slice %dot_general3A_21 {offsets = [0, 128], sizes = [1024, 128], strides = [1, 1]} : vector<1024x512xf32> to vector<1024x128xf32>
    %swap3A_26 = arith.constant 1024 : index
    %swap3A_27 = arith.constant 0 : index
    %swap3A_28 = vector.load %arg2[%swap3A_26, %swap3A_27] : memref<4096x128xf32, #tpu.memory_space<vmem>>, vector<1024x128xf32>
    tpu.vector_store %arg2[%swap3A_26, %swap3A_27], %slice3A_25 {strides = array<i32>} : memref<4096x128xf32, #tpu.memory_space<vmem>>, vector<1024x128xf32>,
    %slice3A_29 = vector.extract_strided_slice %dot_general3A_21 {offsets = [0, 256], sizes = [1024, 128], strides = [1, 1]} : vector<1024x512xf32> to vector<1024x128xf32>
    %swap3A_30 = arith.constant 2048 : index
    %swap3A_31 = arith.constant 0 : index
    %swap3A_32 = vector.load %arg2[%swap3A_30, %swap3A_31] : memref<4096x128xf32, #tpu.memory_space<vmem>>, vector<1024x128xf32>
    tpu.vector_store %arg2[%swap3A_30, %swap3A_31], %slice3A_29 {strides = array<i32>} : memref<4096x128xf32, #tpu.memory_space<vmem>>, vector<1024x128xf32>,
    %slice3A_33 = vector.extract_strided_slice %dot_general3A_21 {offsets = [0, 384], sizes = [1024, 128], strides = [1, 1]} : vector<1024x512xf32> to vector<1024x128xf32>
    %swap3A_34 = arith.constant 3072 : index
    %swap3A_35 = arith.constant 0 : index
    %swap3A_36 = vector.load %arg2[%swap3A_34, %swap3A_35] : memref<4096x128xf32, #tpu.memory_space<vmem>>, vector<1024x128xf32>
    tpu.vector_store %arg2[%swap3A_34, %swap3A_35], %slice3A_33 {strides = array<i32>} : memref<4096x128xf32, #tpu.memory_space<vmem>>, vector<1024x128xf32>,
    return
  }
  func.func @transform_0(%arg0: i32) -> (i32, i32) {
    %c0_i32 = arith.constant 0 : i32
    %c0_i32_0 = arith.constant 0 : i32
    return %c0_i32, %arg0 : i32, i32
  }
  func.func @transform_1(%arg0: i32) -> (i32, i32) {
    %c0_i32 = arith.constant 0 : i32
    %c0_i32_0 = arith.constant 0 : i32
    return %arg0, %c0_i32 : i32, i32
  }
}

module attributes {stable_mosaic.version = 14 : i64} {
  func.func @_tc_body(%arg0: memref<16384x64xf32, #tpu.memory_space<vmem>>, %arg1: memref<16384xf32, #tpu.memory_space<vmem>>) attributes {dimension_semantics = [], scalar_prefetch = 0 : i64, scratch_operands = 0 : i64, tpu.core_type = #tpu.core_type<tc>} {
    %get3A = arith.constant 0 : index
    %get3A_0 = arith.constant 0 : index
    %get3A_1 = vector.load %arg0[%get3A, %get3A_0] : memref<16384x64xf32, #tpu.memory_space<vmem>>, vector<16384x64xf32>
    %iota3A = tpu.iota {dimensions = array<i32: 1>} : vector<16384x64xi32>
    %lt3A = arith.constant 10 : i32
    %lt3A_2 = vector.broadcast %lt3A : i32 to vector<16384x64xi32>
    %lt3A_3 = arith.cmpi slt, %iota3A, %lt3A_2 : vector<16384x64xi32>
    %jit3A = arith.constant 1.000000e+00 : f32
    %jit3A_4 = arith.constant -1.000000e+00 : f32
    %broadcast_in_dim3A = vector.broadcast %jit3A : f32 to vector<16384x64xf32>
    %broadcast_in_dim3A_5 = vector.broadcast %jit3A_4 : f32 to vector<16384x64xf32>
    %select_n3A = arith.select %lt3A_3, %broadcast_in_dim3A, %broadcast_in_dim3A_5 : vector<16384x64xi1>, vector<16384x64xf32>
    %lt3A_6 = arith.constant 10 : i32
    %lt3A_7 = vector.broadcast %lt3A_6 : i32 to vector<16384x64xi32>
    %lt3A_8 = arith.cmpi slt, %iota3A, %lt3A_7 : vector<16384x64xi32>
    %lt3A_9 = arith.constant 60 : i32
    %lt3A_10 = vector.broadcast %lt3A_9 : i32 to vector<16384x64xi32>
    %lt3A_11 = arith.cmpi slt, %iota3A, %lt3A_10 : vector<16384x64xi32>
    %jit3A_12 = arith.constant 2.000000e-02 : f32
    %jit3A_13 = arith.constant 0.000000e+00 : f32
    %broadcast_in_dim3A_14 = vector.broadcast %jit3A_12 : f32 to vector<16384x64xf32>
    %broadcast_in_dim3A_15 = vector.broadcast %jit3A_13 : f32 to vector<16384x64xf32>
    %select_n3A_16 = arith.select %lt3A_11, %broadcast_in_dim3A_14, %broadcast_in_dim3A_15 : vector<16384x64xi1>, vector<16384x64xf32>
    %jit3A_17 = arith.constant 1.000000e-01 : f32
    %broadcast_in_dim3A_18 = vector.broadcast %jit3A_17 : f32 to vector<16384x64xf32>
    %select_n3A_19 = arith.select %lt3A_8, %broadcast_in_dim3A_18, %select_n3A_16 : vector<16384x64xi1>, vector<16384x64xf32>
    %mul3A = arith.mulf %get3A_1, %select_n3A : vector<16384x64xf32>
    %min3A = arith.constant 0.000000e+00 : f32
    %min3A_20 = vector.broadcast %min3A : f32 to vector<16384x64xf32>
    %min3A_21 = arith.minimumf %mul3A, %min3A_20 : vector<16384x64xf32>
    %abs3A = math.absf %mul3A : vector<16384x64xf32>
    %neg3A = arith.constant 0.000000e+00 : f32
    %neg3A_22 = vector.broadcast %neg3A : f32 to vector<16384x64xf32>
    %neg3A_23 = arith.subf %neg3A_22, %abs3A : vector<16384x64xf32>
    %exp3A = math.exp %neg3A_23 : vector<16384x64xf32>
    %log1p3A = math.log1p %exp3A : vector<16384x64xf32>
    %sub3A = arith.subf %min3A_21, %log1p3A : vector<16384x64xf32>
    %lt3A_24 = arith.constant 60 : i32
    %lt3A_25 = vector.broadcast %lt3A_24 : i32 to vector<16384x64xi32>
    %lt3A_26 = arith.cmpi slt, %iota3A, %lt3A_25 : vector<16384x64xi32>
    %jit3A_27 = arith.constant 0.000000e+00 : f32
    %broadcast_in_dim3A_28 = vector.broadcast %jit3A_27 : f32 to vector<16384x64xf32>
    %select_n3A_29 = arith.select %lt3A_26, %sub3A, %broadcast_in_dim3A_28 : vector<16384x64xi1>, vector<16384x64xf32>
    %mul3A_30 = arith.mulf %select_n3A_29, %select_n3A_19 : vector<16384x64xf32>
    %reduce_sum3A = arith.constant dense<0.000000e+00> : vector<16384xf32>
    %reduce_sum3A_31 = vector.multi_reduction <add>, %mul3A_30, %reduce_sum3A [1] : vector<16384x64xf32> to vector<16384xf32>
    %neg3A_32 = arith.constant 0.000000e+00 : f32
    %neg3A_33 = vector.broadcast %neg3A_32 : f32 to vector<16384xf32>
    %neg3A_34 = arith.subf %neg3A_33, %reduce_sum3A_31 : vector<16384xf32>
    %swap3A = arith.constant 0 : index
    %swap3A_35 = vector.load %arg1[%swap3A] : memref<16384xf32, #tpu.memory_space<vmem>>, vector<16384xf32>
    tpu.vector_store %arg1[%swap3A], %neg3A_34 {strides = array<i32>} : memref<16384xf32, #tpu.memory_space<vmem>>, vector<16384xf32>,
    return
  }
}

</mosaic_0001>

<sc_bundles>
// kernel: kernel.6.cloned.1.call-start
scs
__scs_entry_jumppad:
0x0: {  	(pc) =	sbr.rel $0x88, $3  }
0x1: {  	(tag) =	ssettag $0x0;
	lr =	simm.s32 $0x1  }
0x2: {  	[smem:$0x3F9C] =	sst lr;
	_ =	strace $0xD0000000  }
0x3: {  	_ = 	snop  }
0x4: {  	_ = 	snop  }
0x5: {  	_ = 	snop  }
0x6: {  	_ = 	snop  }
0x7: {  	_ = 	snop  }
__scs_overlays_trampoline_lowered:
0x8: {  	[smem:$0x3FAB] =	sst s0  }
0x9: {  	[smem:$0x3FAC] =	sst s1  }
0xa: {  	[smem:$0x3FAD] =	sst s2  }
0xb: {  	[smem:$0x3FAE] =	sst s3  }
0xc: {  	[smem:$0x3FAF] =	sst s4  }
0xd: {  	[smem:$0x3FB0] =	sst s5  }
0xe: {  	[smem:$0x3FB1] =	sst s6  }
0xf: {  	[smem:$0x3FB2] =	sst s7  }
0x10: {  	[smem:$0x3FB3] =	sst s8  }
0x11: {  	[smem:$0x3FB4] =	sst s9;
	s0 =	simm.s32 @!p0 $0x0  }
0x12: {  	s1 =	sld [smem:$0x3F9A];
	s0 =	simm.s32 @p0 $0x1  }
0x13: {  	[smem:$0x3FB5] =	sst s0;
	s0 =	simm.s32 @!p1 $0x0  }
0x14: {  	s2 =	sld [smem:$0x3F99];
	s0 =	simm.s32 @p1 $0x1  }
0x15: {  	[smem:$0x3FB6] =	sst s0;
	s0 =	simm.s32 @!p2 $0x0  }
0x16: {  	s3 =	sld [smem:$0x3FDB];
	s0 =	simm.s32 @p2 $0x1  }
0x17: {  	s4 =	simm.s32 $0x1BF5;
	[smem:$0x3FB8] =	sst s0  }
0x18: {  	s0 =	sld [smem:$0x3F9B];
	_ =	swait.ge [sflag:s4], $0x0  }
0x19: {  	s7 =	sld [smem:$0x3F9C]  }
0x1a: {  	s8 =	sadd.s32 $0xFFFFE003, lr  }
0x1b: {  	s9 =	sadd.s32 $0xFFFFFEF7, lr;
	s5 =	simm.s32 $0xFFFFFFFF;
	p2 =	slt.u32 s8, $0xFFFFF086  }
0x1c: {  	p1 =	slt.u32 s9, $0xF7A;
	s5 =	simm.s32 @!p2 $0x0  }
0x1d: {  	s5 =	simm.s32 @p1 $0x1;
	p0 =	seq.s32 s7, s2  }
0x1e: {  	s7 =	smul.u32 @!p0 $0xF7A, s2;
	p2 =	seq.s32 @!p0 s5, $0x0  }
0x1f: {  	s9 =	smul.u32 $0xF7A, s1;
	s8 =	simm.s32 @!p0 $0x1BF5;
	p2 =	por !p2, p0  }
0x20: {  	[sflag:s8] =	ssyncset.s32 @!p0 $0xFFFFF086;
	s6 =	sadd.s32 @!p0 s3, s7;
	s7 =	simm.s32 @!p0 $0x108  }
0x21: {  	s3 =	sadd.s32 s3, s9;
	s6 =	sadd.s32 @!p0 $0x88, s6;
	s7 =	simm.s32 @p2 $0x1082  }
0x22: {  	[simem:s7], [sflag:s8] =	dma.local @!p0 [hbm:s6], $0xF7A  }
0x23: {  	s9 =	sor.u32 $0xD0000000, s2;
	s6 =	simm.s32 $0x108;
	_ =	swait.ge @!p0 [sflag:s8], $0x0  }
0x24: {  	s3 =	sadd.s32 $0x88, s3;
	s6 =	simm.s32 @!p1 $0x1082;
	[sflag:s4] =	ssyncset.s32 $0xFFFFF086  }
0x25: {  	[simem:s6], [sflag:s4] =	dma.local [hbm:s3], $0xF7A  }
0x26: {  	[smem:$0x3F9C] =	sst s1;
	(tag) =	ssettag s2;
	_ =	strace s9  }
0x27: {  	s1 =	sld [smem:$0x3FAC]  }
0x28: {  	s2 =	sld [smem:$0x3FAD]  }
0x29: {  	s4 =	sld [smem:$0x3FAF]  }
0x2a: {  	p0 =	seq.s32 s5, $0x0;
	s5 =	sld [smem:$0x3FB0]  }
0x2b: {  	s6 =	sld [smem:$0x3FB1]  }
0x2c: {  	s7 =	sld [smem:$0x3FB2]  }
0x2d: {  	s3 =	simm.s32 $0x108;
	s8 =	sld [smem:$0x3FB3]  }
0x2e: {  	s3 =	simm.s32 @!p0 $0x1082;
	s9 =	sld [smem:$0x3FB4]  }
0x2f: {  	lr =	sadd.s32 s0, s3;
	s0 =	sld [smem:$0x3FAB]  }
0x30: {  	s3 =	sld [smem:$0x3FAE]  }
0x31: {  	[smem:$0x3FB7] =	sst s10  }
0x32: {  	s10 =	sld [smem:$0x3FB5];
	_ =	sdelay $0x3  }
0x33: {  	p0 =	seq.s32 s10, $0x1;
	s10 =	sld [smem:$0x3FB7];
	_ =	sdelay $0x3  }
0x34: {  	[smem:$0x3FB7] =	sst s10  }
0x35: {  	s10 =	sld [smem:$0x3FB6];
	_ =	sdelay $0x3  }
0x36: {  	p1 =	seq.s32 s10, $0x1;
	s10 =	sld [smem:$0x3FB7];
	_ =	sdelay $0x3  }
0x37: {  	[smem:$0x3FB7] =	sst s10  }
0x38: {  	s10 =	sld [smem:$0x3FB8]  }
0x39: {  	_ = 	snop;
	(pc) =	sbr.ind lr, $3  }
0x3a: {  	_ = 	snop  }
0x3b: {  	_ = 	snop  }
0x3c: {  	p2 =	seq.s32 s10, $0x1;
	s10 =	sld [smem:$0x3FB7]  }
0x3d: {  	_ =	shalt  }
0x3e: {  	_ =	shalt  }
0x3f: {  	_ =	shalt  }
0x40: {  	_ =	shalt  }
0x41: {  	_ =	shalt  }
0x42: {  	_ =	shalt  }
0x43: {  	_ =	shalt  }
0x44: {  	_ =	shalt  }
0x45: {  	_ =	shalt  }
0x46: {  	_ =	shalt  }
0x47: {  	_ =	shalt  }
0x48: {  	_ =	shalt  }
0x49: {  	_ =	shalt  }
0x4a: {  	_ =	shalt  }
0x4b: {  	_ =	shalt  }
0x4c: {  	_ =	shalt  }
0x4d: {  	_ =	shalt  }
0x4e: {  	_ =	shalt  }
0x4f: {  	_ =	shalt  }
0x50: {  	_ =	shalt  }
0x51: {  	_ =	shalt  }
0x52: {  	_ =	shalt  }
0x53: {  	_ =	shalt  }
0x54: {  	_ =	shalt  }
0x55: {  	_ =	shalt  }
0x56: {  	_ =	shalt  }
0x57: {  	_ =	shalt  }
0x58: {  	_ =	shalt  }
0x59: {  	_ =	shalt  }
0x5a: {  	_ =	shalt  }
0x5b: {  	_ =	shalt  }
0x5c: {  	_ =	shalt  }
0x5d: {  	_ =	shalt  }
0x5e: {  	_ =	shalt  }
0x5f: {  	_ =	shalt  }
0x60: {  	_ =	shalt  }
0x61: {  	_ =	shalt  }
0x62: {  	_ =	shalt  }
0x63: {  	_ =	shalt  }
0x64: {  	_ =	shalt  }
0x65: {  	_ =	shalt  }
0x66: {  	_ =	shalt  }
0x67: {  	_ =	shalt  }
0x68: {  	_ =	shalt  }
0x69: {  	_ =	shalt  }
0x6a: {  	_ =	shalt  }
0x6b: {  	_ =	shalt  }
0x6c: {  	_ =	shalt  }
0x6d: {  	_ =	shalt  }
0x6e: {  	_ =	shalt  }
0x6f: {  	_ =	shalt  }
0x70: {  	_ =	shalt  }
0x71: {  	_ =	shalt  }
0x72: {  	_ =	shalt  }
0x73: {  	_ =	shalt  }
0x74: {  	_ =	shalt  }
0x75: {  	_ =	shalt  }
0x76: {  	_ =	shalt  }
0x77: {  	_ =	shalt  }
0x78: {  	_ =	shalt  }
0x79: {  	_ =	shalt  }
0x7a: {  	_ =	shalt  }
0x7b: {  	_ =	shalt  }
0x7c: {  	_ =	shalt  }
0x7d: {  	_ =	shalt  }
0x7e: {  	_ =	shalt  }
0x7f: {  	_ =	shalt  }
0x80: {  	_ =	shalt  }
0x81: {  	_ =	shalt  }
0x82: {  	_ =	shalt  }
0x83: {  	_ =	shalt  }
0x84: {  	_ =	shalt  }
0x85: {  	_ =	shalt  }
0x86: {  	_ =	shalt  }
0x87: {  	_ =	shalt  }
.Lfunc_end0:
.L_simem_size_0:
called_computation_lowered:
.L_overlay_start_0:
0x88: {  	s2 =	sld [smem:$0x3FD9]  }
0x89: {  	s3 =	sld [smem:$0x3FFE];
	_ =	sdelay $0x1  }
0x8a: {  	s1 =	srdreg.scid  }
0x8b: {  	s0 =	sand.u32 $0x1, s1  }
0x8c: {  	s17 =	sshll.u32 s0, $0xA;
	s2 =	sadd.s32 s3, s2  }
0x8d: {  	s2 =	sadd.s32 s2, s17  }
0x8e: {  	[smem:$0x3FC3] =	sst s2  }
0x8f: {  	_ = 	snop  }
0x90: {  	s2 =	sld [smem:$0x3FD0];
	(tm) =	ssettm $0x1  }
0x91: {  	s18 =	sld [smem:$0x3FFB];
	_ =	sdelay $0x3  }
0x92: {  	_ =	strace s18  }
0x93: {  	s3 =	sld [smem:$0x3FFC];
	_ =	sdelay $0x3  }
0x94: {  	_ =	strace s3  }
0x95: {  	s3 =	sld [smem:$0x3FFD];
	_ =	sdelay $0x3  }
0x96: {  	_ =	strace s3  }
0x97: {  	_ =	strace $0x8FFFFFFF  }
0x98: {  	s19 =	sld [smem:$0x3FDB];
	_ =	sdelay $0x1  }
0x99: {  	s4 =	simm.s32 $_scs_section_size  }
0x9a: {  	s5 =	simm.s32 $_size__tile_overlayer_lowered;
	s6 =	simm.s32 $_tile_overlayer_lowered  }
0x9b: {  	s22 =	simm.s32 $0x1BFF;
	s21 =	sshll.u32 s6, $0x1;
	s3 =	sadd.s32 s4, s19  }
0x9c: {  	s7 =	simm.s32 $0x0;
	s20 =	sshll.u32 s5, $0x1;
	s5 =	sadd.s32 s21, s3  }
0x9d: {  	[timem:s7], [sflag:s22] =	dma.local [hbm:s5], s20  }
0x9e: {  	_ =	swait.ge [sflag:s22], s20  }
0x9f: {  	s4 =	ssub.s32 $0x0, s20;
	[sflag:s22] =	ssyncset.done $0x0  }
0xa0: {  	[sflag:s22] =	ssyncadd.s32 s4;
	_ =	sdelay $0x1  }
0xa1: {  	s23 =	simm.s32 $0x1B8B  }
0xa2: {  	_ =	swait.ge [sflag:s23], $0x1  }
0xa3: {  	[sflag:s23] =	ssyncset.done $0x0  }
0xa4: {  	s25 =	simm.s32 $0x1B8E;
	s24 =	sld [smem:$0x3FFE];
	[sflag:s23] =	ssyncadd.s32 $0xFFFFFFFF  }
0xa5: {  	s26 =	simm.s32 $execute0_lowered;
	[smem:$0x3FD2] =	sst s25  }
0xa6: {  	s5 =	sshll.u32 s26, $0x1;
	_ =	strace $0x80000046;
	[dreg:$0x1] =	wrdreg $0xFFFFFFFF  }
0xa7: {  	s28 =	simm.s32 $_size_execute0_lowered;
	s3 =	sadd.s32 s3, s5;
	[dreg:$0x0] =	wrdreg $0x0  }
0xa8: {  	s5 =	sshll.u32 s28, $0x1;
	[dreg:$0x2] =	wrdreg s3  }
0xa9: {  	[dreg:$0x3] =	wrdreg s5  }
0xaa: {  	[dreg:$0x4] =	wrdreg $0xC0  }
0xab: {  	_ =	task [dreg:s7], $0x5FFFF  }
0xac: {  	[dreg:$0x1] =	wrdreg $0xFFFFFFFF  }
0xad: {  	[dreg:$0x0] =	wrdreg $0x60  }
0xae: {  	[dreg:$0x2] =	wrdreg s24  }
0xaf: {  	[dreg:$0x3] =	wrdreg s2  }
0xb0: {  	[dreg:$0x4] =	wrdreg $0x9  }
0xb1: {  	_ =	task.clear_ibuf [dreg:s7], $0x5FFFF;
	_ =	strace $0x90000046  }
0xb2: {  	s29 =	simm.s32 $0x9;
	_ =	strace $0x80000048  }
0xb3: {  	_ =	swait.ge [sflag:s29], $0x1  }
0xb4: {  	[sflag:s29] =	ssyncadd.s32 $0xFFFFFFFF  }
0xb5: {  	_ =	strace $0x90000048  }
0xb6: {  	_ =	sfence  }
0xb7: {  	s30 =	sld [smem:$0x0];
	_ =	sdelay $0x2  }
0xb8: {  	s31 =	sshll.u32 s1, $0xD;
	s1 =	sshrl.u32 s1, $0x2  }
0xb9: {  	s3 =	sand.u32 $0x4000, s31;
	s1 =	sadd.s32 s1, s30  }
0xba: {  	s0 =	sor.u32 s3, s0;
	s1 =	sshll.u32 s1, $0x11  }
0xbb: {  	s0 =	sor.u32 s1, s0  }
0xbc: {  	s0 =	sadd.s32 $0x8F2B, s0  }
0xbd: {  	[sflag:s0] =	ssyncadd.remote.s32 $0x1  }
0xbe: {  	_ =	sfence.sel $0xFFFF  }
0xbf: {  	[dreg:$0x0] =	wrdreg $0xFFFFFFFF;
	(pc) =	sbr.abs _section_cstart, $3  }
0xc0: {  	[dreg:$0x1] =	wrdreg $0xFFFFFFFF  }
0xc1: {  	_ =	task.clear_ibuf [dreg:s7], $0x2FFFF;
	_ =	strace $0x9FFFFFFF  }
0xc2: {  	(tm) =	ssettm $0x7FFFFFFF  }
0xc3: {  	_ =	shalt  }
tec
execute0_lowered:
.L_overlay_start_1:
0x0: {  	(tag) =	ssettag $0x1  }
0x1: {  	s0 =	rddreg [dreg:$0x0]  }
0x2: {  	s1 =	rddreg [dreg:$0x1];
	s3 =	simm.s32 $0x0;
	s2 =	srdreg.scid  }
0x3: {  	s5 =	stileid.u32;
	s12 =	simm.s32 $0x3;
	s13 =	simm.s32 $0xF00  }
0x4: {  	s14 =	simm.s32 $0x20;
	s16 =	simm.s32 $0x80;
	s17 =	simm.s32 $0xF40  }
0x5: {  	s22 =	simm.s32 $0xBF40;
	s23 =	simm.s32 $0x600;
	s24 =	simm.s32 $0xCF40  }
0x6: {  	s28 =	simm.s32 $0x700;
	s29 =	simm.s32 $0xEF40;
	s30 =	simm.s32 $0x1F740  }
0x7: {  	s31 =	simm.s32 $0x0;
	[smem:$0x7FF] =	sst s3;
	s4 =	sadd.s32 $0x1E400, s0  }
0x8: {  	s2 =	sand.u32 $0x1, s2;
	s6 =	sshll.u32 s5, $0x1;
	s5 =	sadd.s32 $0x3FE400, s0  }
0x9: {  	_ =	strace $0x80000047;
	s8 =	sor.u32 s2, s6;
	s2 =	ssub.s32 $0x2, s2  }
0xa: {  	s6 =	sadd.s32 $0x400, s0;
	s7 =	sshll.u32 s8, $0xC;
	s9 =	sshrl.u32 s2, $0x1  }
0xb: {  	v0 =	vlaneseq.u32;
	s10 =	smul.u32 $0xF00, s8;
	s25 =	sshll.u32 s8, $0x6;
	s26 =	sshll.u32 s8, $0x4  }
0xc: {  	v0 =	vmul.u32 $0x20, v0;
	s0 =	sadd.s32 s7, s0;
	s2 =	ssub.s32 s2, s9;
	s8 =	sadd.s32 s1, s25  }
0xd: {  	s9 =	sor.u32 $0x1, s26;
	s25 =	simm.s32 $0x680;
	s26 =	simm.s32 $0xDF40  }
0xe: {  	v1 =	vor.u32 $0x600, v0;
	v2 =	vor.u32 $0x400, v0;
	v3 =	vor.u32 $0x200, v0;
	s7 =	sadd.s32 s6, s10;
	s10 =	sadd.s32 $0x7DE400, s0;
	s11 =	smax.u32 s2, $0x1  }
.LBB2_1:
0xf: {  	[tilespmem:s3], [sflag:$0x3] =	stream.linear.gather [hbm4b:s7+s3], $0x780, $0x38;
	[tilespmem:$0x1FF40] =	vst v63  }
0x10: {  	_ =	swait.ge [sflag:s12], $0x780  }
0x11: {  	[sflag:s12] =	ssyncset.done $0x0  }
0x12: {  	[sflag:s12] =	ssyncadd.s32 $0xFFFFF880  }
0x13: {  	[tilespmem:s13], [sflag:$0x3] =	stream.linear.gather [hbm4b:s8+s3], $0x20, $0x38;
	[tilespmem:$0x1FF40] =	vst v63  }
0x14: {  	_ =	swait.ge [sflag:s12], $0x20  }
0x15: {  	[sflag:s12] =	ssyncset.done $0x0  }
0x16: {  	s0 =	simm.s32 $0x1EF40;
	[sflag:s12] =	ssyncadd.s32 $0xFFFFFFE0  }
0x17: {  	[tilespmem:s0], [sflag:$0x1] =	stream.indirect.gather [hbm4b:s4+s14], $0x20, s13, s14, $0xb8;
	[tilespmem:$0x1FF40] =	vst v63  }
0x18: {  	_ = 	snop  }
0x19: {  	[tilespmem:s17], [sflag:$0x1] =	stream.indirect.gather [hbm4b:s5+s16], $0x20, s3, s16, $0xb8;
	[tilespmem:$0x1FF40] =	vst v63  }
0x1a: {  	s20 =	simm.s32 $0x1F40  }
0x1b: {  	[tilespmem:s20], [sflag:$0x1] =	stream.indirect.gather [hbm4b:s5+s16], $0x20, s16, s16, $0xb8;
	[tilespmem:$0x1FF40] =	vst v63  }
0x1c: {  	s21 =	simm.s32 $0x100;
	s2 =	simm.s32 $0x2F40  }
0x1d: {  	[tilespmem:s2], [sflag:$0x1] =	stream.indirect.gather [hbm4b:s5+s16], $0x20, s21, s16, $0xb8;
	[tilespmem:$0x1FF40] =	vst v63  }
0x1e: {  	s15 =	simm.s32 $0x3F40;
	s2 =	simm.s32 $0x180  }
0x1f: {  	[tilespmem:s15], [sflag:$0x1] =	stream.indirect.gather [hbm4b:s5+s16], $0x20, s2, s16, $0xb8;
	[tilespmem:$0x1FF40] =	vst v63  }
0x20: {  	s18 =	simm.s32 $0x200;
	s19 =	simm.s32 $0x4F40  }
0x21: {  	[tilespmem:s19], [sflag:$0x1] =	stream.indirect.gather [hbm4b:s5+s16], $0x20, s18, s16, $0xb8;
	[tilespmem:$0x1FF40] =	vst v63  }
0x22: {  	s20 =	simm.s32 $0x280;
	s21 =	simm.s32 $0x5F40  }
0x23: {  	[tilespmem:s21], [sflag:$0x1] =	stream.indirect.gather [hbm4b:s5+s16], $0x20, s20, s16, $0xb8;
	[tilespmem:$0x1FF40] =	vst v63  }
0x24: {  	s2 =	simm.s32 $0x300;
	s15 =	simm.s32 $0x6F40  }
0x25: {  	[tilespmem:s15], [sflag:$0x1] =	stream.indirect.gather [hbm4b:s5+s16], $0x20, s2, s16, $0xb8;
	[tilespmem:$0x1FF40] =	vst v63  }
0x26: {  	s18 =	simm.s32 $0x380;
	s19 =	simm.s32 $0x7F40  }
0x27: {  	[tilespmem:s19], [sflag:$0x1] =	stream.indirect.gather [hbm4b:s5+s16], $0x20, s18, s16, $0xb8;
	[tilespmem:$0x1FF40] =	vst v63  }
0x28: {  	s20 =	simm.s32 $0x400;
	s21 =	simm.s32 $0x8F40  }
0x29: {  	[tilespmem:s21], [sflag:$0x1] =	stream.indirect.gather [hbm4b:s5+s16], $0x20, s20, s16, $0xb8;
	[tilespmem:$0x1FF40] =	vst v63  }
0x2a: {  	s15 =	simm.s32 $0x480;
	s18 =	simm.s32 $0x9F40  }
0x2b: {  	[tilespmem:s18], [sflag:$0x1] =	stream.indirect.gather [hbm4b:s5+s16], $0x20, s15, s16, $0xb8;
	[tilespmem:$0x1FF40] =	vst v63  }
0x2c: {  	s19 =	simm.s32 $0x500;
	s20 =	simm.s32 $0xAF40  }
0x2d: {  	[tilespmem:s20], [sflag:$0x1] =	stream.indirect.gather [hbm4b:s5+s16], $0x20, s19, s16, $0xb8;
	[tilespmem:$0x1FF40] =	vst v63  }
0x2e: {  	s21 =	simm.s32 $0x580  }
0x2f: {  	[tilespmem:s22], [sflag:$0x1] =	stream.indirect.gather [hbm4b:s5+s16], $0x20, s21, s16, $0xb8;
	[tilespmem:$0x1FF40] =	vst v63  }
0x30: {  	_ = 	snop  }
0x31: {  	[tilespmem:s24], [sflag:$0x1] =	stream.indirect.gather [hbm4b:s5+s16], $0x20, s23, s16, $0xb8;
	[tilespmem:$0x1FF40] =	vst v63  }
0x32: {  	_ = 	snop  }
0x33: {  	[tilespmem:s26], [sflag:$0x1] =	stream.indirect.gather [hbm4b:s5+s16], $0x20, s25, s16, $0xb8;
	[tilespmem:$0x1FF40] =	vst v63  }
0x34: {  	p0 =	por $0x0, $0x0;
	s0 =	simm.s32 $0x0  }
0x35: {  	[tilespmem:s29], [sflag:$0x1] =	stream.indirect.gather [hbm4b:s5+s16], $0x20, s28, s16, $0xb8;
	[tilespmem:$0x1FF40] =	vst v63  }
.LBB2_2:
0x36: {  	p1 =	seq.s32 s0, $0xF  }
.Ltmp0:
0x37: {  	_ = 	snop;
	(pc) =	sbr.rel @p1 .LBB2_4-.Ltmp0, $2  }
0x38: {  	_ =	sdelay $0x2  }
0x39: {  	s2 =	sand.u32 $0x1, s0  }
0x3a: {  	s18 =	sxor.u32 $0x1, s2  }
0x3b: {  	s19 =	sadd.s32 s0, s9;
	s15 =	smul.u32 $0x1E00, s18  }
0x3c: {  	s20 =	smul.u32 $0xF0, s19;
	_ =	sdelay $0x1  }
0x3d: {  	s19 =	sshll.u32 s19, $0x2;
	s15 =	sshrl.u32 s15, $0x2;
	s20 =	sadd.s32 s6, s20  }
0x3e: {  	[tilespmem:s15], [sflag:$0x3] =	stream.linear.gather [hbm4b:s20+s3], $0x780, $0x38;
	[tilespmem:$0x1FF40] =	vst v63  }
0x3f: {  	s19 =	sand.u32 $0x1FFFFFFC, s19;
	_ =	swait.ge [sflag:s12], $0x780  }
0x40: {  	s21 =	sshll.u32 s18, $0x5;
	s19 =	sadd.s32 s1, s19;
	[sflag:s12] =	ssyncset.done $0x0  }
0x41: {  	s20 =	sor.u32 $0xF00, s21;
	s21 =	sshll.u32 s18, $0xA;
	[sflag:s12] =	ssyncadd.s32 $0xFFFFF880  }
0x42: {  	[tilespmem:s20], [sflag:$0x3] =	stream.linear.gather [hbm4b:s19+s3], $0x20, $0x38;
	[tilespmem:$0x1FF40] =	vst v63  }
0x43: {  	s19 =	sadd.s32 $0x1EF40, s21  }
0x44: {  	s21 =	sadd.s32 $0x1, s18;
	s18 =	smul.u32 $0x3C000, s18;
	_ =	swait.ge [sflag:s12], $0x20  }
0x45: {  	[sflag:s12] =	ssyncset.done $0x0  }
0x46: {  	s18 =	sshrl.u32 s18, $0x2;
	[sflag:s12] =	ssyncadd.s32 $0xFFFFFFE0  }
0x47: {  	[tilespmem:s19], [sflag:s21] =	stream.indirect.gather [hbm4b:s4+s14], $0x20, s20, s14, $0xb8;
	[tilespmem:$0x1FF40] =	vst v63  }
0x48: {  	s20 =	sor.u32 $0xF40, s18  }
0x49: {  	[tilespmem:s20], [sflag:s21] =	stream.indirect.gather [hbm4b:s5+s16], $0x20, s15, s16, $0xb8;
	[tilespmem:$0x1FF40] =	vst v63  }
0x4a: {  	s19 =	sadd.s32 $0x1F40, s18;
	s20 =	sadd.s32 $0x80, s15  }
0x4b: {  	[tilespmem:s19], [sflag:s21] =	stream.indirect.gather [hbm4b:s5+s16], $0x20, s20, s16, $0xb8;
	[tilespmem:$0x1FF40] =	vst v63  }
0x4c: {  	s19 =	sadd.s32 $0x2F40, s18;
	s20 =	sadd.s32 $0x100, s15  }
0x4d: {  	[tilespmem:s19], [sflag:s21] =	stream.indirect.gather [hbm4b:s5+s16], $0x20, s20, s16, $0xb8;
	[tilespmem:$0x1FF40] =	vst v63  }
0x4e: {  	s19 =	sadd.s32 $0x3F40, s18;
	s20 =	sadd.s32 $0x180, s15  }
0x4f: {  	[tilespmem:s19], [sflag:s21] =	stream.indirect.gather [hbm4b:s5+s16], $0x20, s20, s16, $0xb8;
	[tilespmem:$0x1FF40] =	vst v63  }
0x50: {  	s19 =	sadd.s32 $0x4F40, s18;
	s20 =	sadd.s32 $0x200, s15  }
0x51: {  	[tilespmem:s19], [sflag:s21] =	stream.indirect.gather [hbm4b:s5+s16], $0x20, s20, s16, $0xb8;
	[tilespmem:$0x1FF40] =	vst v63  }
0x52: {  	s19 =	sadd.s32 $0x5F40, s18;
	s20 =	sadd.s32 $0x280, s15  }
0x53: {  	[tilespmem:s19], [sflag:s21] =	stream.indirect.gather [hbm4b:s5+s16], $0x20, s20, s16, $0xb8;
	[tilespmem:$0x1FF40] =	vst v63  }
0x54: {  	s19 =	sadd.s32 $0x6F40, s18;
	s20 =	sadd.s32 $0x300, s15  }
0x55: {  	[tilespmem:s19], [sflag:s21] =	stream.indirect.gather [hbm4b:s5+s16], $0x20, s20, s16, $0xb8;
	[tilespmem:$0x1FF40] =	vst v63  }
0x56: {  	s19 =	sadd.s32 $0x7F40, s18;
	s20 =	sadd.s32 $0x380, s15  }
0x57: {  	[tilespmem:s19], [sflag:s21] =	stream.indirect.gather [hbm4b:s5+s16], $0x20, s20, s16, $0xb8;
	[tilespmem:$0x1FF40] =	vst v63  }
0x58: {  	s19 =	sadd.s32 $0x8F40, s18;
	s20 =	sadd.s32 $0x400, s15  }
0x59: {  	[tilespmem:s19], [sflag:s21] =	stream.indirect.gather [hbm4b:s5+s16], $0x20, s20, s16, $0xb8;
	[tilespmem:$0x1FF40] =	vst v63  }
0x5a: {  	s19 =	sadd.s32 $0x9F40, s18;
	s20 =	sadd.s32 $0x480, s15  }
0x5b: {  	[tilespmem:s19], [sflag:s21] =	stream.indirect.gather [hbm4b:s5+s16], $0x20, s20, s16, $0xb8;
	[tilespmem:$0x1FF40] =	vst v63  }
0x5c: {  	s19 =	sadd.s32 $0xAF40, s18;
	s20 =	sadd.s32 $0x500, s15  }
0x5d: {  	[tilespmem:s19], [sflag:s21] =	stream.indirect.gather [hbm4b:s5+s16], $0x20, s20, s16, $0xb8;
	[tilespmem:$0x1FF40] =	vst v63  }
0x5e: {  	s19 =	sadd.s32 $0xBF40, s18;
	s20 =	sadd.s32 $0x580, s15  }
0x5f: {  	[tilespmem:s19], [sflag:s21] =	stream.indirect.gather [hbm4b:s5+s16], $0x20, s20, s16, $0xb8;
	[tilespmem:$0x1FF40] =	vst v63  }
0x60: {  	s19 =	sadd.s32 $0xCF40, s18;
	s20 =	sadd.s32 $0x600, s15  }
0x61: {  	[tilespmem:s19], [sflag:s21] =	stream.indirect.gather [hbm4b:s5+s16], $0x20, s20, s16, $0xb8;
	[tilespmem:$0x1FF40] =	vst v63  }
0x62: {  	s19 =	sadd.s32 $0xDF40, s18;
	s20 =	sadd.s32 $0x680, s15  }
0x63: {  	[tilespmem:s19], [sflag:s21] =	stream.indirect.gather [hbm4b:s5+s16], $0x20, s20, s16, $0xb8;
	[tilespmem:$0x1FF40] =	vst v63  }
0x64: {  	s18 =	sadd.s32 $0xEF40, s18;
	s15 =	sadd.s32 $0x700, s15  }
0x65: {  	[tilespmem:s18], [sflag:s21] =	stream.indirect.gather [hbm4b:s5+s16], $0x20, s15, s16, $0xb8;
	[tilespmem:$0x1FF40] =	vst v63  }
.LBB2_4:
0x66: {  	s15 =	sadd.s32 $0x1, s2  }
0x67: {  	_ =	swait.ge [sflag:s15], $0x400  }
0x68: {  	[sflag:s15] =	ssyncset.done $0x0  }
0x69: {  	[sflag:s15] =	ssyncadd.s32 $0xFFFFFC00  }
0x6a: {  	_ =	swait.ge [sflag:s15], $0x1000  }
0x6b: {  	[sflag:s15] =	ssyncset.done $0x0  }
0x6c: {  	[sflag:s15] =	ssyncadd.s32 $0xFFFFF000  }
0x6d: {  	_ =	swait.ge [sflag:s15], $0x1000  }
0x6e: {  	[sflag:s15] =	ssyncset.done $0x0  }
0x6f: {  	[sflag:s15] =	ssyncadd.s32 $0xFFFFF000  }
0x70: {  	_ =	swait.ge [sflag:s15], $0x1000  }
0x71: {  	[sflag:s15] =	ssyncset.done $0x0  }
0x72: {  	[sflag:s15] =	ssyncadd.s32 $0xFFFFF000  }
0x73: {  	_ =	swait.ge [sflag:s15], $0x1000  }
0x74: {  	[sflag:s15] =	ssyncset.done $0x0  }
0x75: {  	[sflag:s15] =	ssyncadd.s32 $0xFFFFF000  }
0x76: {  	_ =	swait.ge [sflag:s15], $0x1000  }
0x77: {  	[sflag:s15] =	ssyncset.done $0x0  }
0x78: {  	[sflag:s15] =	ssyncadd.s32 $0xFFFFF000  }
0x79: {  	_ =	swait.ge [sflag:s15], $0x1000  }
0x7a: {  	[sflag:s15] =	ssyncset.done $0x0  }
0x7b: {  	[sflag:s15] =	ssyncadd.s32 $0xFFFFF000  }
0x7c: {  	_ =	swait.ge [sflag:s15], $0x1000  }
0x7d: {  	[sflag:s15] =	ssyncset.done $0x0  }
0x7e: {  	[sflag:s15] =	ssyncadd.s32 $0xFFFFF000  }
0x7f: {  	_ =	swait.ge [sflag:s15], $0x1000  }
0x80: {  	[sflag:s15] =	ssyncset.done $0x0  }
0x81: {  	[sflag:s15] =	ssyncadd.s32 $0xFFFFF000  }
0x82: {  	_ =	swait.ge [sflag:s15], $0x1000  }
0x83: {  	[sflag:s15] =	ssyncset.done $0x0  }
0x84: {  	[sflag:s15] =	ssyncadd.s32 $0xFFFFF000  }
0x85: {  	_ =	swait.ge [sflag:s15], $0x1000  }
0x86: {  	[sflag:s15] =	ssyncset.done $0x0  }
0x87: {  	[sflag:s15] =	ssyncadd.s32 $0xFFFFF000  }
0x88: {  	_ =	swait.ge [sflag:s15], $0x1000  }
0x89: {  	[sflag:s15] =	ssyncset.done $0x0  }
0x8a: {  	[sflag:s15] =	ssyncadd.s32 $0xFFFFF000  }
0x8b: {  	_ =	swait.ge [sflag:s15], $0x1000  }
0x8c: {  	[sflag:s15] =	ssyncset.done $0x0  }
0x8d: {  	[sflag:s15] =	ssyncadd.s32 $0xFFFFF000  }
0x8e: {  	_ =	swait.ge [sflag:s15], $0x1000  }
0x8f: {  	[sflag:s15] =	ssyncset.done $0x0  }
0x90: {  	[sflag:s15] =	ssyncadd.s32 $0xFFFFF000  }
0x91: {  	_ =	swait.ge [sflag:s15], $0x1000  }
0x92: {  	[sflag:s15] =	ssyncset.done $0x0  }
0x93: {  	s18 =	simm.s32 $0x1;
	v4 =	vmov s2;
	[sflag:s15] =	ssyncadd.s32 $0xFFFFF000  }
0x94: {  	s18 =	simm.s32 @!p0 $0x0;
	v4 =	vmul.u32 $0xF000, v4;
	_ =	swait.ge [sflag:s15], $0x1000  }
0x95: {  	s21 =	sshll.u32 s18, $0xA;
	s18 =	simm.s32 $0x1F760;
	[sflag:s15] =	ssyncset.done $0x0  }
0x96: {  	s2 =	sadd.s32 $0x1EF50, s21;
	v4 =	vbroadcast v4, $0x0;
	[sflag:s15] =	ssyncadd.s32 $0xFFFFF000;
	s15 =	simm.s32 $0x0  }
.LBB2_5:
0x97: {  	v5 =	vmov s15  }
0x98: {  	v5 =	vshll.u32 v5, $0x5  }
0x99: {  	v6 =	vadd.s32 v0, v5  }
0x9a: {  	v8 =	vadd.s32 v4, v6;
	v6 =	vadd.s32 v3, v5  }
0x9b: {  	v7 =	vadd.s32 v4, v6  }
0x9c: {  	v9 =	vor.u32 $0x1, v8  }
0x9d: {  	v18 =	vor.u32 $0x2, v8  }
0x9e: {  	v10 =	vld [tilespmem:s2+$0xFFFFFFF0];
	v24 =	vor.u32 $0x3, v8  }
0x9f: {  	v49 =	vor.u32 $0x4, v8;
	v11 =	vld.idx.msk [tilespmem:v8+s17+$0x0], $0xffff  }
0xa0: {  	v27 =	vor.u32 $0x5, v8;
	v12 =	vld.idx.msk [tilespmem:v7+s17+$0x0], $0xffff  }
0xa1: {  	v6 =	vadd.s32 v2, v5;
	v62 =	vor.u32 $0x6, v8;
	v9 =	vld.idx.msk [tilespmem:v9+s17+$0x0], $0xffff  }
0xa2: {  	v5 =	vadd.s32 v1, v5;
	v6 =	vadd.s32 v4, v6;
	v18 =	vld.idx.msk [tilespmem:v18+s17+$0x0], $0xffff  }
0xa3: {  	v5 =	vadd.s32 v4, v5;
	v48 =	vld.idx.msk [tilespmem:v24+s17+$0x0], $0xffff  }
0xa4: {  	v13 =	vor.u32 $0x1, v7;
	v24 =	vld.idx.msk [tilespmem:v49+s17+$0x0], $0xffff  }
0xa5: {  	v20 =	vor.u32 $0x2, v7;
	v32 =	vld.idx.msk [tilespmem:v27+s17+$0x0], $0xffff  }
0xa6: {  	v51 =	vor.u32 $0x4, v7;
	v41 =	vld.idx.msk [tilespmem:v62+s17+$0x0], $0xffff  }
0xa7: {  	v28 =	vor.u32 $0x7, v8;
	v58 =	vor.u32 $0x5, v7;
	v14 =	vld.idx.msk [tilespmem:v6+s17+$0x0], $0xffff  }
0xa8: {  	v19 =	vbroadcast v10, $0x0;
	v22 =	vbroadcast v10, $0x1;
	v15 =	vor.u32 $0x1, v6;
	v16 =	vld.idx.msk [tilespmem:v5+s17+$0x0], $0xfff  }
0xa9: {  	v45 =	vor.u32 $0x3, v7;
	v25 =	vbroadcast v10, $0x2;
	v17 =	vor.u32 $0x1, v5;
	v13 =	vld.idx.msk [tilespmem:v13+s17+$0x0], $0xffff  }
0xaa: {  	v55 =	vbroadcast v10, $0x3;
	v63 =	vbroadcast v10, $0x4;
	v21 =	vor.u32 $0x2, v6;
	v44 =	vld.idx.msk [tilespmem:v20+s17+$0x0], $0xffff  }
0xab: {  	v33 =	vor.u32 $0x6, v7;
	v38 =	vbroadcast v10, $0x5;
	v23 =	vor.u32 $0x2, v5;
	v59 =	vld.idx.msk [tilespmem:v51+s17+$0x0], $0xffff  }
0xac: {  	v30 =	vbroadcast v10, $0x8;
	v47 =	vor.u32 $0x3, v6;
	v26 =	vor.u32 $0x3, v5;
	v34 =	vld.idx.msk [tilespmem:v58+s17+$0x0], $0xffff  }
0xad: {  	v54 =	vor.u32 $0x4, v6;
	v57 =	vor.u32 $0x4, v5;
	v60 =	vor.u32 $0x5, v6;
	v15 =	vld.idx.msk [tilespmem:v15+s17+$0x0], $0xffff  }
0xae: {  	v61 =	vor.u32 $0x5, v5;
	v35 =	vor.u32 $0x6, v6;
	v37 =	vor.u32 $0x6, v5;
	v17 =	vld.idx.msk [tilespmem:v17+s17+$0x0], $0xfff  }
0xaf: {  	v29 =	vor.u32 $0x9, v6;
	v49 =	vor.u32 $0x7, v5;
	v62 =	vor.u32 $0x9, v7;
	v46 =	vld.idx.msk [tilespmem:v21+s17+$0x0], $0xffff  }
0xb0: {  	v51 =	vor.u32 $0x8, v8;
	v23 =	vld.idx.msk [tilespmem:v23+s17+$0x0], $0xfff;
	v11 =	vmul.f32 v11, v19;
	v12 =	vmul.f32 v12, v19  }
0xb1: {  	v58 =	vor.u32 $0x9, v8;
	v56 =	vld.idx.msk [tilespmem:v47+s17+$0x0], $0xffff;
	v9 =	vmul.f32 v9, v22;
	v50 =	vmul.f32 v18, v25  }
0xb2: {  	v21 =	vld.idx.msk [tilespmem:v57+s17+$0x0], $0xfff;
	v57 =	vor.u32 $0x8, v5;
	v36 =	vmul.f32 v24, v63;
	v42 =	vmul.f32 v32, v38  }
0xb3: {  	v53 =	vld.idx.msk [tilespmem:v45+s17+$0x0], $0xffff;
	v32 =	vor.u32 $0x9, v5;
	v14 =	vmul.f32 v14, v19;
	v16 =	vmul.f32 v16, v19  }
0xb4: {  	v43 =	vld.idx.msk [tilespmem:v33+s17+$0x0], $0xffff;
	v11 =	vadd.f32 $0.0e+00, v11;
	v13 =	vmul.f32 v13, v22;
	v19 =	vmul.f32 v44, v25  }
0xb5: {  	v26 =	vld.idx.msk [tilespmem:v26+s17+$0x0], $0xfff;
	v44 =	vor.u32 $0x7, v7;
	v47 =	vmul.f32 v34, v38;
	v15 =	vmul.f32 v15, v22  }
0xb6: {  	v18 =	vld.idx.msk [tilespmem:v60+s17+$0x0], $0xffff;
	v34 =	vor.u32 $0xA, v8;
	v17 =	vmul.f32 v17, v22;
	v23 =	vmul.f32 v23, v25  }
0xb7: {  	v33 =	vld.idx.msk [tilespmem:v58+s17+$0x0], $0xffff;
	v58 =	vor.u32 $0xD, v8;
	v22 =	vmul.f32 v48, v55;
	v20 =	vmul.f32 v56, v55  }
0xb8: {  	v60 =	vld.idx.msk [tilespmem:v51+s17+$0x0], $0xffff;
	v12 =	vadd.f32 $0.0e+00, v12;
	v40 =	vmul.f32 v21, v63;
	v56 =	vbroadcast v10, $0x7  }
0xb9: {  	v31 =	vld.idx.msk [tilespmem:v57+s17+$0x0], $0xfff;
	v57 =	vbroadcast v10, $0xB;
	v14 =	vadd.f32 $0.0e+00, v14;
	v16 =	vadd.f32 $0.0e+00, v16  }
0xba: {  	v9 =	vadd.f32 v9, v11;
	v11 =	vmul.f32 v46, v25;
	v46 =	vor.u32 $0x7, v6  }
0xbb: {  	v12 =	vadd.f32 v13, v12;
	v13 =	vmul.f32 v26, v55;
	v14 =	vadd.f32 v15, v14  }
0xbc: {  	v45 =	vld.idx.msk [tilespmem:v35+s17+$0x0], $0xffff;
	v52 =	vadd.f32 v17, v16;
	v9 =	vadd.f32 v50, v9;
	v16 =	vmul.f32 v53, v55  }
0xbd: {  	v48 =	vld.idx.msk [tilespmem:v37+s17+$0x0], $0xfff;
	v18 =	vmul.f32 v18, v38;
	v53 =	vor.u32 $0x8, v7;
	v55 =	vor.u32 $0x8, v6  }
0xbe: {  	v17 =	vld.idx.msk [tilespmem:v54+s17+$0x0], $0xffff;
	v12 =	vadd.f32 v19, v12;
	v35 =	vmul.f32 v60, v30;
	v11 =	vadd.f32 v11, v14  }
0xbf: {  	v50 =	vld.idx.msk [tilespmem:v28+s17+$0x0], $0xffff;
	v15 =	vadd.f32 v23, v52;
	v9 =	vadd.f32 v22, v9;
	v52 =	vbroadcast v10, $0x6  }
0xc0: {  	v14 =	vmul.f32 v59, v63;
	v12 =	vadd.f32 v16, v12;
	v16 =	vld.idx.msk [tilespmem:v29+s17+$0x0], $0xffff;
	v29 =	vor.u32 $0x1B, v6  }
0xc1: {  	v11 =	vadd.f32 v20, v11;
	v13 =	vadd.f32 v13, v15;
	v21 =	vmul.f32 v41, v52  }
0xc2: {  	v19 =	vld.idx.msk [tilespmem:v61+s17+$0x0], $0xfff;
	v9 =	vadd.f32 v36, v9;
	v22 =	vmul.f32 v43, v52;
	v15 =	vmul.f32 v45, v52  }
0xc3: {  	v36 =	vor.u32 $0xA, v7;
	v41 =	vor.u32 $0xB, v8;
	v43 =	vor.u32 $0xB, v7  }
0xc4: {  	v20 =	vld.idx.msk [tilespmem:v49+s17+$0x0], $0xfff;
	v45 =	vor.u32 $0xB, v6;
	v49 =	vor.u32 $0xC, v8;
	v39 =	vmul.f32 v17, v63  }
0xc5: {  	v12 =	vadd.f32 v14, v12;
	v14 =	vmul.f32 v48, v52;
	v59 =	vmul.f32 v50, v56  }
0xc6: {  	v54 =	vld.idx.msk [tilespmem:v44+s17+$0x0], $0xffff;
	v50 =	vbroadcast v10, $0xA;
	v52 =	vor.u32 $0xC, v7;
	v13 =	vadd.f32 v40, v13  }
0xc7: {  	v25 =	vld.idx.msk [tilespmem:v32+s17+$0x0], $0xfff;
	v9 =	vadd.f32 v42, v9;
	v19 =	vmul.f32 v19, v38;
	v38 =	vor.u32 $0xA, v6  }
0xc8: {  	v40 =	vor.u32 $0xA, v5;
	v42 =	vld.idx.msk [tilespmem:v34+s17+$0x0], $0xffff;
	v34 =	vor.u32 $0xD, v5;
	v11 =	vadd.f32 v39, v11  }
0xc9: {  	v17 =	vld.idx.msk [tilespmem:v46+s17+$0x0], $0xffff;
	v12 =	vadd.f32 v47, v12;
	v39 =	vbroadcast v10, $0x9;
	v47 =	vor.u32 $0xB, v5  }
0xca: {  	v63 =	vld.idx.msk [tilespmem:v55+s17+$0x0], $0xffff;
	v13 =	vadd.f32 v19, v13;
	v9 =	vadd.f32 v21, v9;
	v19 =	vmul.f32 v31, v30  }
0xcb: {  	v61 =	vld.idx.msk [tilespmem:v53+s17+$0x0], $0xffff;
	v31 =	vor.u32 $0xD, v6;
	v11 =	vadd.f32 v18, v11;
	v18 =	vmul.f32 v54, v56  }
0xcc: {  	v12 =	vadd.f32 v22, v12;
	v20 =	vmul.f32 v20, v56;
	v23 =	vmul.f32 v33, v39;
	v44 =	vld.idx.msk [tilespmem:v36+s17+$0x0], $0xffff  }
0xcd: {  	v16 =	vmul.f32 v16, v39;
	v51 =	vld.idx.msk [tilespmem:v41+s17+$0x0], $0xffff;
	v54 =	vor.u32 $0xC, v6;
	v36 =	vor.u32 $0xE, v8  }
0xce: {  	v53 =	vld.idx.msk [tilespmem:v43+s17+$0x0], $0xffff;
	v41 =	vbroadcast v10, $0xD;
	v43 =	vor.u32 $0xF, v8;
	v13 =	vadd.f32 v14, v13  }
0xcf: {  	v37 =	vld.idx.msk [tilespmem:v62+s17+$0x0], $0xffff;
	v9 =	vadd.f32 v59, v9;
	v17 =	vmul.f32 v17, v56;
	v14 =	vmul.f32 v63, v30  }
0xd0: {  	v56 =	vor.u32 $0xC, v5;
	v63 =	vld.idx.msk [tilespmem:v52+s17+$0x0], $0xffff;
	v11 =	vadd.f32 v15, v11;
	v15 =	vmul.f32 v61, v30  }
0xd1: {  	v12 =	vadd.f32 v18, v12;
	v46 =	vld.idx.msk [tilespmem:v38+s17+$0x0], $0xffff;
	v18 =	vmul.f32 v25, v39;
	v55 =	vmul.f32 v42, v50  }
0xd2: {  	v48 =	vld.idx.msk [tilespmem:v40+s17+$0x0], $0xfff;
	v30 =	vor.u32 $0xD, v7;
	v38 =	vor.u32 $0xE, v7;
	v40 =	vor.u32 $0xE, v6  }
0xd3: {  	v61 =	vld.idx.msk [tilespmem:v49+s17+$0x0], $0xffff;
	v42 =	vor.u32 $0xE, v5;
	v13 =	vadd.f32 v20, v13;
	v9 =	vadd.f32 v35, v9  }
0xd4: {  	v20 =	vld.idx.msk [tilespmem:v47+s17+$0x0], $0xfff;
	v47 =	vor.u32 $0xF, v7;
	v11 =	vadd.f32 v17, v11;
	v12 =	vadd.f32 v15, v12  }
0xd5: {  	v35 =	vld.idx.msk [tilespmem:v58+s17+$0x0], $0xffff;
	v17 =	vmul.f32 v37, v39;
	v37 =	vbroadcast v10, $0xC;
	v13 =	vadd.f32 v19, v13  }
0xd6: {  	v15 =	vld.idx.msk [tilespmem:v45+s17+$0x0], $0xffff;
	v9 =	vadd.f32 v23, v9;
	v62 =	vmul.f32 v51, v57;
	v32 =	vmul.f32 v53, v57  }
0xd7: {  	v19 =	vld.idx.msk [tilespmem:v34+s17+$0x0], $0xfff;
	v51 =	vbroadcast v10, $0xE;
	v53 =	vor.u32 $0xF, v5;
	v10 =	vbroadcast v10, $0xF  }
0xd8: {  	v45 =	vld.idx.msk [tilespmem:v36+s17+$0x0], $0xffff;
	v34 =	vor.u32 $0x11, v5;
	v11 =	vadd.f32 v14, v11;
	v12 =	vadd.f32 v17, v12  }
0xd9: {  	v14 =	vmul.f32 v44, v50;
	v17 =	vld.idx.msk [tilespmem:v54+s17+$0x0], $0xffff;
	v22 =	vmul.f32 v63, v37;
	v63 =	vor.u32 $0x11, v8  }
0xda: {  	v13 =	vadd.f32 v18, v13;
	v9 =	vadd.f32 v55, v9;
	v59 =	vmul.f32 v46, v50;
	v18 =	vld.idx.msk [tilespmem:v31+s17+$0x0], $0xffff  }
0xdb: {  	v60 =	vmul.f32 v48, v50;
	v21 =	vmul.f32 v61, v37;
	v46 =	vld.idx.msk [tilespmem:v38+s17+$0x0], $0xffff;
	v50 =	vor.u32 $0xF, v6  }
0xdc: {  	v49 =	vld.idx.msk [tilespmem:v40+s17+$0x0], $0xffff;
	v55 =	vor.u32 $0x10, v8;
	v61 =	vor.u32 $0x10, v5;
	v31 =	vor.u32 $0x11, v7  }
0xdd: {  	v52 =	vld.idx.msk [tilespmem:v42+s17+$0x0], $0xfff;
	v38 =	vor.u32 $0x12, v7;
	v40 =	vor.u32 $0x12, v6;
	v42 =	vor.u32 $0x12, v5  }
0xde: {  	v33 =	vld.idx.msk [tilespmem:v56+s17+$0x0], $0xfff;
	v11 =	vadd.f32 v16, v11;
	v12 =	vadd.f32 v14, v12;
	v20 =	vmul.f32 v20, v57  }
0xdf: {  	v54 =	vld.idx.msk [tilespmem:v43+s17+$0x0], $0xffff;
	v44 =	vmul.f32 v35, v41;
	v35 =	vor.u32 $0x12, v8;
	v13 =	vadd.f32 v60, v13  }
0xe0: {  	v9 =	vadd.f32 v62, v9;
	v15 =	vmul.f32 v15, v57;
	v57 =	vor.u32 $0x10, v7  }
0xe1: {  	v39 =	vld.idx.msk [tilespmem:v30+s17+$0x0], $0xffff;
	v11 =	vadd.f32 v59, v11;
	v12 =	vadd.f32 v32, v12;
	v19 =	vmul.f32 v19, v41  }
0xe2: {  	v58 =	vld.idx.msk [tilespmem:v47+s17+$0x0], $0xffff;
	v56 =	vmul.f32 v45, v51;
	v59 =	vor.u32 $0x10, v6;
	v13 =	vadd.f32 v20, v13  }
0xe3: {  	v62 =	vld.idx.msk [tilespmem:v53+s17+$0x0], $0xfff;
	v17 =	vmul.f32 v17, v37;
	v9 =	vadd.f32 v21, v9;
	v14 =	vmul.f32 v33, v37  }
0xe4: {  	v23 =	vmul.f32 v54, v10;
	v33 =	vor.u32 $0x11, v6;
	v37 =	vld.idx.msk [tilespmem:v63+s17+$0x0], $0xffff;
	v54 =	vor.u32 $0x13, v5  }
0xe5: {  	v21 =	vld.idx.msk [tilespmem:v34+s17+$0x0], $0xfff;
	v63 =	vor.u32 $0x15, v8;
	v34 =	vor.u32 $0x15, v7;
	v11 =	vadd.f32 v15, v11  }
0xe6: {  	v12 =	vadd.f32 v22, v12;
	v15 =	vmul.f32 v39, v41;
	v18 =	vmul.f32 v18, v41;
	v60 =	vld.idx.msk [tilespmem:v50+s17+$0x0], $0xffff  }
0xe7: {  	v16 =	vmul.f32 v49, v51;
	v24 =	vmul.f32 v52, v51;
	v30 =	vld.idx.msk [tilespmem:v55+s17+$0x0], $0xffff;
	v50 =	vor.u32 $0x13, v7  }
0xe8: {  	v20 =	vld.idx.msk [tilespmem:v61+s17+$0x0], $0xfff;
	v52 =	vor.u32 $0x13, v6;
	v13 =	vadd.f32 v14, v13;
	v48 =	vadd.f32 v44, v9  }
0xe9: {  	v9 =	vld [tilespmem:s2+$0x0];
	v11 =	vadd.f32 v17, v11;
	v12 =	vadd.f32 v15, v12;
	v17 =	vmul.f32 v46, v51  }
0xea: {  	v39 =	vld.idx.msk [tilespmem:v31+s17+$0x0], $0xffff;
	v44 =	vor.u32 $0x13, v8;
	v13 =	vadd.f32 v19, v13;
	v14 =	vadd.f32 v56, v48  }
0xeb: {  	v32 =	vld.idx.msk [tilespmem:v57+s17+$0x0], $0xffff;
	v56 =	vor.u32 $0x14, v8;
	v11 =	vadd.f32 v18, v11;
	v12 =	vadd.f32 v17, v12  }
0xec: {  	v19 =	vld.idx.msk [tilespmem:v59+s17+$0x0], $0xffff;
	v18 =	vmul.f32 v58, v10;
	v58 =	vor.u32 $0x14, v7;
	v13 =	vadd.f32 v24, v13  }
0xed: {  	v49 =	vld.idx.msk [tilespmem:v38+s17+$0x0], $0xffff;
	v14 =	vadd.f32 v23, v14;
	v15 =	vmul.f32 v60, v10;
	v10 =	vmul.f32 v62, v10  }
0xee: {  	v47 =	vld.idx.msk [tilespmem:v35+s17+$0x0], $0xffff;
	v60 =	vor.u32 $0x14, v6;
	v62 =	vor.u32 $0x14, v5;
	v36 =	vbroadcast v9, $0x0  }
0xef: {  	v59 =	vld.idx.msk [tilespmem:v50+s17+$0x0], $0xffff;
	v50 =	vor.u32 $0x17, v7;
	v43 =	vbroadcast v9, $0x1;
	v57 =	vbroadcast v9, $0x2  }
0xf0: {  	v11 =	vadd.f32 v16, v11;
	v61 =	vbroadcast v9, $0x3;
	v41 =	vmul.f32 v30, v36  }
0xf1: {  	v17 =	vld.idx.msk [tilespmem:v33+s17+$0x0], $0xffff;
	v12 =	vadd.f32 v18, v12;
	v16 =	vmul.f32 v32, v36;
	v45 =	vmul.f32 v19, v36  }
0xf2: {  	v18 =	vld.idx.msk [tilespmem:v52+s17+$0x0], $0xffff;
	v52 =	vor.u32 $0x17, v6;
	v46 =	vmul.f32 v20, v36;
	v48 =	vmul.f32 v37, v43  }
0xf3: {  	v11 =	vadd.f32 v15, v11;
	v15 =	vmul.f32 v39, v43;
	v21 =	vmul.f32 v21, v43  }
0xf4: {  	v51 =	vld.idx.msk [tilespmem:v40+s17+$0x0], $0xffff;
	v10 =	vadd.f32 v10, v13;
	v20 =	vmul.f32 v47, v57;
	v22 =	vmul.f32 v49, v57  }
0xf5: {  	v55 =	vld.idx.msk [tilespmem:v44+s17+$0x0], $0xffff;
	v36 =	vor.u32 $0x15, v6;
	v37 =	vbroadcast v9, $0x4;
	v39 =	vor.u32 $0x15, v5  }
0xf6: {  	v19 =	vld.idx.msk [tilespmem:v54+s17+$0x0], $0xfff;
	v47 =	vor.u32 $0x16, v5;
	v54 =	vbroadcast v9, $0x6;
	v30 =	vor.u32 $0x1D, v5  }
0xf7: {  	v53 =	vld.idx.msk [tilespmem:v42+s17+$0x0], $0xfff;
	v17 =	vmul.f32 v17, v43;
	v13 =	vadd.f32 v41, v14;
	v12 =	vadd.f32 v16, v12  }
0xf8: {  	v40 =	vld.idx.msk [tilespmem:v63+s17+$0x0], $0xffff;
	v43 =	vor.u32 $0x16, v7;
	v11 =	vadd.f32 v45, v11;
	v10 =	vadd.f32 v46, v10  }
0xf9: {  	v14 =	vmul.f32 v51, v57;
	v35 =	vld.idx.msk [tilespmem:v60+s17+$0x0], $0xffff;
	v41 =	vor.u32 $0x16, v8;
	v45 =	vor.u32 $0x16, v6  }
0xfa: {  	v38 =	vld.idx.msk [tilespmem:v62+s17+$0x0], $0xfff;
	v46 =	vbroadcast v9, $0x5;
	v60 =	vor.u32 $0x18, v6;
	v62 =	vbroadcast v9, $0x7  }
0xfb: {  	v32 =	vld.idx.msk [tilespmem:v56+s17+$0x0], $0xffff;
	v31 =	vmul.f32 v55, v61;
	v18 =	vmul.f32 v18, v61;
	v13 =	vadd.f32 v48, v13  }
0xfc: {  	v44 =	vld.idx.msk [tilespmem:v34+s17+$0x0], $0xffff;
	v55 =	vor.u32 $0x18, v8;
	v12 =	vadd.f32 v15, v12;
	v11 =	vadd.f32 v17, v11  }
0xfd: {  	v33 =	vld.idx.msk [tilespmem:v58+s17+$0x0], $0xffff;
	v10 =	vadd.f32 v21, v10;
	v15 =	vmul.f32 v53, v57;
	v17 =	vmul.f32 v59, v61  }
0xfe: {  	v48 =	vor.u32 $0x17, v8;
	v23 =	vmul.f32 v40, v46;
	v53 =	vor.u32 $0x17, v5;
	v59 =	vld.idx.msk [tilespmem:v50+s17+$0x0], $0xffff  }
0xff: {  	v57 =	vor.u32 $0x18, v7;
	v50 =	vbroadcast v9, $0x9;
	v19 =	vmul.f32 v19, v61;
	v16 =	vld.idx.msk [tilespmem:v36+s17+$0x0], $0xffff  }
0x100: {  	v42 =	vmul.f32 v32, v37;
	v25 =	vld.idx.msk [tilespmem:v39+s17+$0x0], $0xfff;
	v61 =	vor.u32 $0x18, v5;
	v32 =	vor.u32 $0x19, v8  }
0x101: {  	v36 =	vor.u32 $0x19, v6;
	v13 =	vadd.f32 v20, v13;
	v12 =	vadd.f32 v22, v12;
	v51 =	vld.idx.msk [tilespmem:v43+s17+$0x0], $0xffff  }
0x102: {  	v39 =	vor.u32 $0x1A, v8;
	v11 =	vadd.f32 v14, v11;
	v10 =	vadd.f32 v15, v10;
	v22 =	vld.idx.msk [tilespmem:v47+s17+$0x0], $0xfff  }
0x103: {  	v14 =	vmul.f32 v33, v37;
	v33 =	vor.u32 $0x19, v7;
	v47 =	vor.u32 $0x1A, v5;
	v49 =	vld.idx.msk [tilespmem:v41+s17+$0x0], $0xffff  }
0x104: {  	v15 =	vmul.f32 v35, v37;
	v21 =	vmul.f32 v38, v37;
	v37 =	vld.idx.msk [tilespmem:v60+s17+$0x0], $0xffff;
	v38 =	vor.u32 $0x19, v5  }
0x105: {  	v41 =	vbroadcast v9, $0x8;
	v60 =	vld.idx.msk [tilespmem:v29+s17+$0x0], $0xffff;
	v13 =	vadd.f32 v31, v13;
	v12 =	vadd.f32 v17, v12  }
0x106: {  	v11 =	vadd.f32 v18, v11;
	v10 =	vadd.f32 v19, v10;
	v19 =	vld.idx.msk [tilespmem:v45+s17+$0x0], $0xffff;
	v18 =	vmul.f32 v44, v46  }
0x107: {  	v44 =	vor.u32 $0x1A, v6;
	v63 =	vld.idx.msk [tilespmem:v53+s17+$0x0], $0xfff;
	v40 =	vmul.f32 v59, v62;
	v53 =	vor.u32 $0x1B, v5  }
0x108: {  	v35 =	vld.idx.msk [tilespmem:v57+s17+$0x0], $0xffff;
	v57 =	vor.u32 $0x1C, v7;
	v13 =	vadd.f32 v42, v13;
	v12 =	vadd.f32 v14, v12  }
0x109: {  	v56 =	vld.idx.msk [tilespmem:v48+s17+$0x0], $0xffff;
	v59 =	vor.u32 $0x1C, v6;
	v11 =	vadd.f32 v15, v11;
	v10 =	vadd.f32 v21, v10  }
0x10a: {  	v16 =	vmul.f32 v16, v46;
	v17 =	vmul.f32 v25, v46;
	v15 =	vld.idx.msk [tilespmem:v52+s17+$0x0], $0xffff;
	v42 =	vor.u32 $0x1A, v7  }
0x10b: {  	v20 =	vld.idx.msk [tilespmem:v32+s17+$0x0], $0xffff;
	v14 =	vmul.f32 v51, v54;
	v21 =	vmul.f32 v22, v54;
	v51 =	vor.u32 $0x1B, v7  }
0x10c: {  	v43 =	vld.idx.msk [tilespmem:v33+s17+$0x0], $0xffff;
	v33 =	vor.u32 $0x1D, v8;
	v13 =	vadd.f32 v23, v13;
	v12 =	vadd.f32 v18, v12  }
0x10d: {  	v58 =	vmul.f32 v49, v54;
	v11 =	vadd.f32 v16, v11;
	v10 =	vadd.f32 v17, v10;
	v23 =	vld.idx.msk [tilespmem:v55+s17+$0x0], $0xffff  }
0x10e: {  	v16 =	vld.idx.msk [tilespmem:v61+s17+$0x0], $0xfff;
	v49 =	vor.u32 $0x1B, v8;
	v55 =	vor.u32 $0x1C, v8;
	v61 =	vor.u32 $0x1C, v5  }
0x10f: {  	v48 =	vld.idx.msk [tilespmem:v38+s17+$0x0], $0xfff;
	v38 =	vbroadcast v9, $0xB;
	v19 =	vmul.f32 v19, v54;
	v13 =	vadd.f32 v58, v13  }
0x110: {  	v46 =	vld.idx.msk [tilespmem:v36+s17+$0x0], $0xffff;
	v34 =	vmul.f32 v56, v62;
	v12 =	vadd.f32 v14, v12;
	v17 =	vmul.f32 v63, v62  }
0x111: {  	v52 =	vld.idx.msk [tilespmem:v44+s17+$0x0], $0xffff;
	v10 =	vadd.f32 v21, v10;
	v25 =	vmul.f32 v35, v41;
	v14 =	vmul.f32 v37, v41  }
0x112: {  	v54 =	vld.idx.msk [tilespmem:v47+s17+$0x0], $0xfff;
	v58 =	vbroadcast v9, $0xA;
	v35 =	vor.u32 $0x1D, v7;
	v37 =	vor.u32 $0x1D, v6  }
0x113: {  	v21 =	vld.idx.msk [tilespmem:v39+s17+$0x0], $0xffff;
	v11 =	vadd.f32 v19, v11;
	v15 =	vmul.f32 v15, v62;
	v20 =	vmul.f32 v20, v50  }
0x114: {  	v26 =	vld.idx.msk [tilespmem:v42+s17+$0x0], $0xffff;
	v42 =	vor.u32 $0x1E, v7;
	v7 =	vor.u32 $0x1F, v7;
	v13 =	vadd.f32 v34, v13  }
0x115: {  	v63 =	vld.idx.msk [tilespmem:v53+s17+$0x0], $0xfff;
	v12 =	vadd.f32 v40, v12;
	v10 =	vadd.f32 v17, v10;
	v18 =	vmul.f32 v43, v50  }
0x116: {  	v27 =	vld.idx.msk [tilespmem:v59+s17+$0x0], $0xffff;
	v40 =	vor.u32 $0x1E, v8;
	v8 =	vor.u32 $0x1F, v8;
	v45 =	vmul.f32 v23, v41  }
0x117: {  	v22 =	vld.idx.msk [tilespmem:v51+s17+$0x0], $0xffff;
	v11 =	vadd.f32 v15, v11;
	v16 =	vmul.f32 v16, v41;
	v23 =	vmul.f32 v46, v50  }
0x118: {  	v17 =	vld.idx.msk [tilespmem:v57+s17+$0x0], $0xffff;
	v15 =	vmul.f32 v48, v50;
	v46 =	vmul.f32 v60, v38;
	v48 =	vor.u32 $0x1E, v5  }
0x119: {  	v56 =	vld.idx.msk [tilespmem:v49+s17+$0x0], $0xffff;
	v49 =	vbroadcast v9, $0xC;
	v5 =	vor.u32 $0x1F, v5;
	v12 =	vadd.f32 v25, v12  }
0x11a: {  	v34 =	vld.idx.msk [tilespmem:v55+s17+$0x0], $0xffff;
	v24 =	vmul.f32 v52, v58;
	v13 =	vadd.f32 v45, v13;
	v11 =	vadd.f32 v14, v11  }
0x11b: {  	v39 =	vld.idx.msk [tilespmem:v61+s17+$0x0], $0xfff;
	v10 =	vadd.f32 v16, v10;
	v62 =	vmul.f32 v21, v58;
	v14 =	vmul.f32 v54, v58  }
0x11c: {  	v41 =	vld.idx.msk [tilespmem:v33+s17+$0x0], $0xffff;
	v45 =	vor.u32 $0x1E, v6;
	v51 =	vmul.f32 v63, v38;
	v53 =	vmul.f32 v27, v49  }
0x11d: {  	v50 =	vld.idx.msk [tilespmem:v30+s17+$0x0], $0xfff;
	v6 =	vor.u32 $0x1F, v6;
	v54 =	vbroadcast v9, $0xD;
	v36 =	vmul.f32 v26, v58  }
0x11e: {  	v44 =	vld.idx.msk [tilespmem:v35+s17+$0x0], $0xffff;
	v12 =	vadd.f32 v18, v12;
	v58 =	vbroadcast v9, $0xE;
	v9 =	vbroadcast v9, $0xF  }
0x11f: {  	v47 =	vld.idx.msk [tilespmem:v37+s17+$0x0], $0xffff;
	v13 =	vadd.f32 v20, v13;
	v11 =	vadd.f32 v23, v11;
	v43 =	vmul.f32 v22, v38  }
0x120: {  	v52 =	vld.idx.msk [tilespmem:v42+s17+$0x0], $0xffff;
	v10 =	vadd.f32 v15, v10;
	v17 =	vmul.f32 v17, v49;
	v16 =	vmul.f32 v56, v38  }
0x121: {  	v7 =	vld.idx.msk [tilespmem:v7+s17+$0x0], $0xffff;
	v12 =	vadd.f32 v36, v12;
	v15 =	vmul.f32 v34, v49;
	v56 =	vmul.f32 v41, v54  }
0x122: {  	v20 =	vld.idx.msk [tilespmem:v40+s17+$0x0], $0xffff;
	v60 =	vmul.f32 v50, v54;
	v13 =	vadd.f32 v62, v13;
	v11 =	vadd.f32 v24, v11  }
0x123: {  	v8 =	vld.idx.msk [tilespmem:v8+s17+$0x0], $0xffff;
	v10 =	vadd.f32 v14, v10;
	v14 =	vmul.f32 v39, v49;
	v12 =	vadd.f32 v43, v12  }
0x124: {  	v23 =	vld.idx.msk [tilespmem:v45+s17+$0x0], $0xffff;
	v57 =	vmul.f32 v44, v54;
	v13 =	vadd.f32 v16, v13;
	v11 =	vadd.f32 v46, v11  }
0x125: {  	v55 =	vld.idx.msk [tilespmem:v48+s17+$0x0], $0xfff;
	v59 =	vmul.f32 v47, v54;
	v10 =	vadd.f32 v51, v10;
	v12 =	vadd.f32 v17, v12  }
0x126: {  	v6 =	vld.idx.msk [tilespmem:v6+s17+$0x0], $0xffff;
	v62 =	vmul.f32 v52, v58;
	v7 =	vmul.f32 v7, v9;
	v13 =	vadd.f32 v15, v13  }
0x127: {  	v5 =	vld.idx.msk [tilespmem:v5+s17+$0x0], $0xfff;
	v61 =	vmul.f32 v20, v58;
	v11 =	vadd.f32 v53, v11;
	v12 =	vadd.f32 v57, v12  }
0x128: {  	v8 =	vmul.f32 v8, v9;
	v10 =	vadd.f32 v14, v10;
	v13 =	vadd.f32 v56, v13  }
0x129: {  	v11 =	vadd.f32 v59, v11;
	v63 =	vmul.f32 v23, v58;
	v12 =	vadd.f32 v62, v12  }
0x12a: {  	v15 =	vmul.f32 v55, v58;
	v10 =	vadd.f32 v60, v10;
	v13 =	vadd.f32 v61, v13  }
0x12b: {  	p1 =	sne.s32 s15, $0x744;
	v6 =	vmul.f32 v6, v9;
	v11 =	vadd.f32 v63, v11;
	v7 =	vadd.f32 v7, v12  }
.Ltmp1:
0x12c: {  	v5 =	vmul.f32 v5, v9;
	v10 =	vadd.f32 v15, v10;
	v8 =	vadd.f32 v8, v13;
	(pc) =	sbr.rel @p1 .LBB2_5-.Ltmp1, $4  }
0x12d: {  	v6 =	vadd.f32 v6, v11;
	[tilespmem:s18+$0xFFFFFFF0] =	vst v7  }
0x12e: {  	v5 =	vadd.f32 v5, v10;
	[tilespmem:s18+$0xFFFFFFE0] =	vst v8  }
0x12f: {  	[tilespmem:s18+$0x0] =	vst v6  }
0x130: {  	s15 =	sadd.s32 $0x3C, s15;
	s2 =	sadd.s32 $0x20, s2;
	[tilespmem:s18+$0x10] =	vst v5;
	s18 =	sadd.s32 $0x40, s18  }
0x131: {  	s2 =	sshll.u32 s0, $0x8;
	s0 =	sadd.s32 $0x1, s0  }
0x132: {  	p1 =	sne.s32 s0, $0x10  }
.Ltmp2:
0x133: {  	s2 =	sadd.s32 s2, s10;
	(pc) =	sbr.rel @p1 .LBB2_2-.Ltmp2, $4  }
0x134: {  	[hbm4b:s2+s3] =	stream.linear.scatter [tilespmem:s30], [sflag:$0x3], $0x800, $0x38;
	[tilespmem:$0x1FF40] =	vst v63  }
0x135: {  	_ =	swait.ge [sflag:s12], $0x800  }
0x136: {  	[sflag:s12] =	ssyncset.done $0x0  }
0x137: {  	p0 =	por !p0, !p0;
	[sflag:s12] =	ssyncadd.s32 $0xFFFFF800  }
0x138: {  	s31 =	sadd.s32 $0x1, s31  }
0x139: {  	p0 =	sne.s32 s31, s11  }
.Ltmp3:
0x13a: {  	_ = 	snop;
	(pc) =	sbr.rel @p0 .LBB2_1-.Ltmp3, $1  }
0x13b: {  	_ =	sdelay $0x3  }
0x13c: {  	_ =	sfence.sel $0x180000  }
0x13d: {  	[bflag:$0x0] =	sbarrier.arrive $0xFFFF  }
0x13e: {  	_ =	strace $0x90000047  }
0x13f: {  	s0 =	stileid.u32;
	[bflag:$0x2] =	sbarrier.arrive $0xFFFF  }
0x140: {  	p0 =	sne.s32 s0, $0x0;
	s0 =	rddreg [dreg:$0x2]  }
0x141: {  	s0 =	sadd.s32 @!p0 $0x100000, s0  }
0x142: {  	[sflag:s0] =	ssyncadd.tile.s32 @!p0 $0x1;
	_ =	shalt  }
.Lfunc_end2:
_tile_overlayer_lowered:
.L_overlay_start_2:
0x143: {  	(tag) =	ssettag $0x2  }
0x144: {  	s0 =	rddreg [dreg:$0x0];
	s2 =	stileid.u32  }
0x145: {  	s1 =	rddreg [dreg:$0x1];
	p0 =	sne.s32 s2, $0x0  }
0x146: {  	s3 =	rddreg [dreg:$0x2];
	[bflag:$0x3] =	sbarrier.arrive $0xFFFF;
	s2 =	simm.s32 @!p0 $0x1C03  }
0x147: {  	[timem:s3], [sflag:s2] =	dma.local @!p0 [hbm:s0], s1  }
0x148: {  	s0 =	simm.s32 @!p0 $0x3  }
0x149: {  	_ =	swait.ge @!p0 [sflag:s0], s1  }
0x14a: {  	s1 =	ssub.s32 @!p0 $0x0, s1;
	[sflag:s0] =	ssyncset.done @!p0 $0x0  }
0x14b: {  	[sflag:s0] =	ssyncadd.s32 @!p0 s1  }
0x14c: {  	[bflag:$0x3] =	sbarrier.arrive $0xFFFF  }
0x14d: {  	_ =	shalt  }

</sc_bundles>
